<compile_context>
chip_gen: v7x
topology: tpu7x:2x2x1
jax: 0.10.2.dev20260603
libtpu: 0.0.44.dev20260713+nightly
codegen_flags: <defaults>
</compile_context>

<pallas_src>
import functools

import jax
import jax.numpy as jnp
from jax import lax
from jax.experimental import pallas as pl
from jax.experimental.pallas import tpu as pltpu
from jax.experimental.pallas import tpu_sc as plsc

N_USERS = 1000000
N_ITEMS = 1000000
FACTORS = 16
BATCH = 16384

NC = 2
NS = 16
L = 16
NW = NC * NS
BPW = BATCH // NW
CHUNK = 256

_mesh = plsc.VectorSubcoreMesh(core_axis_name="c", subcore_axis_name="s")


@functools.partial(
    pl.kernel,
    out_type=jax.ShapeDtypeStruct((BATCH,), jnp.float32),
    mesh=_mesh,
    scratch_types=[
        pltpu.VMEM((BPW,), jnp.int32),
        pltpu.VMEM((BPW,), jnp.int32),
        pltpu.VMEM((CHUNK, FACTORS), jnp.float32),
        pltpu.VMEM((CHUNK, FACTORS), jnp.float32),
        pltpu.VMEM((BPW,), jnp.float32),
        pltpu.SemaphoreType.DMA,
    ],
    compiler_params=pltpu.CompilerParams(needs_layout_passes=False),
)
def _sc_dot(u_hbm, i_hbm, ut_hbm, it_hbm, out_hbm,
            uidx_v, iidx_v, urows_v, irows_v, out_v, sem):
    wid = lax.axis_index("s") * NC + lax.axis_index("c")
    base = wid * BPW

    pltpu.sync_copy(u_hbm.at[pl.ds(base, BPW)], uidx_v)
    pltpu.sync_copy(i_hbm.at[pl.ds(base, BPW)], iidx_v)

    for c in range(BPW // CHUNK):
        coff = c * CHUNK

        def fire(g, carry):
            k0 = g * L
            uvec = uidx_v[pl.ds(coff + k0, L)]
            ivec = iidx_v[pl.ds(coff + k0, L)]
            for t in range(L):
                pltpu.async_copy(ut_hbm.at[uvec[t]], urows_v.at[k0 + t], sem)
                pltpu.async_copy(it_hbm.at[ivec[t]], irows_v.at[k0 + t], sem)
            return carry

        lax.fori_loop(0, CHUNK // L, fire, 0)

        pltpu.make_async_copy(ut_hbm.at[pl.ds(0, CHUNK)], urows_v, sem).wait()
        pltpu.make_async_copy(ut_hbm.at[pl.ds(0, CHUNK)], irows_v, sem).wait()

        def group(j, carry):
            rows = j * L + lax.iota(jnp.int32, L)
            acc = jnp.zeros((L,), jnp.float32)
            for f in range(FACTORS):
                col = jnp.full((L,), f, jnp.int32)
                uv = plsc.load_gather(urows_v, [rows, col])
                iv = plsc.load_gather(irows_v, [rows, col])
                acc = acc + uv * iv
            out_v[pl.ds(coff + j * L, L)] = acc
            return carry

        lax.fori_loop(0, CHUNK // L, group, 0)

    pltpu.sync_copy(out_v, out_hbm.at[pl.ds(base, BPW)])


def kernel(u, i, user_table, item_table):
    out = _sc_dot(u, i, user_table, item_table)
    return out.reshape(BATCH, 1, 1)

# --- scband reference (transcript-rebuilt; emitter-appended) ---
"""Pipeline reference for scband-simple-cf-16423954940291 (READ-ONLY COPY).

The authoritative reference and input builder live on the scoring server;
editing this copy changes nothing except your own understanding.
"""

import jax, jax.numpy as jnp
import numpy as np

N_USERS = 1000000
N_ITEMS = 1000000
FACTORS = 16
BATCH = 16384


def setup_inputs(seed: int = 0) -> dict:
    key = jax.random.key(seed)
    k_u, k_i, k_uw, k_iw = jax.random.split(key, 4)
    u = jax.random.randint(k_u, (BATCH,), 0, N_USERS, dtype=jnp.int64 if jax.config.jax_enable_x64 else jnp.int32).astype(jnp.int32)
    i = jax.random.randint(k_i, (BATCH,), 0, N_ITEMS, dtype=jnp.int64 if jax.config.jax_enable_x64 else jnp.int32).astype(jnp.int32)
    # nn.Embedding weights initialized with nn.init.normal_ (std=1.0 default)
    user_table = jax.random.normal(k_uw, (N_USERS, FACTORS), dtype=jnp.float32)
    item_table = jax.random.normal(k_iw, (N_ITEMS, FACTORS), dtype=jnp.float32)
    return {"u": u, "i": i, "user_table": user_table, "item_table": item_table}


def reference(u, i, user_table, item_table):
    # user_embeddings(u) -> [B, F], then unsqueeze to [B, 1, F]
    user_embedding = jnp.take(user_table, u, axis=0)[:, None, :]
    item_embedding = jnp.take(item_table, i, axis=0)[:, None, :]
    # matmul([B,1,F], [B,F,1]) -> [B,1,1]
    rating = jnp.matmul(user_embedding, jnp.swapaxes(item_embedding, 1, 2))
    # binary=False, so no sigmoid
    return rating

if __name__ == "__main__":
    import jax
    _d = setup_inputs()
    print(jax.jit(kernel)(*tuple(_d.values())))

</pallas_src>

<mosaic_0001>
#map = affine_map<(d0, d1) -> (0)>
#map1 = affine_map<(d0, d1) -> (0, 0)>
module attributes {stable_mosaic.version = 14 : i64} {
  func.func @_sc_dot(%arg0: i32, %arg1: i32, %arg2: memref<16384xi32, #tpu.memory_space<hbm>>, %arg3: memref<16384xi32, #tpu.memory_space<hbm>>, %arg4: memref<1000000x16xf32, #tpu.memory_space<hbm>>, %arg5: memref<1000000x16xf32, #tpu.memory_space<hbm>>, %arg6: memref<16384xf32, #tpu.memory_space<hbm>>, %arg7: memref<512xi32, #tpu.memory_space<vmem>>, %arg8: memref<512xi32, #tpu.memory_space<vmem>>, %arg9: memref<256x16xf32, #tpu.memory_space<vmem>>, %arg10: memref<256x16xf32, #tpu.memory_space<vmem>>, %arg11: memref<512xf32, #tpu.memory_space<vmem>>, %arg12: memref<!tpu.dma_semaphore, #tpu.memory_space<semaphore_mem>>) attributes {dimension_semantics = [#tpu.dimension_semantics<core_parallel>, #tpu.dimension_semantics<subcore_parallel>], iteration_bounds = array<i64: 2, 16>, scalar_prefetch = 0 : i64, scratch_operands = 6 : i64, tpu.core_type = #tpu.core_type<sc_vector_subcore>, window_params = [{transform_indices = #map}, {transform_indices = #map}, {transform_indices = #map1}, {transform_indices = #map1}, {transform_indices = #map}]} {
    %mul3A = arith.constant 2 : i32
    %mul3A_0 = arith.muli %arg1, %mul3A : i32
    %add3A = arith.addi %mul3A_0, %arg0 : i32
    %mul3A_1 = arith.constant 512 : i32
    %mul3A_2 = arith.muli %add3A, %mul3A_1 : i32
    "tpu.region"() ({
      %run_scoped3A = tpu.sem_alloc : memref<!tpu.dma_semaphore, #tpu.memory_space<semaphore_mem>>
      %dma_start3A = tpu.memref_slice %arg2[%mul3A_2] : memref<16384xi32, #tpu.memory_space<hbm>> -> memref<512xi32, #tpu.memory_space<hbm>>
      %dma_start3A_49 = tpu.memref_slice %arg2[%mul3A_2] : memref<16384xi32, #tpu.memory_space<hbm>> -> memref<512xi32, #tpu.memory_space<hbm>>
      tpu.enqueue_dma source(%dma_start3A_49 : memref<512xi32, #tpu.memory_space<hbm>>) target(%arg7 : memref<512xi32, #tpu.memory_space<vmem>>) target_semaphore(%run_scoped3A : memref<!tpu.dma_semaphore, #tpu.memory_space<semaphore_mem>>)
      %dma_wait3A_50 = tpu.memref_slice %arg2[%mul3A_2] : memref<16384xi32, #tpu.memory_space<hbm>> -> memref<512xi32, #tpu.memory_space<hbm>>
      %dma_wait3A_51 = tpu.memref_slice %arg2[%mul3A_2] : memref<16384xi32, #tpu.memory_space<hbm>> -> memref<512xi32, #tpu.memory_space<hbm>>
      tpu.wait_dma2 semaphore(%run_scoped3A : memref<!tpu.dma_semaphore, #tpu.memory_space<semaphore_mem>>) src(%dma_wait3A_51 : memref<512xi32, #tpu.memory_space<hbm>>) dst(%arg7 : memref<512xi32, #tpu.memory_space<vmem>>)
      tpu.yield
    }) : () -> ()
    "tpu.region"() ({
      %run_scoped3A = tpu.sem_alloc : memref<!tpu.dma_semaphore, #tpu.memory_space<semaphore_mem>>
      %dma_start3A = tpu.memref_slice %arg3[%mul3A_2] : memref<16384xi32, #tpu.memory_space<hbm>> -> memref<512xi32, #tpu.memory_space<hbm>>
      %dma_start3A_49 = tpu.memref_slice %arg3[%mul3A_2] : memref<16384xi32, #tpu.memory_space<hbm>> -> memref<512xi32, #tpu.memory_space<hbm>>
      tpu.enqueue_dma source(%dma_start3A_49 : memref<512xi32, #tpu.memory_space<hbm>>) target(%arg8 : memref<512xi32, #tpu.memory_space<vmem>>) target_semaphore(%run_scoped3A : memref<!tpu.dma_semaphore, #tpu.memory_space<semaphore_mem>>)
      %dma_wait3A_50 = tpu.memref_slice %arg3[%mul3A_2] : memref<16384xi32, #tpu.memory_space<hbm>> -> memref<512xi32, #tpu.memory_space<hbm>>
      %dma_wait3A_51 = tpu.memref_slice %arg3[%mul3A_2] : memref<16384xi32, #tpu.memory_space<hbm>> -> memref<512xi32, #tpu.memory_space<hbm>>
      tpu.wait_dma2 semaphore(%run_scoped3A : memref<!tpu.dma_semaphore, #tpu.memory_space<semaphore_mem>>) src(%dma_wait3A_51 : memref<512xi32, #tpu.memory_space<hbm>>) dst(%arg8 : memref<512xi32, #tpu.memory_space<vmem>>)
      tpu.yield
    }) : () -> ()
    %scan3A = arith.constant 0 : i32
    %scan3A_3 = arith.constant 0 : i32
    %scan3A_4 = arith.constant 16 : i32
    %scan3A_5 = arith.addi %scan3A_3, %scan3A_4 : i32
    %scan3A_6 = arith.constant 1 : i32
    scf.for %scan3A_49 = %scan3A_3 to %scan3A_5 step %scan3A_6  : i32 {
      %mul3A_50 = arith.constant 16 : i32
      %mul3A_51 = arith.muli %scan3A_49, %mul3A_50 : i32
      %add3A_52 = arith.constant 0 : i32
      %add3A_53 = arith.addi %add3A_52, %mul3A_51 : i32
      %get3A = arith.index_cast %add3A_53 : i32 to index
      %get3A_54 = tpu.vector_load %arg7[%get3A] {strides = array<i32>} : memref<512xi32, #tpu.memory_space<vmem>>, vector<16xi32>,
      %add3A_55 = arith.constant 0 : i32
      %add3A_56 = arith.addi %add3A_55, %mul3A_51 : i32
      %get3A_57 = arith.index_cast %add3A_56 : i32 to index
      %get3A_58 = tpu.vector_load %arg8[%get3A_57] {strides = array<i32>} : memref<512xi32, #tpu.memory_space<vmem>>, vector<16xi32>,
      %slice3A = vector.extract_strided_slice %get3A_54 {offsets = [0], sizes = [1], strides = [1]} : vector<16xi32> to vector<1xi32>
      %squeeze3A = vector.extract %slice3A[0] : i32 from vector<1xi32>
      %add3A_59 = arith.constant 0 : i32
      %add3A_60 = arith.addi %mul3A_51, %add3A_59 : i32
      %dma_start3A = arith.constant 0 : i32
      %dma_start3A_61 = tpu.memref_slice %arg9[%add3A_60, %dma_start3A] : memref<256x16xf32, #tpu.memory_space<vmem>> -> memref<1x16xf32, #tpu.memory_space<vmem>>
      %dma_start3A_62 = tpu.memref_squeeze %dma_start3A_61 : memref<1x16xf32, #tpu.memory_space<vmem>> -> memref<16xf32, #tpu.memory_space<vmem>>
      %dma_start3A_63 = arith.constant 0 : i32
      %dma_start3A_64 = tpu.memref_slice %arg4[%squeeze3A, %dma_start3A_63] : memref<1000000x16xf32, #tpu.memory_space<hbm>> -> memref<1x16xf32, #tpu.memory_space<hbm>>
      %dma_start3A_65 = tpu.memref_squeeze %dma_start3A_64 : memref<1x16xf32, #tpu.memory_space<hbm>> -> memref<16xf32, #tpu.memory_space<hbm>>
      %dma_start3A_66 = arith.constant 0 : i32
      %dma_start3A_67 = tpu.memref_slice %arg9[%add3A_60, %dma_start3A_66] : memref<256x16xf32, #tpu.memory_space<vmem>> -> memref<1x16xf32, #tpu.memory_space<vmem>>
      %dma_start3A_68 = tpu.memref_squeeze %dma_start3A_67 : memref<1x16xf32, #tpu.memory_space<vmem>> -> memref<16xf32, #tpu.memory_space<vmem>>
      %dma_start3A_69 = arith.constant 0 : i32
      %dma_start3A_70 = tpu.memref_slice %arg4[%squeeze3A, %dma_start3A_69] : memref<1000000x16xf32, #tpu.memory_space<hbm>> -> memref<1x16xf32, #tpu.memory_space<hbm>>
      %dma_start3A_71 = tpu.memref_squeeze %dma_start3A_70 : memref<1x16xf32, #tpu.memory_space<hbm>> -> memref<16xf32, #tpu.memory_space<hbm>>
      tpu.enqueue_dma source(%dma_start3A_71 : memref<16xf32, #tpu.memory_space<hbm>>) target(%dma_start3A_68 : memref<16xf32, #tpu.memory_space<vmem>>) target_semaphore(%arg12 : memref<!tpu.dma_semaphore, #tpu.memory_space<semaphore_mem>>)
      %slice3A_72 = vector.extract_strided_slice %get3A_58 {offsets = [0], sizes = [1], strides = [1]} : vector<16xi32> to vector<1xi32>
      %squeeze3A_73 = vector.extract %slice3A_72[0] : i32 from vector<1xi32>
      %add3A_74 = arith.constant 0 : i32
      %add3A_75 = arith.addi %mul3A_51, %add3A_74 : i32
      %dma_start3A_76 = arith.constant 0 : i32
      %dma_start3A_77 = tpu.memref_slice %arg10[%add3A_75, %dma_start3A_76] : memref<256x16xf32, #tpu.memory_space<vmem>> -> memref<1x16xf32, #tpu.memory_space<vmem>>
      %dma_start3A_78 = tpu.memref_squeeze %dma_start3A_77 : memref<1x16xf32, #tpu.memory_space<vmem>> -> memref<16xf32, #tpu.memory_space<vmem>>
      %dma_start3A_79 = arith.constant 0 : i32
      %dma_start3A_80 = tpu.memref_slice %arg5[%squeeze3A_73, %dma_start3A_79] : memref<1000000x16xf32, #tpu.memory_space<hbm>> -> memref<1x16xf32, #tpu.memory_space<hbm>>
      %dma_start3A_81 = tpu.memref_squeeze %dma_start3A_80 : memref<1x16xf32, #tpu.memory_space<hbm>> -> memref<16xf32, #tpu.memory_space<hbm>>
      %dma_start3A_82 = arith.constant 0 : i32
      %dma_start3A_83 = tpu.memref_slice %arg10[%add3A_75, %dma_start3A_82] : memref<256x16xf32, #tpu.memory_space<vmem>> -> memref<1x16xf32, #tpu.memory_space<vmem>>
      %dma_start3A_84 = tpu.memref_squeeze %dma_start3A_83 : memref<1x16xf32, #tpu.memory_space<vmem>> -> memref<16xf32, #tpu.memory_space<vmem>>
      %dma_start3A_85 = arith.constant 0 : i32
      %dma_start3A_86 = tpu.memref_slice %arg5[%squeeze3A_73, %dma_start3A_85] : memref<1000000x16xf32, #tpu.memory_space<hbm>> -> memref<1x16xf32, #tpu.memory_space<hbm>>
      %dma_start3A_87 = tpu.memref_squeeze %dma_start3A_86 : memref<1x16xf32, #tpu.memory_space<hbm>> -> memref<16xf32, #tpu.memory_space<hbm>>
      tpu.enqueue_dma source(%dma_start3A_87 : memref<16xf32, #tpu.memory_space<hbm>>) target(%dma_start3A_84 : memref<16xf32, #tpu.memory_space<vmem>>) target_semaphore(%arg12 : memref<!tpu.dma_semaphore, #tpu.memory_space<semaphore_mem>>)
      %slice3A_88 = vector.extract_strided_slice %get3A_54 {offsets = [1], sizes = [1], strides = [1]} : vector<16xi32> to vector<1xi32>
      %squeeze3A_89 = vector.extract %slice3A_88[0] : i32 from vector<1xi32>
      %add3A_90 = arith.constant 1 : i32
      %add3A_91 = arith.addi %mul3A_51, %add3A_90 : i32
      %dma_start3A_92 = arith.constant 0 : i32
      %dma_start3A_93 = tpu.memref_slice %arg9[%add3A_91, %dma_start3A_92] : memref<256x16xf32, #tpu.memory_space<vmem>> -> memref<1x16xf32, #tpu.memory_space<vmem>>
      %dma_start3A_94 = tpu.memref_squeeze %dma_start3A_93 : memref<1x16xf32, #tpu.memory_space<vmem>> -> memref<16xf32, #tpu.memory_space<vmem>>
      %dma_start3A_95 = arith.constant 0 : i32
      %dma_start3A_96 = tpu.memref_slice %arg4[%squeeze3A_89, %dma_start3A_95] : memref<1000000x16xf32, #tpu.memory_space<hbm>> -> memref<1x16xf32, #tpu.memory_space<hbm>>
      %dma_start3A_97 = tpu.memref_squeeze %dma_start3A_96 : memref<1x16xf32, #tpu.memory_space<hbm>> -> memref<16xf32, #tpu.memory_space<hbm>>
      %dma_start3A_98 = arith.constant 0 : i32
      %dma_start3A_99 = tpu.memref_slice %arg9[%add3A_91, %dma_start3A_98] : memref<256x16xf32, #tpu.memory_space<vmem>> -> memref<1x16xf32, #tpu.memory_space<vmem>>
      %dma_start3A_100 = tpu.memref_squeeze %dma_start3A_99 : memref<1x16xf32, #tpu.memory_space<vmem>> -> memref<16xf32, #tpu.memory_space<vmem>>
      %dma_start3A_101 = arith.constant 0 : i32
      %dma_start3A_102 = tpu.memref_slice %arg4[%squeeze3A_89, %dma_start3A_101] : memref<1000000x16xf32, #tpu.memory_space<hbm>> -> memref<1x16xf32, #tpu.memory_space<hbm>>
      %dma_start3A_103 = tpu.memref_squeeze %dma_start3A_102 : memref<1x16xf32, #tpu.memory_space<hbm>> -> memref<16xf32, #tpu.memory_space<hbm>>
      tpu.enqueue_dma source(%dma_start3A_103 : memref<16xf32, #tpu.memory_space<hbm>>) target(%dma_start3A_100 : memref<16xf32, #tpu.memory_space<vmem>>) target_semaphore(%arg12 : memref<!tpu.dma_semaphore, #tpu.memory_space<semaphore_mem>>)
      %slice3A_104 = vector.extract_strided_slice %get3A_58 {offsets = [1], sizes = [1], strides = [1]} : vector<16xi32> to vector<1xi32>
      %squeeze3A_105 = vector.extract %slice3A_104[0] : i32 from vector<1xi32>
      %add3A_106 = arith.constant 1 : i32
      %add3A_107 = arith.addi %mul3A_51, %add3A_106 : i32
      %dma_start3A_108 = arith.constant 0 : i32
      %dma_start3A_109 = tpu.memref_slice %arg10[%add3A_107, %dma_start3A_108] : memref<256x16xf32, #tpu.memory_space<vmem>> -> memref<1x16xf32, #tpu.memory_space<vmem>>
      %dma_start3A_110 = tpu.memref_squeeze %dma_start3A_109 : memref<1x16xf32, #tpu.memory_space<vmem>> -> memref<16xf32, #tpu.memory_space<vmem>>
      %dma_start3A_111 = arith.constant 0 : i32
      %dma_start3A_112 = tpu.memref_slice %arg5[%squeeze3A_105, %dma_start3A_111] : memref<1000000x16xf32, #tpu.memory_space<hbm>> -> memref<1x16xf32, #tpu.memory_space<hbm>>
      %dma_start3A_113 = tpu.memref_squeeze %dma_start3A_112 : memref<1x16xf32, #tpu.memory_space<hbm>> -> memref<16xf32, #tpu.memory_space<hbm>>
      %dma_start3A_114 = arith.constant 0 : i32
      %dma_start3A_115 = tpu.memref_slice %arg10[%add3A_107, %dma_start3A_114] : memref<256x16xf32, #tpu.memory_space<vmem>> -> memref<1x16xf32, #tpu.memory_space<vmem>>
      %dma_start3A_116 = tpu.memref_squeeze %dma_start3A_115 : memref<1x16xf32, #tpu.memory_space<vmem>> -> memref<16xf32, #tpu.memory_space<vmem>>
      %dma_start3A_117 = arith.constant 0 : i32
      %dma_start3A_118 = tpu.memref_slice %arg5[%squeeze3A_105, %dma_start3A_117] : memref<1000000x16xf32, #tpu.memory_space<hbm>> -> memref<1x16xf32, #tpu.memory_space<hbm>>
      %dma_start3A_119 = tpu.memref_squeeze %dma_start3A_118 : memref<1x16xf32, #tpu.memory_space<hbm>> -> memref<16xf32, #tpu.memory_space<hbm>>
      tpu.enqueue_dma source(%dma_start3A_119 : memref<16xf32, #tpu.memory_space<hbm>>) target(%dma_start3A_116 : memref<16xf32, #tpu.memory_space<vmem>>) target_semaphore(%arg12 : memref<!tpu.dma_semaphore, #tpu.memory_space<semaphore_mem>>)
      %slice3A_120 = vector.extract_strided_slice %get3A_54 {offsets = [2], sizes = [1], strides = [1]} : vector<16xi32> to vector<1xi32>
      %squeeze3A_121 = vector.extract %slice3A_120[0] : i32 from vector<1xi32>
      %add3A_122 = arith.constant 2 : i32
      %add3A_123 = arith.addi %mul3A_51, %add3A_122 : i32
      %dma_start3A_124 = arith.constant 0 : i32
      %dma_start3A_125 = tpu.memref_slice %arg9[%add3A_123, %dma_start3A_124] : memref<256x16xf32, #tpu.memory_space<vmem>> -> memref<1x16xf32, #tpu.memory_space<vmem>>
      %dma_start3A_126 = tpu.memref_squeeze %dma_start3A_125 : memref<1x16xf32, #tpu.memory_space<vmem>> -> memref<16xf32, #tpu.memory_space<vmem>>
      %dma_start3A_127 = arith.constant 0 : i32
      %dma_start3A_128 = tpu.memref_slice %arg4[%squeeze3A_121, %dma_start3A_127] : memref<1000000x16xf32, #tpu.memory_space<hbm>> -> memref<1x16xf32, #tpu.memory_space<hbm>>
      %dma_start3A_129 = tpu.memref_squeeze %dma_start3A_128 : memref<1x16xf32, #tpu.memory_space<hbm>> -> memref<16xf32, #tpu.memory_space<hbm>>
      %dma_start3A_130 = arith.constant 0 : i32
      %dma_start3A_131 = tpu.memref_slice %arg9[%add3A_123, %dma_start3A_130] : memref<256x16xf32, #tpu.memory_space<vmem>> -> memref<1x16xf32, #tpu.memory_space<vmem>>
      %dma_start3A_132 = tpu.memref_squeeze %dma_start3A_131 : memref<1x16xf32, #tpu.memory_space<vmem>> -> memref<16xf32, #tpu.memory_space<vmem>>
      %dma_start3A_133 = arith.constant 0 : i32
      %dma_start3A_134 = tpu.memref_slice %arg4[%squeeze3A_121, %dma_start3A_133] : memref<1000000x16xf32, #tpu.memory_space<hbm>> -> memref<1x16xf32, #tpu.memory_space<hbm>>
      %dma_start3A_135 = tpu.memref_squeeze %dma_start3A_134 : memref<1x16xf32, #tpu.memory_space<hbm>> -> memref<16xf32, #tpu.memory_space<hbm>>
      tpu.enqueue_dma source(%dma_start3A_135 : memref<16xf32, #tpu.memory_space<hbm>>) target(%dma_start3A_132 : memref<16xf32, #tpu.memory_space<vmem>>) target_semaphore(%arg12 : memref<!tpu.dma_semaphore, #tpu.memory_space<semaphore_mem>>)
      %slice3A_136 = vector.extract_strided_slice %get3A_58 {offsets = [2], sizes = [1], strides = [1]} : vector<16xi32> to vector<1xi32>
      %squeeze3A_137 = vector.extract %slice3A_136[0] : i32 from vector<1xi32>
      %add3A_138 = arith.constant 2 : i32
      %add3A_139 = arith.addi %mul3A_51, %add3A_138 : i32
      %dma_start3A_140 = arith.constant 0 : i32
      %dma_start3A_141 = tpu.memref_slice %arg10[%add3A_139, %dma_start3A_140] : memref<256x16xf32, #tpu.memory_space<vmem>> -> memref<1x16xf32, #tpu.memory_space<vmem>>
      %dma_start3A_142 = tpu.memref_squeeze %dma_start3A_141 : memref<1x16xf32, #tpu.memory_space<vmem>> -> memref<16xf32, #tpu.memory_space<vmem>>
      %dma_start3A_143 = arith.constant 0 : i32
      %dma_start3A_144 = tpu.memref_slice %arg5[%squeeze3A_137, %dma_start3A_143] : memref<1000000x16xf32, #tpu.memory_space<hbm>> -> memref<1x16xf32, #tpu.memory_space<hbm>>
      %dma_start3A_145 = tpu.memref_squeeze %dma_start3A_144 : memref<1x16xf32, #tpu.memory_space<hbm>> -> memref<16xf32, #tpu.memory_space<hbm>>
      %dma_start3A_146 = arith.constant 0 : i32
      %dma_start3A_147 = tpu.memref_slice %arg10[%add3A_139, %dma_start3A_146] : memref<256x16xf32, #tpu.memory_space<vmem>> -> memref<1x16xf32, #tpu.memory_space<vmem>>
      %dma_start3A_148 = tpu.memref_squeeze %dma_start3A_147 : memref<1x16xf32, #tpu.memory_space<vmem>> -> memref<16xf32, #tpu.memory_space<vmem>>
      %dma_start3A_149 = arith.constant 0 : i32
      %dma_start3A_150 = tpu.memref_slice %arg5[%squeeze3A_137, %dma_start3A_149] : memref<1000000x16xf32, #tpu.memory_space<hbm>> -> memref<1x16xf32, #tpu.memory_space<hbm>>
      %dma_start3A_151 = tpu.memref_squeeze %dma_start3A_150 : memref<1x16xf32, #tpu.memory_space<hbm>> -> memref<16xf32, #tpu.memory_space<hbm>>
      tpu.enqueue_dma source(%dma_start3A_151 : memref<16xf32, #tpu.memory_space<hbm>>) target(%dma_start3A_148 : memref<16xf32, #tpu.memory_space<vmem>>) target_semaphore(%arg12 : memref<!tpu.dma_semaphore, #tpu.memory_space<semaphore_mem>>)
      %slice3A_152 = vector.extract_strided_slice %get3A_54 {offsets = [3], sizes = [1], strides = [1]} : vector<16xi32> to vector<1xi32>
      %squeeze3A_153 = vector.extract %slice3A_152[0] : i32 from vector<1xi32>
      %add3A_154 = arith.constant 3 : i32
      %add3A_155 = arith.addi %mul3A_51, %add3A_154 : i32
      %dma_start3A_156 = arith.constant 0 : i32
      %dma_start3A_157 = tpu.memref_slice %arg9[%add3A_155, %dma_start3A_156] : memref<256x16xf32, #tpu.memory_space<vmem>> -> memref<1x16xf32, #tpu.memory_space<vmem>>
      %dma_start3A_158 = tpu.memref_squeeze %dma_start3A_157 : memref<1x16xf32, #tpu.memory_space<vmem>> -> memref<16xf32, #tpu.memory_space<vmem>>
      %dma_start3A_159 = arith.constant 0 : i32
      %dma_start3A_160 = tpu.memref_slice %arg4[%squeeze3A_153, %dma_start3A_159] : memref<1000000x16xf32, #tpu.memory_space<hbm>> -> memref<1x16xf32, #tpu.memory_space<hbm>>
      %dma_start3A_161 = tpu.memref_squeeze %dma_start3A_160 : memref<1x16xf32, #tpu.memory_space<hbm>> -> memref<16xf32, #tpu.memory_space<hbm>>
      %dma_start3A_162 = arith.constant 0 : i32
      %dma_start3A_163 = tpu.memref_slice %arg9[%add3A_155, %dma_start3A_162] : memref<256x16xf32, #tpu.memory_space<vmem>> -> memref<1x16xf32, #tpu.memory_space<vmem>>
      %dma_start3A_164 = tpu.memref_squeeze %dma_start3A_163 : memref<1x16xf32, #tpu.memory_space<vmem>> -> memref<16xf32, #tpu.memory_space<vmem>>
      %dma_start3A_165 = arith.constant 0 : i32
      %dma_start3A_166 = tpu.memref_slice %arg4[%squeeze3A_153, %dma_start3A_165] : memref<1000000x16xf32, #tpu.memory_space<hbm>> -> memref<1x16xf32, #tpu.memory_space<hbm>>
      %dma_start3A_167 = tpu.memref_squeeze %dma_start3A_166 : memref<1x16xf32, #tpu.memory_space<hbm>> -> memref<16xf32, #tpu.memory_space<hbm>>
      tpu.enqueue_dma source(%dma_start3A_167 : memref<16xf32, #tpu.memory_space<hbm>>) target(%dma_start3A_164 : memref<16xf32, #tpu.memory_space<vmem>>) target_semaphore(%arg12 : memref<!tpu.dma_semaphore, #tpu.memory_space<semaphore_mem>>)
      %slice3A_168 = vector.extract_strided_slice %get3A_58 {offsets = [3], sizes = [1], strides = [1]} : vector<16xi32> to vector<1xi32>
      %squeeze3A_169 = vector.extract %slice3A_168[0] : i32 from vector<1xi32>
      %add3A_170 = arith.constant 3 : i32
      %add3A_171 = arith.addi %mul3A_51, %add3A_170 : i32
      %dma_start3A_172 = arith.constant 0 : i32
      %dma_start3A_173 = tpu.memref_slice %arg10[%add3A_171, %dma_start3A_172] : memref<256x16xf32, #tpu.memory_space<vmem>> -> memref<1x16xf32, #tpu.memory_space<vmem>>
      %dma_start3A_174 = tpu.memref_squeeze %dma_start3A_173 : memref<1x16xf32, #tpu.memory_space<vmem>> -> memref<16xf32, #tpu.memory_space<vmem>>
      %dma_start3A_175 = arith.constant 0 : i32
      %dma_start3A_176 = tpu.memref_slice %arg5[%squeeze3A_169, %dma_start3A_175] : memref<1000000x16xf32, #tpu.memory_space<hbm>> -> memref<1x16xf32, #tpu.memory_space<hbm>>
      %dma_start3A_177 = tpu.memref_squeeze %dma_start3A_176 : memref<1x16xf32, #tpu.memory_space<hbm>> -> memref<16xf32, #tpu.memory_space<hbm>>
      %dma_start3A_178 = arith.constant 0 : i32
      %dma_start3A_179 = tpu.memref_slice %arg10[%add3A_171, %dma_start3A_178] : memref<256x16xf32, #tpu.memory_space<vmem>> -> memref<1x16xf32, #tpu.memory_space<vmem>>
      %dma_start3A_180 = tpu.memref_squeeze %dma_start3A_179 : memref<1x16xf32, #tpu.memory_space<vmem>> -> memref<16xf32, #tpu.memory_space<vmem>>
      %dma_start3A_181 = arith.constant 0 : i32
      %dma_start3A_182 = tpu.memref_slice %arg5[%squeeze3A_169, %dma_start3A_181] : memref<1000000x16xf32, #tpu.memory_space<hbm>> -> memref<1x16xf32, #tpu.memory_space<hbm>>
      %dma_start3A_183 = tpu.memref_squeeze %dma_start3A_182 : memref<1x16xf32, #tpu.memory_space<hbm>> -> memref<16xf32, #tpu.memory_space<hbm>>
      tpu.enqueue_dma source(%dma_start3A_183 : memref<16xf32, #tpu.memory_space<hbm>>) target(%dma_start3A_180 : memref<16xf32, #tpu.memory_space<vmem>>) target_semaphore(%arg12 : memref<!tpu.dma_semaphore, #tpu.memory_space<semaphore_mem>>)
      %slice3A_184 = vector.extract_strided_slice %get3A_54 {offsets = [4], sizes = [1], strides = [1]} : vector<16xi32> to vector<1xi32>
      %squeeze3A_185 = vector.extract %slice3A_184[0] : i32 from vector<1xi32>
      %add3A_186 = arith.constant 4 : i32
      %add3A_187 = arith.addi %mul3A_51, %add3A_186 : i32
      %dma_start3A_188 = arith.constant 0 : i32
      %dma_start3A_189 = tpu.memref_slice %arg9[%add3A_187, %dma_start3A_188] : memref<256x16xf32, #tpu.memory_space<vmem>> -> memref<1x16xf32, #tpu.memory_space<vmem>>
      %dma_start3A_190 = tpu.memref_squeeze %dma_start3A_189 : memref<1x16xf32, #tpu.memory_space<vmem>> -> memref<16xf32, #tpu.memory_space<vmem>>
      %dma_start3A_191 = arith.constant 0 : i32
      %dma_start3A_192 = tpu.memref_slice %arg4[%squeeze3A_185, %dma_start3A_191] : memref<1000000x16xf32, #tpu.memory_space<hbm>> -> memref<1x16xf32, #tpu.memory_space<hbm>>
      %dma_start3A_193 = tpu.memref_squeeze %dma_start3A_192 : memref<1x16xf32, #tpu.memory_space<hbm>> -> memref<16xf32, #tpu.memory_space<hbm>>
      %dma_start3A_194 = arith.constant 0 : i32
      %dma_start3A_195 = tpu.memref_slice %arg9[%add3A_187, %dma_start3A_194] : memref<256x16xf32, #tpu.memory_space<vmem>> -> memref<1x16xf32, #tpu.memory_space<vmem>>
      %dma_start3A_196 = tpu.memref_squeeze %dma_start3A_195 : memref<1x16xf32, #tpu.memory_space<vmem>> -> memref<16xf32, #tpu.memory_space<vmem>>
      %dma_start3A_197 = arith.constant 0 : i32
      %dma_start3A_198 = tpu.memref_slice %arg4[%squeeze3A_185, %dma_start3A_197] : memref<1000000x16xf32, #tpu.memory_space<hbm>> -> memref<1x16xf32, #tpu.memory_space<hbm>>
      %dma_start3A_199 = tpu.memref_squeeze %dma_start3A_198 : memref<1x16xf32, #tpu.memory_space<hbm>> -> memref<16xf32, #tpu.memory_space<hbm>>
      tpu.enqueue_dma source(%dma_start3A_199 : memref<16xf32, #tpu.memory_space<hbm>>) target(%dma_start3A_196 : memref<16xf32, #tpu.memory_space<vmem>>) target_semaphore(%arg12 : memref<!tpu.dma_semaphore, #tpu.memory_space<semaphore_mem>>)
      %slice3A_200 = vector.extract_strided_slice %get3A_58 {offsets = [4], sizes = [1], strides = [1]} : vector<16xi32> to vector<1xi32>
      %squeeze3A_201 = vector.extract %slice3A_200[0] : i32 from vector<1xi32>
      %add3A_202 = arith.constant 4 : i32
      %add3A_203 = arith.addi %mul3A_51, %add3A_202 : i32
      %dma_start3A_204 = arith.constant 0 : i32
      %dma_start3A_205 = tpu.memref_slice %arg10[%add3A_203, %dma_start3A_204] : memref<256x16xf32, #tpu.memory_space<vmem>> -> memref<1x16xf32, #tpu.memory_space<vmem>>
      %dma_start3A_206 = tpu.memref_squeeze %dma_start3A_205 : memref<1x16xf32, #tpu.memory_space<vmem>> -> memref<16xf32, #tpu.memory_space<vmem>>
      %dma_start3A_207 = arith.constant 0 : i32
      %dma_start3A_208 = tpu.memref_slice %arg5[%squeeze3A_201, %dma_start3A_207] : memref<1000000x16xf32, #tpu.memory_space<hbm>> -> memref<1x16xf32, #tpu.memory_space<hbm>>
      %dma_start3A_209 = tpu.memref_squeeze %dma_start3A_208 : memref<1x16xf32, #tpu.memory_space<hbm>> -> memref<16xf32, #tpu.memory_space<hbm>>
      %dma_start3A_210 = arith.constant 0 : i32
      %dma_start3A_211 = tpu.memref_slice %arg10[%add3A_203, %dma_start3A_210] : memref<256x16xf32, #tpu.memory_space<vmem>> -> memref<1x16xf32, #tpu.memory_space<vmem>>
      %dma_start3A_212 = tpu.memref_squeeze %dma_start3A_211 : memref<1x16xf32, #tpu.memory_space<vmem>> -> memref<16xf32, #tpu.memory_space<vmem>>
      %dma_start3A_213 = arith.constant 0 : i32
      %dma_start3A_214 = tpu.memref_slice %arg5[%squeeze3A_201, %dma_start3A_213] : memref<1000000x16xf32, #tpu.memory_space<hbm>> -> memref<1x16xf32, #tpu.memory_space<hbm>>
      %dma_start3A_215 = tpu.memref_squeeze %dma_start3A_214 : memref<1x16xf32, #tpu.memory_space<hbm>> -> memref<16xf32, #tpu.memory_space<hbm>>
      tpu.enqueue_dma source(%dma_start3A_215 : memref<16xf32, #tpu.memory_space<hbm>>) target(%dma_start3A_212 : memref<16xf32, #tpu.memory_space<vmem>>) target_semaphore(%arg12 : memref<!tpu.dma_semaphore, #tpu.memory_space<semaphore_mem>>)
      %slice3A_216 = vector.extract_strided_slice %get3A_54 {offsets = [5], sizes = [1], strides = [1]} : vector<16xi32> to vector<1xi32>
      %squeeze3A_217 = vector.extract %slice3A_216[0] : i32 from vector<1xi32>
      %add3A_218 = arith.constant 5 : i32
      %add3A_219 = arith.addi %mul3A_51, %add3A_218 : i32
      %dma_start3A_220 = arith.constant 0 : i32
      %dma_start3A_221 = tpu.memref_slice %arg9[%add3A_219, %dma_start3A_220] : memref<256x16xf32, #tpu.memory_space<vmem>> -> memref<1x16xf32, #tpu.memory_space<vmem>>
      %dma_start3A_222 = tpu.memref_squeeze %dma_start3A_221 : memref<1x16xf32, #tpu.memory_space<vmem>> -> memref<16xf32, #tpu.memory_space<vmem>>
      %dma_start3A_223 = arith.constant 0 : i32
      %dma_start3A_224 = tpu.memref_slice %arg4[%squeeze3A_217, %dma_start3A_223] : memref<1000000x16xf32, #tpu.memory_space<hbm>> -> memref<1x16xf32, #tpu.memory_space<hbm>>
      %dma_start3A_225 = tpu.memref_squeeze %dma_start3A_224 : memref<1x16xf32, #tpu.memory_space<hbm>> -> memref<16xf32, #tpu.memory_space<hbm>>
      %dma_start3A_226 = arith.constant 0 : i32
      %dma_start3A_227 = tpu.memref_slice %arg9[%add3A_219, %dma_start3A_226] : memref<256x16xf32, #tpu.memory_space<vmem>> -> memref<1x16xf32, #tpu.memory_space<vmem>>
      %dma_start3A_228 = tpu.memref_squeeze %dma_start3A_227 : memref<1x16xf32, #tpu.memory_space<vmem>> -> memref<16xf32, #tpu.memory_space<vmem>>
      %dma_start3A_229 = arith.constant 0 : i32
      %dma_start3A_230 = tpu.memref_slice %arg4[%squeeze3A_217, %dma_start3A_229] : memref<1000000x16xf32, #tpu.memory_space<hbm>> -> memref<1x16xf32, #tpu.memory_space<hbm>>
      %dma_start3A_231 = tpu.memref_squeeze %dma_start3A_230 : memref<1x16xf32, #tpu.memory_space<hbm>> -> memref<16xf32, #tpu.memory_space<hbm>>
      tpu.enqueue_dma source(%dma_start3A_231 : memref<16xf32, #tpu.memory_space<hbm>>) target(%dma_start3A_228 : memref<16xf32, #tpu.memory_space<vmem>>) target_semaphore(%arg12 : memref<!tpu.dma_semaphore, #tpu.memory_space<semaphore_mem>>)
      %slice3A_232 = vector.extract_strided_slice %get3A_58 {offsets = [5], sizes = [1], strides = [1]} : vector<16xi32> to vector<1xi32>
      %squeeze3A_233 = vector.extract %slice3A_232[0] : i32 from vector<1xi32>
      %add3A_234 = arith.constant 5 : i32
      %add3A_235 = arith.addi %mul3A_51, %add3A_234 : i32
      %dma_start3A_236 = arith.constant 0 : i32
      %dma_start3A_237 = tpu.memref_slice %arg10[%add3A_235, %dma_start3A_236] : memref<256x16xf32, #tpu.memory_space<vmem>> -> memref<1x16xf32, #tpu.memory_space<vmem>>
      %dma_start3A_238 = tpu.memref_squeeze %dma_start3A_237 : memref<1x16xf32, #tpu.memory_space<vmem>> -> memref<16xf32, #tpu.memory_space<vmem>>
      %dma_start3A_239 = arith.constant 0 : i32
      %dma_start3A_240 = tpu.memref_slice %arg5[%squeeze3A_233, %dma_start3A_239] : memref<1000000x16xf32, #tpu.memory_space<hbm>> -> memref<1x16xf32, #tpu.memory_space<hbm>>
      %dma_start3A_241 = tpu.memref_squeeze %dma_start3A_240 : memref<1x16xf32, #tpu.memory_space<hbm>> -> memref<16xf32, #tpu.memory_space<hbm>>
      %dma_start3A_242 = arith.constant 0 : i32
      %dma_start3A_243 = tpu.memref_slice %arg10[%add3A_235, %dma_start3A_242] : memref<256x16xf32, #tpu.memory_space<vmem>> -> memref<1x16xf32, #tpu.memory_space<vmem>>
      %dma_start3A_244 = tpu.memref_squeeze %dma_start3A_243 : memref<1x16xf32, #tpu.memory_space<vmem>> -> memref<16xf32, #tpu.memory_space<vmem>>
      %dma_start3A_245 = arith.constant 0 : i32
      %dma_start3A_246 = tpu.memref_slice %arg5[%squeeze3A_233, %dma_start3A_245] : memref<1000000x16xf32, #tpu.memory_space<hbm>> -> memref<1x16xf32, #tpu.memory_space<hbm>>
      %dma_start3A_247 = tpu.memref_squeeze %dma_start3A_246 : memref<1x16xf32, #tpu.memory_space<hbm>> -> memref<16xf32, #tpu.memory_space<hbm>>
      tpu.enqueue_dma source(%dma_start3A_247 : memref<16xf32, #tpu.memory_space<hbm>>) target(%dma_start3A_244 : memref<16xf32, #tpu.memory_space<vmem>>) target_semaphore(%arg12 : memref<!tpu.dma_semaphore, #tpu.memory_space<semaphore_mem>>)
      %slice3A_248 = vector.extract_strided_slice %get3A_54 {offsets = [6], sizes = [1], strides = [1]} : vector<16xi32> to vector<1xi32>
      %squeeze3A_249 = vector.extract %slice3A_248[0] : i32 from vector<1xi32>
      %add3A_250 = arith.constant 6 : i32
      %add3A_251 = arith.addi %mul3A_51, %add3A_250 : i32
      %dma_start3A_252 = arith.constant 0 : i32
      %dma_start3A_253 = tpu.memref_slice %arg9[%add3A_251, %dma_start3A_252] : memref<256x16xf32, #tpu.memory_space<vmem>> -> memref<1x16xf32, #tpu.memory_space<vmem>>
      %dma_start3A_254 = tpu.memref_squeeze %dma_start3A_253 : memref<1x16xf32, #tpu.memory_space<vmem>> -> memref<16xf32, #tpu.memory_space<vmem>>
      %dma_start3A_255 = arith.constant 0 : i32
      %dma_start3A_256 = tpu.memref_slice %arg4[%squeeze3A_249, %dma_start3A_255] : memref<1000000x16xf32, #tpu.memory_space<hbm>> -> memref<1x16xf32, #tpu.memory_space<hbm>>
      %dma_start3A_257 = tpu.memref_squeeze %dma_start3A_256 : memref<1x16xf32, #tpu.memory_space<hbm>> -> memref<16xf32, #tpu.memory_space<hbm>>
      %dma_start3A_258 = arith.constant 0 : i32
      %dma_start3A_259 = tpu.memref_slice %arg9[%add3A_251, %dma_start3A_258] : memref<256x16xf32, #tpu.memory_space<vmem>> -> memref<1x16xf32, #tpu.memory_space<vmem>>
      %dma_start3A_260 = tpu.memref_squeeze %dma_start3A_259 : memref<1x16xf32, #tpu.memory_space<vmem>> -> memref<16xf32, #tpu.memory_space<vmem>>
      %dma_start3A_261 = arith.constant 0 : i32
      %dma_start3A_262 = tpu.memref_slice %arg4[%squeeze3A_249, %dma_start3A_261] : memref<1000000x16xf32, #tpu.memory_space<hbm>> -> memref<1x16xf32, #tpu.memory_space<hbm>>
      %dma_start3A_263 = tpu.memref_squeeze %dma_start3A_262 : memref<1x16xf32, #tpu.memory_space<hbm>> -> memref<16xf32, #tpu.memory_space<hbm>>
      tpu.enqueue_dma source(%dma_start3A_263 : memref<16xf32, #tpu.memory_space<hbm>>) target(%dma_start3A_260 : memref<16xf32, #tpu.memory_space<vmem>>) target_semaphore(%arg12 : memref<!tpu.dma_semaphore, #tpu.memory_space<semaphore_mem>>)
      %slice3A_264 = vector.extract_strided_slice %get3A_58 {offsets = [6], sizes = [1], strides = [1]} : vector<16xi32> to vector<1xi32>
      %squeeze3A_265 = vector.extract %slice3A_264[0] : i32 from vector<1xi32>
      %add3A_266 = arith.constant 6 : i32
      %add3A_267 = arith.addi %mul3A_51, %add3A_266 : i32
      %dma_start3A_268 = arith.constant 0 : i32
      %dma_start3A_269 = tpu.memref_slice %arg10[%add3A_267, %dma_start3A_268] : memref<256x16xf32, #tpu.memory_space<vmem>> -> memref<1x16xf32, #tpu.memory_space<vmem>>
      %dma_start3A_270 = tpu.memref_squeeze %dma_start3A_269 : memref<1x16xf32, #tpu.memory_space<vmem>> -> memref<16xf32, #tpu.memory_space<vmem>>
      %dma_start3A_271 = arith.constant 0 : i32
      %dma_start3A_272 = tpu.memref_slice %arg5[%squeeze3A_265, %dma_start3A_271] : memref<1000000x16xf32, #tpu.memory_space<hbm>> -> memref<1x16xf32, #tpu.memory_space<hbm>>
      %dma_start3A_273 = tpu.memref_squeeze %dma_start3A_272 : memref<1x16xf32, #tpu.memory_space<hbm>> -> memref<16xf32, #tpu.memory_space<hbm>>
      %dma_start3A_274 = arith.constant 0 : i32
      %dma_start3A_275 = tpu.memref_slice %arg10[%add3A_267, %dma_start3A_274] : memref<256x16xf32, #tpu.memory_space<vmem>> -> memref<1x16xf32, #tpu.memory_space<vmem>>
      %dma_start3A_276 = tpu.memref_squeeze %dma_start3A_275 : memref<1x16xf32, #tpu.memory_space<vmem>> -> memref<16xf32, #tpu.memory_space<vmem>>
      %dma_start3A_277 = arith.constant 0 : i32
      %dma_start3A_278 = tpu.memref_slice %arg5[%squeeze3A_265, %dma_start3A_277] : memref<1000000x16xf32, #tpu.memory_space<hbm>> -> memref<1x16xf32, #tpu.memory_space<hbm>>
      %dma_start3A_279 = tpu.memref_squeeze %dma_start3A_278 : memref<1x16xf32, #tpu.memory_space<hbm>> -> memref<16xf32, #tpu.memory_space<hbm>>
      tpu.enqueue_dma source(%dma_start3A_279 : memref<16xf32, #tpu.memory_space<hbm>>) target(%dma_start3A_276 : memref<16xf32, #tpu.memory_space<vmem>>) target_semaphore(%arg12 : memref<!tpu.dma_semaphore, #tpu.memory_space<semaphore_mem>>)
      %slice3A_280 = vector.extract_strided_slice %get3A_54 {offsets = [7], sizes = [1], strides = [1]} : vector<16xi32> to vector<1xi32>
      %squeeze3A_281 = vector.extract %slice3A_280[0] : i32 from vector<1xi32>
      %add3A_282 = arith.constant 7 : i32
      %add3A_283 = arith.addi %mul3A_51, %add3A_282 : i32
      %dma_start3A_284 = arith.constant 0 : i32
      %dma_start3A_285 = tpu.memref_slice %arg9[%add3A_283, %dma_start3A_284] : memref<256x16xf32, #tpu.memory_space<vmem>> -> memref<1x16xf32, #tpu.memory_space<vmem>>
      %dma_start3A_286 = tpu.memref_squeeze %dma_start3A_285 : memref<1x16xf32, #tpu.memory_space<vmem>> -> memref<16xf32, #tpu.memory_space<vmem>>
      %dma_start3A_287 = arith.constant 0 : i32
      %dma_start3A_288 = tpu.memref_slice %arg4[%squeeze3A_281, %dma_start3A_287] : memref<1000000x16xf32, #tpu.memory_space<hbm>> -> memref<1x16xf32, #tpu.memory_space<hbm>>
      %dma_start3A_289 = tpu.memref_squeeze %dma_start3A_288 : memref<1x16xf32, #tpu.memory_space<hbm>> -> memref<16xf32, #tpu.memory_space<hbm>>
      %dma_start3A_290 = arith.constant 0 : i32
      %dma_start3A_291 = tpu.memref_slice %arg9[%add3A_283, %dma_start3A_290] : memref<256x16xf32, #tpu.memory_space<vmem>> -> memref<1x16xf32, #tpu.memory_space<vmem>>
      %dma_start3A_292 = tpu.memref_squeeze %dma_start3A_291 : memref<1x16xf32, #tpu.memory_space<vmem>> -> memref<16xf32, #tpu.memory_space<vmem>>
      %dma_start3A_293 = arith.constant 0 : i32
      %dma_start3A_294 = tpu.memref_slice %arg4[%squeeze3A_281, %dma_start3A_293] : memref<1000000x16xf32, #tpu.memory_space<hbm>> -> memref<1x16xf32, #tpu.memory_space<hbm>>
      %dma_start3A_295 = tpu.memref_squeeze %dma_start3A_294 : memref<1x16xf32, #tpu.memory_space<hbm>> -> memref<16xf32, #tpu.memory_space<hbm>>
      tpu.enqueue_dma source(%dma_start3A_295 : memref<16xf32, #tpu.memory_space<hbm>>) target(%dma_start3A_292 : memref<16xf32, #tpu.memory_space<vmem>>) target_semaphore(%arg12 : memref<!tpu.dma_semaphore, #tpu.memory_space<semaphore_mem>>)
      %slice3A_296 = vector.extract_strided_slice %get3A_58 {offsets = [7], sizes = [1], strides = [1]} : vector<16xi32> to vector<1xi32>
      %squeeze3A_297 = vector.extract %slice3A_296[0] : i32 from vector<1xi32>
      %add3A_298 = arith.constant 7 : i32
      %add3A_299 = arith.addi %mul3A_51, %add3A_298 : i32
      %dma_start3A_300 = arith.constant 0 : i32
      %dma_start3A_301 = tpu.memref_slice %arg10[%add3A_299, %dma_start3A_300] : memref<256x16xf32, #tpu.memory_space<vmem>> -> memref<1x16xf32, #tpu.memory_space<vmem>>
      %dma_start3A_302 = tpu.memref_squeeze %dma_start3A_301 : memref<1x16xf32, #tpu.memory_space<vmem>> -> memref<16xf32, #tpu.memory_space<vmem>>
      %dma_start3A_303 = arith.constant 0 : i32
      %dma_start3A_304 = tpu.memref_slice %arg5[%squeeze3A_297, %dma_start3A_303] : memref<1000000x16xf32, #tpu.memory_space<hbm>> -> memref<1x16xf32, #tpu.memory_space<hbm>>
      %dma_start3A_305 = tpu.memref_squeeze %dma_start3A_304 : memref<1x16xf32, #tpu.memory_space<hbm>> -> memref<16xf32, #tpu.memory_space<hbm>>
      %dma_start3A_306 = arith.constant 0 : i32
      %dma_start3A_307 = tpu.memref_slice %arg10[%add3A_299, %dma_start3A_306] : memref<256x16xf32, #tpu.memory_space<vmem>> -> memref<1x16xf32, #tpu.memory_space<vmem>>
      %dma_start3A_308 = tpu.memref_squeeze %dma_start3A_307 : memref<1x16xf32, #tpu.memory_space<vmem>> -> memref<16xf32, #tpu.memory_space<vmem>>
      %dma_start3A_309 = arith.constant 0 : i32
      %dma_start3A_310 = tpu.memref_slice %arg5[%squeeze3A_297, %dma_start3A_309] : memref<1000000x16xf32, #tpu.memory_space<hbm>> -> memref<1x16xf32, #tpu.memory_space<hbm>>
      %dma_start3A_311 = tpu.memref_squeeze %dma_start3A_310 : memref<1x16xf32, #tpu.memory_space<hbm>> -> memref<16xf32, #tpu.memory_space<hbm>>
      tpu.enqueue_dma source(%dma_start3A_311 : memref<16xf32, #tpu.memory_space<hbm>>) target(%dma_start3A_308 : memref<16xf32, #tpu.memory_space<vmem>>) target_semaphore(%arg12 : memref<!tpu.dma_semaphore, #tpu.memory_space<semaphore_mem>>)
      %slice3A_312 = vector.extract_strided_slice %get3A_54 {offsets = [8], sizes = [1], strides = [1]} : vector<16xi32> to vector<1xi32>
      %squeeze3A_313 = vector.extract %slice3A_312[0] : i32 from vector<1xi32>
      %add3A_314 = arith.constant 8 : i32
      %add3A_315 = arith.addi %mul3A_51, %add3A_314 : i32
      %dma_start3A_316 = arith.constant 0 : i32
      %dma_start3A_317 = tpu.memref_slice %arg9[%add3A_315, %dma_start3A_316] : memref<256x16xf32, #tpu.memory_space<vmem>> -> memref<1x16xf32, #tpu.memory_space<vmem>>
      %dma_start3A_318 = tpu.memref_squeeze %dma_start3A_317 : memref<1x16xf32, #tpu.memory_space<vmem>> -> memref<16xf32, #tpu.memory_space<vmem>>
      %dma_start3A_319 = arith.constant 0 : i32
      %dma_start3A_320 = tpu.memref_slice %arg4[%squeeze3A_313, %dma_start3A_319] : memref<1000000x16xf32, #tpu.memory_space<hbm>> -> memref<1x16xf32, #tpu.memory_space<hbm>>
      %dma_start3A_321 = tpu.memref_squeeze %dma_start3A_320 : memref<1x16xf32, #tpu.memory_space<hbm>> -> memref<16xf32, #tpu.memory_space<hbm>>
      %dma_start3A_322 = arith.constant 0 : i32
      %dma_start3A_323 = tpu.memref_slice %arg9[%add3A_315, %dma_start3A_322] : memref<256x16xf32, #tpu.memory_space<vmem>> -> memref<1x16xf32, #tpu.memory_space<vmem>>
      %dma_start3A_324 = tpu.memref_squeeze %dma_start3A_323 : memref<1x16xf32, #tpu.memory_space<vmem>> -> memref<16xf32, #tpu.memory_space<vmem>>
      %dma_start3A_325 = arith.constant 0 : i32
      %dma_start3A_326 = tpu.memref_slice %arg4[%squeeze3A_313, %dma_start3A_325] : memref<1000000x16xf32, #tpu.memory_space<hbm>> -> memref<1x16xf32, #tpu.memory_space<hbm>>
      %dma_start3A_327 = tpu.memref_squeeze %dma_start3A_326 : memref<1x16xf32, #tpu.memory_space<hbm>> -> memref<16xf32, #tpu.memory_space<hbm>>
      tpu.enqueue_dma source(%dma_start3A_327 : memref<16xf32, #tpu.memory_space<hbm>>) target(%dma_start3A_324 : memref<16xf32, #tpu.memory_space<vmem>>) target_semaphore(%arg12 : memref<!tpu.dma_semaphore, #tpu.memory_space<semaphore_mem>>)
      %slice3A_328 = vector.extract_strided_slice %get3A_58 {offsets = [8], sizes = [1], strides = [1]} : vector<16xi32> to vector<1xi32>
      %squeeze3A_329 = vector.extract %slice3A_328[0] : i32 from vector<1xi32>
      %add3A_330 = arith.constant 8 : i32
      %add3A_331 = arith.addi %mul3A_51, %add3A_330 : i32
      %dma_start3A_332 = arith.constant 0 : i32
      %dma_start3A_333 = tpu.memref_slice %arg10[%add3A_331, %dma_start3A_332] : memref<256x16xf32, #tpu.memory_space<vmem>> -> memref<1x16xf32, #tpu.memory_space<vmem>>
      %dma_start3A_334 = tpu.memref_squeeze %dma_start3A_333 : memref<1x16xf32, #tpu.memory_space<vmem>> -> memref<16xf32, #tpu.memory_space<vmem>>
      %dma_start3A_335 = arith.constant 0 : i32
      %dma_start3A_336 = tpu.memref_slice %arg5[%squeeze3A_329, %dma_start3A_335] : memref<1000000x16xf32, #tpu.memory_space<hbm>> -> memref<1x16xf32, #tpu.memory_space<hbm>>
      %dma_start3A_337 = tpu.memref_squeeze %dma_start3A_336 : memref<1x16xf32, #tpu.memory_space<hbm>> -> memref<16xf32, #tpu.memory_space<hbm>>
      %dma_start3A_338 = arith.constant 0 : i32
      %dma_start3A_339 = tpu.memref_slice %arg10[%add3A_331, %dma_start3A_338] : memref<256x16xf32, #tpu.memory_space<vmem>> -> memref<1x16xf32, #tpu.memory_space<vmem>>
      %dma_start3A_340 = tpu.memref_squeeze %dma_start3A_339 : memref<1x16xf32, #tpu.memory_space<vmem>> -> memref<16xf32, #tpu.memory_space<vmem>>
      %dma_start3A_341 = arith.constant 0 : i32
      %dma_start3A_342 = tpu.memref_slice %arg5[%squeeze3A_329, %dma_start3A_341] : memref<1000000x16xf32, #tpu.memory_space<hbm>> -> memref<1x16xf32, #tpu.memory_space<hbm>>
      %dma_start3A_343 = tpu.memref_squeeze %dma_start3A_342 : memref<1x16xf32, #tpu.memory_space<hbm>> -> memref<16xf32, #tpu.memory_space<hbm>>
      tpu.enqueue_dma source(%dma_start3A_343 : memref<16xf32, #tpu.memory_space<hbm>>) target(%dma_start3A_340 : memref<16xf32, #tpu.memory_space<vmem>>) target_semaphore(%arg12 : memref<!tpu.dma_semaphore, #tpu.memory_space<semaphore_mem>>)
      %slice3A_344 = vector.extract_strided_slice %get3A_54 {offsets = [9], sizes = [1], strides = [1]} : vector<16xi32> to vector<1xi32>
      %squeeze3A_345 = vector.extract %slice3A_344[0] : i32 from vector<1xi32>
      %add3A_346 = arith.constant 9 : i32
      %add3A_347 = arith.addi %mul3A_51, %add3A_346 : i32
      %dma_start3A_348 = arith.constant 0 : i32
      %dma_start3A_349 = tpu.memref_slice %arg9[%add3A_347, %dma_start3A_348] : memref<256x16xf32, #tpu.memory_space<vmem>> -> memref<1x16xf32, #tpu.memory_space<vmem>>
      %dma_start3A_350 = tpu.memref_squeeze %dma_start3A_349 : memref<1x16xf32, #tpu.memory_space<vmem>> -> memref<16xf32, #tpu.memory_space<vmem>>
      %dma_start3A_351 = arith.constant 0 : i32
      %dma_start3A_352 = tpu.memref_slice %arg4[%squeeze3A_345, %dma_start3A_351] : memref<1000000x16xf32, #tpu.memory_space<hbm>> -> memref<1x16xf32, #tpu.memory_space<hbm>>
      %dma_start3A_353 = tpu.memref_squeeze %dma_start3A_352 : memref<1x16xf32, #tpu.memory_space<hbm>> -> memref<16xf32, #tpu.memory_space<hbm>>
      %dma_start3A_354 = arith.constant 0 : i32
      %dma_start3A_355 = tpu.memref_slice %arg9[%add3A_347, %dma_start3A_354] : memref<256x16xf32, #tpu.memory_space<vmem>> -> memref<1x16xf32, #tpu.memory_space<vmem>>
      %dma_start3A_356 = tpu.memref_squeeze %dma_start3A_355 : memref<1x16xf32, #tpu.memory_space<vmem>> -> memref<16xf32, #tpu.memory_space<vmem>>
      %dma_start3A_357 = arith.constant 0 : i32
      %dma_start3A_358 = tpu.memref_slice %arg4[%squeeze3A_345, %dma_start3A_357] : memref<1000000x16xf32, #tpu.memory_space<hbm>> -> memref<1x16xf32, #tpu.memory_space<hbm>>
      %dma_start3A_359 = tpu.memref_squeeze %dma_start3A_358 : memref<1x16xf32, #tpu.memory_space<hbm>> -> memref<16xf32, #tpu.memory_space<hbm>>
      tpu.enqueue_dma source(%dma_start3A_359 : memref<16xf32, #tpu.memory_space<hbm>>) target(%dma_start3A_356 : memref<16xf32, #tpu.memory_space<vmem>>) target_semaphore(%arg12 : memref<!tpu.dma_semaphore, #tpu.memory_space<semaphore_mem>>)
      %slice3A_360 = vector.extract_strided_slice %get3A_58 {offsets = [9], sizes = [1], strides = [1]} : vector<16xi32> to vector<1xi32>
      %squeeze3A_361 = vector.extract %slice3A_360[0] : i32 from vector<1xi32>
      %add3A_362 = arith.constant 9 : i32
      %add3A_363 = arith.addi %mul3A_51, %add3A_362 : i32
      %dma_start3A_364 = arith.constant 0 : i32
      %dma_start3A_365 = tpu.memref_slice %arg10[%add3A_363, %dma_start3A_364] : memref<256x16xf32, #tpu.memory_space<vmem>> -> memref<1x16xf32, #tpu.memory_space<vmem>>
      %dma_start3A_366 = tpu.memref_squeeze %dma_start3A_365 : memref<1x16xf32, #tpu.memory_space<vmem>> -> memref<16xf32, #tpu.memory_space<vmem>>
      %dma_start3A_367 = arith.constant 0 : i32
      %dma_start3A_368 = tpu.memref_slice %arg5[%squeeze3A_361, %dma_start3A_367] : memref<1000000x16xf32, #tpu.memory_space<hbm>> -> memref<1x16xf32, #tpu.memory_space<hbm>>
      %dma_start3A_369 = tpu.memref_squeeze %dma_start3A_368 : memref<1x16xf32, #tpu.memory_space<hbm>> -> memref<16xf32, #tpu.memory_space<hbm>>
      %dma_start3A_370 = arith.constant 0 : i32
      %dma_start3A_371 = tpu.memref_slice %arg10[%add3A_363, %dma_start3A_370] : memref<256x16xf32, #tpu.memory_space<vmem>> -> memref<1x16xf32, #tpu.memory_space<vmem>>
      %dma_start3A_372 = tpu.memref_squeeze %dma_start3A_371 : memref<1x16xf32, #tpu.memory_space<vmem>> -> memref<16xf32, #tpu.memory_space<vmem>>
      %dma_start3A_373 = arith.constant 0 : i32
      %dma_start3A_374 = tpu.memref_slice %arg5[%squeeze3A_361, %dma_start3A_373] : memref<1000000x16xf32, #tpu.memory_space<hbm>> -> memref<1x16xf32, #tpu.memory_space<hbm>>
      %dma_start3A_375 = tpu.memref_squeeze %dma_start3A_374 : memref<1x16xf32, #tpu.memory_space<hbm>> -> memref<16xf32, #tpu.memory_space<hbm>>
      tpu.enqueue_dma source(%dma_start3A_375 : memref<16xf32, #tpu.memory_space<hbm>>) target(%dma_start3A_372 : memref<16xf32, #tpu.memory_space<vmem>>) target_semaphore(%arg12 : memref<!tpu.dma_semaphore, #tpu.memory_space<semaphore_mem>>)
      %slice3A_376 = vector.extract_strided_slice %get3A_54 {offsets = [10], sizes = [1], strides = [1]} : vector<16xi32> to vector<1xi32>
      %squeeze3A_377 = vector.extract %slice3A_376[0] : i32 from vector<1xi32>
      %add3A_378 = arith.constant 10 : i32
      %add3A_379 = arith.addi %mul3A_51, %add3A_378 : i32
      %dma_start3A_380 = arith.constant 0 : i32
      %dma_start3A_381 = tpu.memref_slice %arg9[%add3A_379, %dma_start3A_380] : memref<256x16xf32, #tpu.memory_space<vmem>> -> memref<1x16xf32, #tpu.memory_space<vmem>>
      %dma_start3A_382 = tpu.memref_squeeze %dma_start3A_381 : memref<1x16xf32, #tpu.memory_space<vmem>> -> memref<16xf32, #tpu.memory_space<vmem>>
      %dma_start3A_383 = arith.constant 0 : i32
      %dma_start3A_384 = tpu.memref_slice %arg4[%squeeze3A_377, %dma_start3A_383] : memref<1000000x16xf32, #tpu.memory_space<hbm>> -> memref<1x16xf32, #tpu.memory_space<hbm>>
      %dma_start3A_385 = tpu.memref_squeeze %dma_start3A_384 : memref<1x16xf32, #tpu.memory_space<hbm>> -> memref<16xf32, #tpu.memory_space<hbm>>
      %dma_start3A_386 = arith.constant 0 : i32
      %dma_start3A_387 = tpu.memref_slice %arg9[%add3A_379, %dma_start3A_386] : memref<256x16xf32, #tpu.memory_space<vmem>> -> memref<1x16xf32, #tpu.memory_space<vmem>>
      %dma_start3A_388 = tpu.memref_squeeze %dma_start3A_387 : memref<1x16xf32, #tpu.memory_space<vmem>> -> memref<16xf32, #tpu.memory_space<vmem>>
      %dma_start3A_389 = arith.constant 0 : i32
      %dma_start3A_390 = tpu.memref_slice %arg4[%squeeze3A_377, %dma_start3A_389] : memref<1000000x16xf32, #tpu.memory_space<hbm>> -> memref<1x16xf32, #tpu.memory_space<hbm>>
      %dma_start3A_391 = tpu.memref_squeeze %dma_start3A_390 : memref<1x16xf32, #tpu.memory_space<hbm>> -> memref<16xf32, #tpu.memory_space<hbm>>
      tpu.enqueue_dma source(%dma_start3A_391 : memref<16xf32, #tpu.memory_space<hbm>>) target(%dma_start3A_388 : memref<16xf32, #tpu.memory_space<vmem>>) target_semaphore(%arg12 : memref<!tpu.dma_semaphore, #tpu.memory_space<semaphore_mem>>)
      %slice3A_392 = vector.extract_strided_slice %get3A_58 {offsets = [10], sizes = [1], strides = [1]} : vector<16xi32> to vector<1xi32>
      %squeeze3A_393 = vector.extract %slice3A_392[0] : i32 from vector<1xi32>
      %add3A_394 = arith.constant 10 : i32
      %add3A_395 = arith.addi %mul3A_51, %add3A_394 : i32
      %dma_start3A_396 = arith.constant 0 : i32
      %dma_start3A_397 = tpu.memref_slice %arg10[%add3A_395, %dma_start3A_396] : memref<256x16xf32, #tpu.memory_space<vmem>> -> memref<1x16xf32, #tpu.memory_space<vmem>>
      %dma_start3A_398 = tpu.memref_squeeze %dma_start3A_397 : memref<1x16xf32, #tpu.memory_space<vmem>> -> memref<16xf32, #tpu.memory_space<vmem>>
      %dma_start3A_399 = arith.constant 0 : i32
      %dma_start3A_400 = tpu.memref_slice %arg5[%squeeze3A_393, %dma_start3A_399] : memref<1000000x16xf32, #tpu.memory_space<hbm>> -> memref<1x16xf32, #tpu.memory_space<hbm>>
      %dma_start3A_401 = tpu.memref_squeeze %dma_start3A_400 : memref<1x16xf32, #tpu.memory_space<hbm>> -> memref<16xf32, #tpu.memory_space<hbm>>
      %dma_start3A_402 = arith.constant 0 : i32
      %dma_start3A_403 = tpu.memref_slice %arg10[%add3A_395, %dma_start3A_402] : memref<256x16xf32, #tpu.memory_space<vmem>> -> memref<1x16xf32, #tpu.memory_space<vmem>>
      %dma_start3A_404 = tpu.memref_squeeze %dma_start3A_403 : memref<1x16xf32, #tpu.memory_space<vmem>> -> memref<16xf32, #tpu.memory_space<vmem>>
      %dma_start3A_405 = arith.constant 0 : i32
      %dma_start3A_406 = tpu.memref_slice %arg5[%squeeze3A_393, %dma_start3A_405] : memref<1000000x16xf32, #tpu.memory_space<hbm>> -> memref<1x16xf32, #tpu.memory_space<hbm>>
      %dma_start3A_407 = tpu.memref_squeeze %dma_start3A_406 : memref<1x16xf32, #tpu.memory_space<hbm>> -> memref<16xf32, #tpu.memory_space<hbm>>
      tpu.enqueue_dma source(%dma_start3A_407 : memref<16xf32, #tpu.memory_space<hbm>>) target(%dma_start3A_404 : memref<16xf32, #tpu.memory_space<vmem>>) target_semaphore(%arg12 : memref<!tpu.dma_semaphore, #tpu.memory_space<semaphore_mem>>)
      %slice3A_408 = vector.extract_strided_slice %get3A_54 {offsets = [11], sizes = [1], strides = [1]} : vector<16xi32> to vector<1xi32>
      %squeeze3A_409 = vector.extract %slice3A_408[0] : i32 from vector<1xi32>
      %add3A_410 = arith.constant 11 : i32
      %add3A_411 = arith.addi %mul3A_51, %add3A_410 : i32
      %dma_start3A_412 = arith.constant 0 : i32
      %dma_start3A_413 = tpu.memref_slice %arg9[%add3A_411, %dma_start3A_412] : memref<256x16xf32, #tpu.memory_space<vmem>> -> memref<1x16xf32, #tpu.memory_space<vmem>>
      %dma_start3A_414 = tpu.memref_squeeze %dma_start3A_413 : memref<1x16xf32, #tpu.memory_space<vmem>> -> memref<16xf32, #tpu.memory_space<vmem>>
      %dma_start3A_415 = arith.constant 0 : i32
      %dma_start3A_416 = tpu.memref_slice %arg4[%squeeze3A_409, %dma_start3A_415] : memref<1000000x16xf32, #tpu.memory_space<hbm>> -> memref<1x16xf32, #tpu.memory_space<hbm>>
      %dma_start3A_417 = tpu.memref_squeeze %dma_start3A_416 : memref<1x16xf32, #tpu.memory_space<hbm>> -> memref<16xf32, #tpu.memory_space<hbm>>
      %dma_start3A_418 = arith.constant 0 : i32
      %dma_start3A_419 = tpu.memref_slice %arg9[%add3A_411, %dma_start3A_418] : memref<256x16xf32, #tpu.memory_space<vmem>> -> memref<1x16xf32, #tpu.memory_space<vmem>>
      %dma_start3A_420 = tpu.memref_squeeze %dma_start3A_419 : memref<1x16xf32, #tpu.memory_space<vmem>> -> memref<16xf32, #tpu.memory_space<vmem>>
      %dma_start3A_421 = arith.constant 0 : i32
      %dma_start3A_422 = tpu.memref_slice %arg4[%squeeze3A_409, %dma_start3A_421] : memref<1000000x16xf32, #tpu.memory_space<hbm>> -> memref<1x16xf32, #tpu.memory_space<hbm>>
      %dma_start3A_423 = tpu.memref_squeeze %dma_start3A_422 : memref<1x16xf32, #tpu.memory_space<hbm>> -> memref<16xf32, #tpu.memory_space<hbm>>
      tpu.enqueue_dma source(%dma_start3A_423 : memref<16xf32, #tpu.memory_space<hbm>>) target(%dma_start3A_420 : memref<16xf32, #tpu.memory_space<vmem>>) target_semaphore(%arg12 : memref<!tpu.dma_semaphore, #tpu.memory_space<semaphore_mem>>)
      %slice3A_424 = vector.extract_strided_slice %get3A_58 {offsets = [11], sizes = [1], strides = [1]} : vector<16xi32> to vector<1xi32>
      %squeeze3A_425 = vector.extract %slice3A_424[0] : i32 from vector<1xi32>
      %add3A_426 = arith.constant 11 : i32
      %add3A_427 = arith.addi %mul3A_51, %add3A_426 : i32
      %dma_start3A_428 = arith.constant 0 : i32
      %dma_start3A_429 = tpu.memref_slice %arg10[%add3A_427, %dma_start3A_428] : memref<256x16xf32, #tpu.memory_space<vmem>> -> memref<1x16xf32, #tpu.memory_space<vmem>>
      %dma_start3A_430 = tpu.memref_squeeze %dma_start3A_429 : memref<1x16xf32, #tpu.memory_space<vmem>> -> memref<16xf32, #tpu.memory_space<vmem>>
      %dma_start3A_431 = arith.constant 0 : i32
      %dma_start3A_432 = tpu.memref_slice %arg5[%squeeze3A_425, %dma_start3A_431] : memref<1000000x16xf32, #tpu.memory_space<hbm>> -> memref<1x16xf32, #tpu.memory_space<hbm>>
      %dma_start3A_433 = tpu.memref_squeeze %dma_start3A_432 : memref<1x16xf32, #tpu.memory_space<hbm>> -> memref<16xf32, #tpu.memory_space<hbm>>
      %dma_start3A_434 = arith.constant 0 : i32
      %dma_start3A_435 = tpu.memref_slice %arg10[%add3A_427, %dma_start3A_434] : memref<256x16xf32, #tpu.memory_space<vmem>> -> memref<1x16xf32, #tpu.memory_space<vmem>>
      %dma_start3A_436 = tpu.memref_squeeze %dma_start3A_435 : memref<1x16xf32, #tpu.memory_space<vmem>> -> memref<16xf32, #tpu.memory_space<vmem>>
      %dma_start3A_437 = arith.constant 0 : i32
      %dma_start3A_438 = tpu.memref_slice %arg5[%squeeze3A_425, %dma_start3A_437] : memref<1000000x16xf32, #tpu.memory_space<hbm>> -> memref<1x16xf32, #tpu.memory_space<hbm>>
      %dma_start3A_439 = tpu.memref_squeeze %dma_start3A_438 : memref<1x16xf32, #tpu.memory_space<hbm>> -> memref<16xf32, #tpu.memory_space<hbm>>
      tpu.enqueue_dma source(%dma_start3A_439 : memref<16xf32, #tpu.memory_space<hbm>>) target(%dma_start3A_436 : memref<16xf32, #tpu.memory_space<vmem>>) target_semaphore(%arg12 : memref<!tpu.dma_semaphore, #tpu.memory_space<semaphore_mem>>)
      %slice3A_440 = vector.extract_strided_slice %get3A_54 {offsets = [12], sizes = [1], strides = [1]} : vector<16xi32> to vector<1xi32>
      %squeeze3A_441 = vector.extract %slice3A_440[0] : i32 from vector<1xi32>
      %add3A_442 = arith.constant 12 : i32
      %add3A_443 = arith.addi %mul3A_51, %add3A_442 : i32
      %dma_start3A_444 = arith.constant 0 : i32
      %dma_start3A_445 = tpu.memref_slice %arg9[%add3A_443, %dma_start3A_444] : memref<256x16xf32, #tpu.memory_space<vmem>> -> memref<1x16xf32, #tpu.memory_space<vmem>>
      %dma_start3A_446 = tpu.memref_squeeze %dma_start3A_445 : memref<1x16xf32, #tpu.memory_space<vmem>> -> memref<16xf32, #tpu.memory_space<vmem>>
      %dma_start3A_447 = arith.constant 0 : i32
      %dma_start3A_448 = tpu.memref_slice %arg4[%squeeze3A_441, %dma_start3A_447] : memref<1000000x16xf32, #tpu.memory_space<hbm>> -> memref<1x16xf32, #tpu.memory_space<hbm>>
      %dma_start3A_449 = tpu.memref_squeeze %dma_start3A_448 : memref<1x16xf32, #tpu.memory_space<hbm>> -> memref<16xf32, #tpu.memory_space<hbm>>
      %dma_start3A_450 = arith.constant 0 : i32
      %dma_start3A_451 = tpu.memref_slice %arg9[%add3A_443, %dma_start3A_450] : memref<256x16xf32, #tpu.memory_space<vmem>> -> memref<1x16xf32, #tpu.memory_space<vmem>>
      %dma_start3A_452 = tpu.memref_squeeze %dma_start3A_451 : memref<1x16xf32, #tpu.memory_space<vmem>> -> memref<16xf32, #tpu.memory_space<vmem>>
      %dma_start3A_453 = arith.constant 0 : i32
      %dma_start3A_454 = tpu.memref_slice %arg4[%squeeze3A_441, %dma_start3A_453] : memref<1000000x16xf32, #tpu.memory_space<hbm>> -> memref<1x16xf32, #tpu.memory_space<hbm>>
      %dma_start3A_455 = tpu.memref_squeeze %dma_start3A_454 : memref<1x16xf32, #tpu.memory_space<hbm>> -> memref<16xf32, #tpu.memory_space<hbm>>
      tpu.enqueue_dma source(%dma_start3A_455 : memref<16xf32, #tpu.memory_space<hbm>>) target(%dma_start3A_452 : memref<16xf32, #tpu.memory_space<vmem>>) target_semaphore(%arg12 : memref<!tpu.dma_semaphore, #tpu.memory_space<semaphore_mem>>)
      %slice3A_456 = vector.extract_strided_slice %get3A_58 {offsets = [12], sizes = [1], strides = [1]} : vector<16xi32> to vector<1xi32>
      %squeeze3A_457 = vector.extract %slice3A_456[0] : i32 from vector<1xi32>
      %add3A_458 = arith.constant 12 : i32
      %add3A_459 = arith.addi %mul3A_51, %add3A_458 : i32
      %dma_start3A_460 = arith.constant 0 : i32
      %dma_start3A_461 = tpu.memref_slice %arg10[%add3A_459, %dma_start3A_460] : memref<256x16xf32, #tpu.memory_space<vmem>> -> memref<1x16xf32, #tpu.memory_space<vmem>>
      %dma_start3A_462 = tpu.memref_squeeze %dma_start3A_461 : memref<1x16xf32, #tpu.memory_space<vmem>> -> memref<16xf32, #tpu.memory_space<vmem>>
      %dma_start3A_463 = arith.constant 0 : i32
      %dma_start3A_464 = tpu.memref_slice %arg5[%squeeze3A_457, %dma_start3A_463] : memref<1000000x16xf32, #tpu.memory_space<hbm>> -> memref<1x16xf32, #tpu.memory_space<hbm>>
      %dma_start3A_465 = tpu.memref_squeeze %dma_start3A_464 : memref<1x16xf32, #tpu.memory_space<hbm>> -> memref<16xf32, #tpu.memory_space<hbm>>
      %dma_start3A_466 = arith.constant 0 : i32
      %dma_start3A_467 = tpu.memref_slice %arg10[%add3A_459, %dma_start3A_466] : memref<256x16xf32, #tpu.memory_space<vmem>> -> memref<1x16xf32, #tpu.memory_space<vmem>>
      %dma_start3A_468 = tpu.memref_squeeze %dma_start3A_467 : memref<1x16xf32, #tpu.memory_space<vmem>> -> memref<16xf32, #tpu.memory_space<vmem>>
      %dma_start3A_469 = arith.constant 0 : i32
      %dma_start3A_470 = tpu.memref_slice %arg5[%squeeze3A_457, %dma_start3A_469] : memref<1000000x16xf32, #tpu.memory_space<hbm>> -> memref<1x16xf32, #tpu.memory_space<hbm>>
      %dma_start3A_471 = tpu.memref_squeeze %dma_start3A_470 : memref<1x16xf32, #tpu.memory_space<hbm>> -> memref<16xf32, #tpu.memory_space<hbm>>
      tpu.enqueue_dma source(%dma_start3A_471 : memref<16xf32, #tpu.memory_space<hbm>>) target(%dma_start3A_468 : memref<16xf32, #tpu.memory_space<vmem>>) target_semaphore(%arg12 : memref<!tpu.dma_semaphore, #tpu.memory_space<semaphore_mem>>)
      %slice3A_472 = vector.extract_strided_slice %get3A_54 {offsets = [13], sizes = [1], strides = [1]} : vector<16xi32> to vector<1xi32>
      %squeeze3A_473 = vector.extract %slice3A_472[0] : i32 from vector<1xi32>
      %add3A_474 = arith.constant 13 : i32
      %add3A_475 = arith.addi %mul3A_51, %add3A_474 : i32
      %dma_start3A_476 = arith.constant 0 : i32
      %dma_start3A_477 = tpu.memref_slice %arg9[%add3A_475, %dma_start3A_476] : memref<256x16xf32, #tpu.memory_space<vmem>> -> memref<1x16xf32, #tpu.memory_space<vmem>>
      %dma_start3A_478 = tpu.memref_squeeze %dma_start3A_477 : memref<1x16xf32, #tpu.memory_space<vmem>> -> memref<16xf32, #tpu.memory_space<vmem>>
      %dma_start3A_479 = arith.constant 0 : i32
      %dma_start3A_480 = tpu.memref_slice %arg4[%squeeze3A_473, %dma_start3A_479] : memref<1000000x16xf32, #tpu.memory_space<hbm>> -> memref<1x16xf32, #tpu.memory_space<hbm>>
      %dma_start3A_481 = tpu.memref_squeeze %dma_start3A_480 : memref<1x16xf32, #tpu.memory_space<hbm>> -> memref<16xf32, #tpu.memory_space<hbm>>
      %dma_start3A_482 = arith.constant 0 : i32
      %dma_start3A_483 = tpu.memref_slice %arg9[%add3A_475, %dma_start3A_482] : memref<256x16xf32, #tpu.memory_space<vmem>> -> memref<1x16xf32, #tpu.memory_space<vmem>>
      %dma_start3A_484 = tpu.memref_squeeze %dma_start3A_483 : memref<1x16xf32, #tpu.memory_space<vmem>> -> memref<16xf32, #tpu.memory_space<vmem>>
      %dma_start3A_485 = arith.constant 0 : i32
      %dma_start3A_486 = tpu.memref_slice %arg4[%squeeze3A_473, %dma_start3A_485] : memref<1000000x16xf32, #tpu.memory_space<hbm>> -> memref<1x16xf32, #tpu.memory_space<hbm>>
      %dma_start3A_487 = tpu.memref_squeeze %dma_start3A_486 : memref<1x16xf32, #tpu.memory_space<hbm>> -> memref<16xf32, #tpu.memory_space<hbm>>
      tpu.enqueue_dma source(%dma_start3A_487 : memref<16xf32, #tpu.memory_space<hbm>>) target(%dma_start3A_484 : memref<16xf32, #tpu.memory_space<vmem>>) target_semaphore(%arg12 : memref<!tpu.dma_semaphore, #tpu.memory_space<semaphore_mem>>)
      %slice3A_488 = vector.extract_strided_slice %get3A_58 {offsets = [13], sizes = [1], strides = [1]} : vector<16xi32> to vector<1xi32>
      %squeeze3A_489 = vector.extract %slice3A_488[0] : i32 from vector<1xi32>
      %add3A_490 = arith.constant 13 : i32
      %add3A_491 = arith.addi %mul3A_51, %add3A_490 : i32
      %dma_start3A_492 = arith.constant 0 : i32
      %dma_start3A_493 = tpu.memref_slice %arg10[%add3A_491, %dma_start3A_492] : memref<256x16xf32, #tpu.memory_space<vmem>> -> memref<1x16xf32, #tpu.memory_space<vmem>>
      %dma_start3A_494 = tpu.memref_squeeze %dma_start3A_493 : memref<1x16xf32, #tpu.memory_space<vmem>> -> memref<16xf32, #tpu.memory_space<vmem>>
      %dma_start3A_495 = arith.constant 0 : i32
      %dma_start3A_496 = tpu.memref_slice %arg5[%squeeze3A_489, %dma_start3A_495] : memref<1000000x16xf32, #tpu.memory_space<hbm>> -> memref<1x16xf32, #tpu.memory_space<hbm>>
      %dma_start3A_497 = tpu.memref_squeeze %dma_start3A_496 : memref<1x16xf32, #tpu.memory_space<hbm>> -> memref<16xf32, #tpu.memory_space<hbm>>
      %dma_start3A_498 = arith.constant 0 : i32
      %dma_start3A_499 = tpu.memref_slice %arg10[%add3A_491, %dma_start3A_498] : memref<256x16xf32, #tpu.memory_space<vmem>> -> memref<1x16xf32, #tpu.memory_space<vmem>>
      %dma_start3A_500 = tpu.memref_squeeze %dma_start3A_499 : memref<1x16xf32, #tpu.memory_space<vmem>> -> memref<16xf32, #tpu.memory_space<vmem>>
      %dma_start3A_501 = arith.constant 0 : i32
      %dma_start3A_502 = tpu.memref_slice %arg5[%squeeze3A_489, %dma_start3A_501] : memref<1000000x16xf32, #tpu.memory_space<hbm>> -> memref<1x16xf32, #tpu.memory_space<hbm>>
      %dma_start3A_503 = tpu.memref_squeeze %dma_start3A_502 : memref<1x16xf32, #tpu.memory_space<hbm>> -> memref<16xf32, #tpu.memory_space<hbm>>
      tpu.enqueue_dma source(%dma_start3A_503 : memref<16xf32, #tpu.memory_space<hbm>>) target(%dma_start3A_500 : memref<16xf32, #tpu.memory_space<vmem>>) target_semaphore(%arg12 : memref<!tpu.dma_semaphore, #tpu.memory_space<semaphore_mem>>)
      %slice3A_504 = vector.extract_strided_slice %get3A_54 {offsets = [14], sizes = [1], strides = [1]} : vector<16xi32> to vector<1xi32>
      %squeeze3A_505 = vector.extract %slice3A_504[0] : i32 from vector<1xi32>
      %add3A_506 = arith.constant 14 : i32
      %add3A_507 = arith.addi %mul3A_51, %add3A_506 : i32
      %dma_start3A_508 = arith.constant 0 : i32
      %dma_start3A_509 = tpu.memref_slice %arg9[%add3A_507, %dma_start3A_508] : memref<256x16xf32, #tpu.memory_space<vmem>> -> memref<1x16xf32, #tpu.memory_space<vmem>>
      %dma_start3A_510 = tpu.memref_squeeze %dma_start3A_509 : memref<1x16xf32, #tpu.memory_space<vmem>> -> memref<16xf32, #tpu.memory_space<vmem>>
      %dma_start3A_511 = arith.constant 0 : i32
      %dma_start3A_512 = tpu.memref_slice %arg4[%squeeze3A_505, %dma_start3A_511] : memref<1000000x16xf32, #tpu.memory_space<hbm>> -> memref<1x16xf32, #tpu.memory_space<hbm>>
      %dma_start3A_513 = tpu.memref_squeeze %dma_start3A_512 : memref<1x16xf32, #tpu.memory_space<hbm>> -> memref<16xf32, #tpu.memory_space<hbm>>
      %dma_start3A_514 = arith.constant 0 : i32
      %dma_start3A_515 = tpu.memref_slice %arg9[%add3A_507, %dma_start3A_514] : memref<256x16xf32, #tpu.memory_space<vmem>> -> memref<1x16xf32, #tpu.memory_space<vmem>>
      %dma_start3A_516 = tpu.memref_squeeze %dma_start3A_515 : memref<1x16xf32, #tpu.memory_space<vmem>> -> memref<16xf32, #tpu.memory_space<vmem>>
      %dma_start3A_517 = arith.constant 0 : i32
      %dma_start3A_518 = tpu.memref_slice %arg4[%squeeze3A_505, %dma_start3A_517] : memref<1000000x16xf32, #tpu.memory_space<hbm>> -> memref<1x16xf32, #tpu.memory_space<hbm>>
      %dma_start3A_519 = tpu.memref_squeeze %dma_start3A_518 : memref<1x16xf32, #tpu.memory_space<hbm>> -> memref<16xf32, #tpu.memory_space<hbm>>
      tpu.enqueue_dma source(%dma_start3A_519 : memref<16xf32, #tpu.memory_space<hbm>>) target(%dma_start3A_516 : memref<16xf32, #tpu.memory_space<vmem>>) target_semaphore(%arg12 : memref<!tpu.dma_semaphore, #tpu.memory_space<semaphore_mem>>)
      %slice3A_520 = vector.extract_strided_slice %get3A_58 {offsets = [14], sizes = [1], strides = [1]} : vector<16xi32> to vector<1xi32>
      %squeeze3A_521 = vector.extract %slice3A_520[0] : i32 from vector<1xi32>
      %add3A_522 = arith.constant 14 : i32
      %add3A_523 = arith.addi %mul3A_51, %add3A_522 : i32
      %dma_start3A_524 = arith.constant 0 : i32
      %dma_start3A_525 = tpu.memref_slice %arg10[%add3A_523, %dma_start3A_524] : memref<256x16xf32, #tpu.memory_space<vmem>> -> memref<1x16xf32, #tpu.memory_space<vmem>>
      %dma_start3A_526 = tpu.memref_squeeze %dma_start3A_525 : memref<1x16xf32, #tpu.memory_space<vmem>> -> memref<16xf32, #tpu.memory_space<vmem>>
      %dma_start3A_527 = arith.constant 0 : i32
      %dma_start3A_528 = tpu.memref_slice %arg5[%squeeze3A_521, %dma_start3A_527] : memref<1000000x16xf32, #tpu.memory_space<hbm>> -> memref<1x16xf32, #tpu.memory_space<hbm>>
      %dma_start3A_529 = tpu.memref_squeeze %dma_start3A_528 : memref<1x16xf32, #tpu.memory_space<hbm>> -> memref<16xf32, #tpu.memory_space<hbm>>
      %dma_start3A_530 = arith.constant 0 : i32
      %dma_start3A_531 = tpu.memref_slice %arg10[%add3A_523, %dma_start3A_530] : memref<256x16xf32, #tpu.memory_space<vmem>> -> memref<1x16xf32, #tpu.memory_space<vmem>>
      %dma_start3A_532 = tpu.memref_squeeze %dma_start3A_531 : memref<1x16xf32, #tpu.memory_space<vmem>> -> memref<16xf32, #tpu.memory_space<vmem>>
      %dma_start3A_533 = arith.constant 0 : i32
      %dma_start3A_534 = tpu.memref_slice %arg5[%squeeze3A_521, %dma_start3A_533] : memref<1000000x16xf32, #tpu.memory_space<hbm>> -> memref<1x16xf32, #tpu.memory_space<hbm>>
      %dma_start3A_535 = tpu.memref_squeeze %dma_start3A_534 : memref<1x16xf32, #tpu.memory_space<hbm>> -> memref<16xf32, #tpu.memory_space<hbm>>
      tpu.enqueue_dma source(%dma_start3A_535 : memref<16xf32, #tpu.memory_space<hbm>>) target(%dma_start3A_532 : memref<16xf32, #tpu.memory_space<vmem>>) target_semaphore(%arg12 : memref<!tpu.dma_semaphore, #tpu.memory_space<semaphore_mem>>)
      %slice3A_536 = vector.extract_strided_slice %get3A_54 {offsets = [15], sizes = [1], strides = [1]} : vector<16xi32> to vector<1xi32>
      %squeeze3A_537 = vector.extract %slice3A_536[0] : i32 from vector<1xi32>
      %add3A_538 = arith.constant 15 : i32
      %add3A_539 = arith.addi %mul3A_51, %add3A_538 : i32
      %dma_start3A_540 = arith.constant 0 : i32
      %dma_start3A_541 = tpu.memref_slice %arg9[%add3A_539, %dma_start3A_540] : memref<256x16xf32, #tpu.memory_space<vmem>> -> memref<1x16xf32, #tpu.memory_space<vmem>>
      %dma_start3A_542 = tpu.memref_squeeze %dma_start3A_541 : memref<1x16xf32, #tpu.memory_space<vmem>> -> memref<16xf32, #tpu.memory_space<vmem>>
      %dma_start3A_543 = arith.constant 0 : i32
      %dma_start3A_544 = tpu.memref_slice %arg4[%squeeze3A_537, %dma_start3A_543] : memref<1000000x16xf32, #tpu.memory_space<hbm>> -> memref<1x16xf32, #tpu.memory_space<hbm>>
      %dma_start3A_545 = tpu.memref_squeeze %dma_start3A_544 : memref<1x16xf32, #tpu.memory_space<hbm>> -> memref<16xf32, #tpu.memory_space<hbm>>
      %dma_start3A_546 = arith.constant 0 : i32
      %dma_start3A_547 = tpu.memref_slice %arg9[%add3A_539, %dma_start3A_546] : memref<256x16xf32, #tpu.memory_space<vmem>> -> memref<1x16xf32, #tpu.memory_space<vmem>>
      %dma_start3A_548 = tpu.memref_squeeze %dma_start3A_547 : memref<1x16xf32, #tpu.memory_space<vmem>> -> memref<16xf32, #tpu.memory_space<vmem>>
      %dma_start3A_549 = arith.constant 0 : i32
      %dma_start3A_550 = tpu.memref_slice %arg4[%squeeze3A_537, %dma_start3A_549] : memref<1000000x16xf32, #tpu.memory_space<hbm>> -> memref<1x16xf32, #tpu.memory_space<hbm>>
      %dma_start3A_551 = tpu.memref_squeeze %dma_start3A_550 : memref<1x16xf32, #tpu.memory_space<hbm>> -> memref<16xf32, #tpu.memory_space<hbm>>
      tpu.enqueue_dma source(%dma_start3A_551 : memref<16xf32, #tpu.memory_space<hbm>>) target(%dma_start3A_548 : memref<16xf32, #tpu.memory_space<vmem>>) target_semaphore(%arg12 : memref<!tpu.dma_semaphore, #tpu.memory_space<semaphore_mem>>)
      %slice3A_552 = vector.extract_strided_slice %get3A_58 {offsets = [15], sizes = [1], strides = [1]} : vector<16xi32> to vector<1xi32>
      %squeeze3A_553 = vector.extract %slice3A_552[0] : i32 from vector<1xi32>
      %add3A_554 = arith.constant 15 : i32
      %add3A_555 = arith.addi %mul3A_51, %add3A_554 : i32
      %dma_start3A_556 = arith.constant 0 : i32
      %dma_start3A_557 = tpu.memref_slice %arg10[%add3A_555, %dma_start3A_556] : memref<256x16xf32, #tpu.memory_space<vmem>> -> memref<1x16xf32, #tpu.memory_space<vmem>>
      %dma_start3A_558 = tpu.memref_squeeze %dma_start3A_557 : memref<1x16xf32, #tpu.memory_space<vmem>> -> memref<16xf32, #tpu.memory_space<vmem>>
      %dma_start3A_559 = arith.constant 0 : i32
      %dma_start3A_560 = tpu.memref_slice %arg5[%squeeze3A_553, %dma_start3A_559] : memref<1000000x16xf32, #tpu.memory_space<hbm>> -> memref<1x16xf32, #tpu.memory_space<hbm>>
      %dma_start3A_561 = tpu.memref_squeeze %dma_start3A_560 : memref<1x16xf32, #tpu.memory_space<hbm>> -> memref<16xf32, #tpu.memory_space<hbm>>
      %dma_start3A_562 = arith.constant 0 : i32
      %dma_start3A_563 = tpu.memref_slice %arg10[%add3A_555, %dma_start3A_562] : memref<256x16xf32, #tpu.memory_space<vmem>> -> memref<1x16xf32, #tpu.memory_space<vmem>>
      %dma_start3A_564 = tpu.memref_squeeze %dma_start3A_563 : memref<1x16xf32, #tpu.memory_space<vmem>> -> memref<16xf32, #tpu.memory_space<vmem>>
      %dma_start3A_565 = arith.constant 0 : i32
      %dma_start3A_566 = tpu.memref_slice %arg5[%squeeze3A_553, %dma_start3A_565] : memref<1000000x16xf32, #tpu.memory_space<hbm>> -> memref<1x16xf32, #tpu.memory_space<hbm>>
      %dma_start3A_567 = tpu.memref_squeeze %dma_start3A_566 : memref<1x16xf32, #tpu.memory_space<hbm>> -> memref<16xf32, #tpu.memory_space<hbm>>
      tpu.enqueue_dma source(%dma_start3A_567 : memref<16xf32, #tpu.memory_space<hbm>>) target(%dma_start3A_564 : memref<16xf32, #tpu.memory_space<vmem>>) target_semaphore(%arg12 : memref<!tpu.dma_semaphore, #tpu.memory_space<semaphore_mem>>)
    }
    %scan3A_7 = arith.constant 16 : i32
    %dma_wait3A = arith.constant 0 : i32
    %dma_wait3A_8 = arith.constant 0 : i32
    %dma_wait3A_9 = tpu.memref_slice %arg4[%dma_wait3A, %dma_wait3A_8] : memref<1000000x16xf32, #tpu.memory_space<hbm>> -> memref<256x16xf32, #tpu.memory_space<hbm>>
    %dma_wait3A_10 = arith.constant 0 : i32
    %dma_wait3A_11 = arith.constant 0 : i32
    %dma_wait3A_12 = tpu.memref_slice %arg4[%dma_wait3A_10, %dma_wait3A_11] : memref<1000000x16xf32, #tpu.memory_space<hbm>> -> memref<256x16xf32, #tpu.memory_space<hbm>>
    tpu.wait_dma2 semaphore(%arg12 : memref<!tpu.dma_semaphore, #tpu.memory_space<semaphore_mem>>) src(%dma_wait3A_12 : memref<256x16xf32, #tpu.memory_space<hbm>>) dst(%arg9 : memref<256x16xf32, #tpu.memory_space<vmem>>)
    %dma_wait3A_13 = arith.constant 0 : i32
    %dma_wait3A_14 = arith.constant 0 : i32
    %dma_wait3A_15 = tpu.memref_slice %arg4[%dma_wait3A_13, %dma_wait3A_14] : memref<1000000x16xf32, #tpu.memory_space<hbm>> -> memref<256x16xf32, #tpu.memory_space<hbm>>
    %dma_wait3A_16 = arith.constant 0 : i32
    %dma_wait3A_17 = arith.constant 0 : i32
    %dma_wait3A_18 = tpu.memref_slice %arg4[%dma_wait3A_16, %dma_wait3A_17] : memref<1000000x16xf32, #tpu.memory_space<hbm>> -> memref<256x16xf32, #tpu.memory_space<hbm>>
    tpu.wait_dma2 semaphore(%arg12 : memref<!tpu.dma_semaphore, #tpu.memory_space<semaphore_mem>>) src(%dma_wait3A_18 : memref<256x16xf32, #tpu.memory_space<hbm>>) dst(%arg10 : memref<256x16xf32, #tpu.memory_space<vmem>>)
    %scan3A_19 = arith.constant 0 : i32
    %scan3A_20 = arith.constant 0 : i32
    %scan3A_21 = arith.constant 16 : i32
    %scan3A_22 = arith.addi %scan3A_20, %scan3A_21 : i32
    %scan3A_23 = arith.constant 1 : i32
    scf.for %scan3A_49 = %scan3A_20 to %scan3A_22 step %scan3A_23  : i32 {
      %mul3A_50 = arith.constant 16 : i32
      %mul3A_51 = arith.muli %scan3A_49, %mul3A_50 : i32
      %iota3A = tpu.iota {dimensions = array<i32: 0>} : vector<16xi32>
      %add3A_52 = vector.broadcast %mul3A_51 : i32 to vector<16xi32>
      %add3A_53 = arith.addi %add3A_52, %iota3A : vector<16xi32>
      %broadcast_in_dim3A = arith.constant 0.000000e+00 : f32
      %broadcast_in_dim3A_54 = vector.broadcast %broadcast_in_dim3A : f32 to vector<16xf32>
      %broadcast_in_dim3A_55 = arith.constant 0 : i32
      %broadcast_in_dim3A_56 = vector.broadcast %broadcast_in_dim3A_55 : i32 to vector<16xi32>
      %gather3A = tpu.vector_load_idx %arg9[%add3A_53, %broadcast_in_dim3A_56] : memref<256x16xf32, #tpu.memory_space<vmem>>[vector<16xi32>, vector<16xi32>], vector<16xf32>,
      %gather3A_57 = tpu.vector_load_idx %arg10[%add3A_53, %broadcast_in_dim3A_56] : memref<256x16xf32, #tpu.memory_space<vmem>>[vector<16xi32>, vector<16xi32>], vector<16xf32>,
      %mul3A_58 = arith.mulf %gather3A, %gather3A_57 : vector<16xf32>
      %add3A_59 = arith.addf %broadcast_in_dim3A_54, %mul3A_58 : vector<16xf32>
      %broadcast_in_dim3A_60 = arith.constant 1 : i32
      %broadcast_in_dim3A_61 = vector.broadcast %broadcast_in_dim3A_60 : i32 to vector<16xi32>
      %gather3A_62 = tpu.vector_load_idx %arg9[%add3A_53, %broadcast_in_dim3A_61] : memref<256x16xf32, #tpu.memory_space<vmem>>[vector<16xi32>, vector<16xi32>], vector<16xf32>,
      %gather3A_63 = tpu.vector_load_idx %arg10[%add3A_53, %broadcast_in_dim3A_61] : memref<256x16xf32, #tpu.memory_space<vmem>>[vector<16xi32>, vector<16xi32>], vector<16xf32>,
      %mul3A_64 = arith.mulf %gather3A_62, %gather3A_63 : vector<16xf32>
      %add3A_65 = arith.addf %add3A_59, %mul3A_64 : vector<16xf32>
      %broadcast_in_dim3A_66 = arith.constant 2 : i32
      %broadcast_in_dim3A_67 = vector.broadcast %broadcast_in_dim3A_66 : i32 to vector<16xi32>
      %gather3A_68 = tpu.vector_load_idx %arg9[%add3A_53, %broadcast_in_dim3A_67] : memref<256x16xf32, #tpu.memory_space<vmem>>[vector<16xi32>, vector<16xi32>], vector<16xf32>,
      %gather3A_69 = tpu.vector_load_idx %arg10[%add3A_53, %broadcast_in_dim3A_67] : memref<256x16xf32, #tpu.memory_space<vmem>>[vector<16xi32>, vector<16xi32>], vector<16xf32>,
      %mul3A_70 = arith.mulf %gather3A_68, %gather3A_69 : vector<16xf32>
      %add3A_71 = arith.addf %add3A_65, %mul3A_70 : vector<16xf32>
      %broadcast_in_dim3A_72 = arith.constant 3 : i32
      %broadcast_in_dim3A_73 = vector.broadcast %broadcast_in_dim3A_72 : i32 to vector<16xi32>
      %gather3A_74 = tpu.vector_load_idx %arg9[%add3A_53, %broadcast_in_dim3A_73] : memref<256x16xf32, #tpu.memory_space<vmem>>[vector<16xi32>, vector<16xi32>], vector<16xf32>,
      %gather3A_75 = tpu.vector_load_idx %arg10[%add3A_53, %broadcast_in_dim3A_73] : memref<256x16xf32, #tpu.memory_space<vmem>>[vector<16xi32>, vector<16xi32>], vector<16xf32>,
      %mul3A_76 = arith.mulf %gather3A_74, %gather3A_75 : vector<16xf32>
      %add3A_77 = arith.addf %add3A_71, %mul3A_76 : vector<16xf32>
      %broadcast_in_dim3A_78 = arith.constant 4 : i32
      %broadcast_in_dim3A_79 = vector.broadcast %broadcast_in_dim3A_78 : i32 to vector<16xi32>
      %gather3A_80 = tpu.vector_load_idx %arg9[%add3A_53, %broadcast_in_dim3A_79] : memref<256x16xf32, #tpu.memory_space<vmem>>[vector<16xi32>, vector<16xi32>], vector<16xf32>,
      %gather3A_81 = tpu.vector_load_idx %arg10[%add3A_53, %broadcast_in_dim3A_79] : memref<256x16xf32, #tpu.memory_space<vmem>>[vector<16xi32>, vector<16xi32>], vector<16xf32>,
      %mul3A_82 = arith.mulf %gather3A_80, %gather3A_81 : vector<16xf32>
      %add3A_83 = arith.addf %add3A_77, %mul3A_82 : vector<16xf32>
      %broadcast_in_dim3A_84 = arith.constant 5 : i32
      %broadcast_in_dim3A_85 = vector.broadcast %broadcast_in_dim3A_84 : i32 to vector<16xi32>
      %gather3A_86 = tpu.vector_load_idx %arg9[%add3A_53, %broadcast_in_dim3A_85] : memref<256x16xf32, #tpu.memory_space<vmem>>[vector<16xi32>, vector<16xi32>], vector<16xf32>,
      %gather3A_87 = tpu.vector_load_idx %arg10[%add3A_53, %broadcast_in_dim3A_85] : memref<256x16xf32, #tpu.memory_space<vmem>>[vector<16xi32>, vector<16xi32>], vector<16xf32>,
      %mul3A_88 = arith.mulf %gather3A_86, %gather3A_87 : vector<16xf32>
      %add3A_89 = arith.addf %add3A_83, %mul3A_88 : vector<16xf32>
      %broadcast_in_dim3A_90 = arith.constant 6 : i32
      %broadcast_in_dim3A_91 = vector.broadcast %broadcast_in_dim3A_90 : i32 to vector<16xi32>
      %gather3A_92 = tpu.vector_load_idx %arg9[%add3A_53, %broadcast_in_dim3A_91] : memref<256x16xf32, #tpu.memory_space<vmem>>[vector<16xi32>, vector<16xi32>], vector<16xf32>,
      %gather3A_93 = tpu.vector_load_idx %arg10[%add3A_53, %broadcast_in_dim3A_91] : memref<256x16xf32, #tpu.memory_space<vmem>>[vector<16xi32>, vector<16xi32>], vector<16xf32>,
      %mul3A_94 = arith.mulf %gather3A_92, %gather3A_93 : vector<16xf32>
      %add3A_95 = arith.addf %add3A_89, %mul3A_94 : vector<16xf32>
      %broadcast_in_dim3A_96 = arith.constant 7 : i32
      %broadcast_in_dim3A_97 = vector.broadcast %broadcast_in_dim3A_96 : i32 to vector<16xi32>
      %gather3A_98 = tpu.vector_load_idx %arg9[%add3A_53, %broadcast_in_dim3A_97] : memref<256x16xf32, #tpu.memory_space<vmem>>[vector<16xi32>, vector<16xi32>], vector<16xf32>,
      %gather3A_99 = tpu.vector_load_idx %arg10[%add3A_53, %broadcast_in_dim3A_97] : memref<256x16xf32, #tpu.memory_space<vmem>>[vector<16xi32>, vector<16xi32>], vector<16xf32>,
      %mul3A_100 = arith.mulf %gather3A_98, %gather3A_99 : vector<16xf32>
      %add3A_101 = arith.addf %add3A_95, %mul3A_100 : vector<16xf32>
      %broadcast_in_dim3A_102 = arith.constant 8 : i32
      %broadcast_in_dim3A_103 = vector.broadcast %broadcast_in_dim3A_102 : i32 to vector<16xi32>
      %gather3A_104 = tpu.vector_load_idx %arg9[%add3A_53, %broadcast_in_dim3A_103] : memref<256x16xf32, #tpu.memory_space<vmem>>[vector<16xi32>, vector<16xi32>], vector<16xf32>,
      %gather3A_105 = tpu.vector_load_idx %arg10[%add3A_53, %broadcast_in_dim3A_103] : memref<256x16xf32, #tpu.memory_space<vmem>>[vector<16xi32>, vector<16xi32>], vector<16xf32>,
      %mul3A_106 = arith.mulf %gather3A_104, %gather3A_105 : vector<16xf32>
      %add3A_107 = arith.addf %add3A_101, %mul3A_106 : vector<16xf32>
      %broadcast_in_dim3A_108 = arith.constant 9 : i32
      %broadcast_in_dim3A_109 = vector.broadcast %broadcast_in_dim3A_108 : i32 to vector<16xi32>
      %gather3A_110 = tpu.vector_load_idx %arg9[%add3A_53, %broadcast_in_dim3A_109] : memref<256x16xf32, #tpu.memory_space<vmem>>[vector<16xi32>, vector<16xi32>], vector<16xf32>,
      %gather3A_111 = tpu.vector_load_idx %arg10[%add3A_53, %broadcast_in_dim3A_109] : memref<256x16xf32, #tpu.memory_space<vmem>>[vector<16xi32>, vector<16xi32>], vector<16xf32>,
      %mul3A_112 = arith.mulf %gather3A_110, %gather3A_111 : vector<16xf32>
      %add3A_113 = arith.addf %add3A_107, %mul3A_112 : vector<16xf32>
      %broadcast_in_dim3A_114 = arith.constant 10 : i32
      %broadcast_in_dim3A_115 = vector.broadcast %broadcast_in_dim3A_114 : i32 to vector<16xi32>
      %gather3A_116 = tpu.vector_load_idx %arg9[%add3A_53, %broadcast_in_dim3A_115] : memref<256x16xf32, #tpu.memory_space<vmem>>[vector<16xi32>, vector<16xi32>], vector<16xf32>,
      %gather3A_117 = tpu.vector_load_idx %arg10[%add3A_53, %broadcast_in_dim3A_115] : memref<256x16xf32, #tpu.memory_space<vmem>>[vector<16xi32>, vector<16xi32>], vector<16xf32>,
      %mul3A_118 = arith.mulf %gather3A_116, %gather3A_117 : vector<16xf32>
      %add3A_119 = arith.addf %add3A_113, %mul3A_118 : vector<16xf32>
      %broadcast_in_dim3A_120 = arith.constant 11 : i32
      %broadcast_in_dim3A_121 = vector.broadcast %broadcast_in_dim3A_120 : i32 to vector<16xi32>
      %gather3A_122 = tpu.vector_load_idx %arg9[%add3A_53, %broadcast_in_dim3A_121] : memref<256x16xf32, #tpu.memory_space<vmem>>[vector<16xi32>, vector<16xi32>], vector<16xf32>,
      %gather3A_123 = tpu.vector_load_idx %arg10[%add3A_53, %broadcast_in_dim3A_121] : memref<256x16xf32, #tpu.memory_space<vmem>>[vector<16xi32>, vector<16xi32>], vector<16xf32>,
      %mul3A_124 = arith.mulf %gather3A_122, %gather3A_123 : vector<16xf32>
      %add3A_125 = arith.addf %add3A_119, %mul3A_124 : vector<16xf32>
      %broadcast_in_dim3A_126 = arith.constant 12 : i32
      %broadcast_in_dim3A_127 = vector.broadcast %broadcast_in_dim3A_126 : i32 to vector<16xi32>
      %gather3A_128 = tpu.vector_load_idx %arg9[%add3A_53, %broadcast_in_dim3A_127] : memref<256x16xf32, #tpu.memory_space<vmem>>[vector<16xi32>, vector<16xi32>], vector<16xf32>,
      %gather3A_129 = tpu.vector_load_idx %arg10[%add3A_53, %broadcast_in_dim3A_127] : memref<256x16xf32, #tpu.memory_space<vmem>>[vector<16xi32>, vector<16xi32>], vector<16xf32>,
      %mul3A_130 = arith.mulf %gather3A_128, %gather3A_129 : vector<16xf32>
      %add3A_131 = arith.addf %add3A_125, %mul3A_130 : vector<16xf32>
      %broadcast_in_dim3A_132 = arith.constant 13 : i32
      %broadcast_in_dim3A_133 = vector.broadcast %broadcast_in_dim3A_132 : i32 to vector<16xi32>
      %gather3A_134 = tpu.vector_load_idx %arg9[%add3A_53, %broadcast_in_dim3A_133] : memref<256x16xf32, #tpu.memory_space<vmem>>[vector<16xi32>, vector<16xi32>], vector<16xf32>,
      %gather3A_135 = tpu.vector_load_idx %arg10[%add3A_53, %broadcast_in_dim3A_133] : memref<256x16xf32, #tpu.memory_space<vmem>>[vector<16xi32>, vector<16xi32>], vector<16xf32>,
      %mul3A_136 = arith.mulf %gather3A_134, %gather3A_135 : vector<16xf32>
      %add3A_137 = arith.addf %add3A_131, %mul3A_136 : vector<16xf32>
      %broadcast_in_dim3A_138 = arith.constant 14 : i32
      %broadcast_in_dim3A_139 = vector.broadcast %broadcast_in_dim3A_138 : i32 to vector<16xi32>
      %gather3A_140 = tpu.vector_load_idx %arg9[%add3A_53, %broadcast_in_dim3A_139] : memref<256x16xf32, #tpu.memory_space<vmem>>[vector<16xi32>, vector<16xi32>], vector<16xf32>,
      %gather3A_141 = tpu.vector_load_idx %arg10[%add3A_53, %broadcast_in_dim3A_139] : memref<256x16xf32, #tpu.memory_space<vmem>>[vector<16xi32>, vector<16xi32>], vector<16xf32>,
      %mul3A_142 = arith.mulf %gather3A_140, %gather3A_141 : vector<16xf32>
      %add3A_143 = arith.addf %add3A_137, %mul3A_142 : vector<16xf32>
      %broadcast_in_dim3A_144 = arith.constant 15 : i32
      %broadcast_in_dim3A_145 = vector.broadcast %broadcast_in_dim3A_144 : i32 to vector<16xi32>
      %gather3A_146 = tpu.vector_load_idx %arg9[%add3A_53, %broadcast_in_dim3A_145] : memref<256x16xf32, #tpu.memory_space<vmem>>[vector<16xi32>, vector<16xi32>], vector<16xf32>,
      %gather3A_147 = tpu.vector_load_idx %arg10[%add3A_53, %broadcast_in_dim3A_145] : memref<256x16xf32, #tpu.memory_space<vmem>>[vector<16xi32>, vector<16xi32>], vector<16xf32>,
      %mul3A_148 = arith.mulf %gather3A_146, %gather3A_147 : vector<16xf32>
      %add3A_149 = arith.addf %add3A_143, %mul3A_148 : vector<16xf32>
      %mul3A_150 = arith.constant 16 : i32
      %mul3A_151 = arith.muli %scan3A_49, %mul3A_150 : i32
      %add3A_152 = arith.constant 0 : i32
      %add3A_153 = arith.addi %add3A_152, %mul3A_151 : i32
      %swap3A = arith.index_cast %add3A_153 : i32 to index
      %swap3A_154 = tpu.vector_load %arg11[%swap3A] {strides = array<i32>} : memref<512xf32, #tpu.memory_space<vmem>>, vector<16xf32>,
      tpu.vector_store %arg11[%swap3A], %add3A_149 {strides = array<i32>} : memref<512xf32, #tpu.memory_space<vmem>>, vector<16xf32>,
    }
    %scan3A_24 = arith.constant 16 : i32
    %scan3A_25 = arith.constant 0 : i32
    %scan3A_26 = arith.constant 0 : i32
    %scan3A_27 = arith.constant 16 : i32
    %scan3A_28 = arith.addi %scan3A_26, %scan3A_27 : i32
    %scan3A_29 = arith.constant 1 : i32
    scf.for %scan3A_49 = %scan3A_26 to %scan3A_28 step %scan3A_29  : i32 {
      %mul3A_50 = arith.constant 16 : i32
      %mul3A_51 = arith.muli %scan3A_49, %mul3A_50 : i32
      %add3A_52 = arith.constant 256 : i32
      %add3A_53 = arith.addi %add3A_52, %mul3A_51 : i32
      %get3A = arith.index_cast %add3A_53 : i32 to index
      %get3A_54 = tpu.vector_load %arg7[%get3A] {strides = array<i32>} : memref<512xi32, #tpu.memory_space<vmem>>, vector<16xi32>,
      %add3A_55 = arith.constant 256 : i32
      %add3A_56 = arith.addi %add3A_55, %mul3A_51 : i32
      %get3A_57 = arith.index_cast %add3A_56 : i32 to index
      %get3A_58 = tpu.vector_load %arg8[%get3A_57] {strides = array<i32>} : memref<512xi32, #tpu.memory_space<vmem>>, vector<16xi32>,
      %slice3A = vector.extract_strided_slice %get3A_54 {offsets = [0], sizes = [1], strides = [1]} : vector<16xi32> to vector<1xi32>
      %squeeze3A = vector.extract %slice3A[0] : i32 from vector<1xi32>
      %add3A_59 = arith.constant 0 : i32
      %add3A_60 = arith.addi %mul3A_51, %add3A_59 : i32
      %dma_start3A = arith.constant 0 : i32
      %dma_start3A_61 = tpu.memref_slice %arg9[%add3A_60, %dma_start3A] : memref<256x16xf32, #tpu.memory_space<vmem>> -> memref<1x16xf32, #tpu.memory_space<vmem>>
      %dma_start3A_62 = tpu.memref_squeeze %dma_start3A_61 : memref<1x16xf32, #tpu.memory_space<vmem>> -> memref<16xf32, #tpu.memory_space<vmem>>
      %dma_start3A_63 = arith.constant 0 : i32
      %dma_start3A_64 = tpu.memref_slice %arg4[%squeeze3A, %dma_start3A_63] : memref<1000000x16xf32, #tpu.memory_space<hbm>> -> memref<1x16xf32, #tpu.memory_space<hbm>>
      %dma_start3A_65 = tpu.memref_squeeze %dma_start3A_64 : memref<1x16xf32, #tpu.memory_space<hbm>> -> memref<16xf32, #tpu.memory_space<hbm>>
      %dma_start3A_66 = arith.constant 0 : i32
      %dma_start3A_67 = tpu.memref_slice %arg9[%add3A_60, %dma_start3A_66] : memref<256x16xf32, #tpu.memory_space<vmem>> -> memref<1x16xf32, #tpu.memory_space<vmem>>
      %dma_start3A_68 = tpu.memref_squeeze %dma_start3A_67 : memref<1x16xf32, #tpu.memory_space<vmem>> -> memref<16xf32, #tpu.memory_space<vmem>>
      %dma_start3A_69 = arith.constant 0 : i32
      %dma_start3A_70 = tpu.memref_slice %arg4[%squeeze3A, %dma_start3A_69] : memref<1000000x16xf32, #tpu.memory_space<hbm>> -> memref<1x16xf32, #tpu.memory_space<hbm>>
      %dma_start3A_71 = tpu.memref_squeeze %dma_start3A_70 : memref<1x16xf32, #tpu.memory_space<hbm>> -> memref<16xf32, #tpu.memory_space<hbm>>
      tpu.enqueue_dma source(%dma_start3A_71 : memref<16xf32, #tpu.memory_space<hbm>>) target(%dma_start3A_68 : memref<16xf32, #tpu.memory_space<vmem>>) target_semaphore(%arg12 : memref<!tpu.dma_semaphore, #tpu.memory_space<semaphore_mem>>)
      %slice3A_72 = vector.extract_strided_slice %get3A_58 {offsets = [0], sizes = [1], strides = [1]} : vector<16xi32> to vector<1xi32>
      %squeeze3A_73 = vector.extract %slice3A_72[0] : i32 from vector<1xi32>
      %add3A_74 = arith.constant 0 : i32
      %add3A_75 = arith.addi %mul3A_51, %add3A_74 : i32
      %dma_start3A_76 = arith.constant 0 : i32
      %dma_start3A_77 = tpu.memref_slice %arg10[%add3A_75, %dma_start3A_76] : memref<256x16xf32, #tpu.memory_space<vmem>> -> memref<1x16xf32, #tpu.memory_space<vmem>>
      %dma_start3A_78 = tpu.memref_squeeze %dma_start3A_77 : memref<1x16xf32, #tpu.memory_space<vmem>> -> memref<16xf32, #tpu.memory_space<vmem>>
      %dma_start3A_79 = arith.constant 0 : i32
      %dma_start3A_80 = tpu.memref_slice %arg5[%squeeze3A_73, %dma_start3A_79] : memref<1000000x16xf32, #tpu.memory_space<hbm>> -> memref<1x16xf32, #tpu.memory_space<hbm>>
      %dma_start3A_81 = tpu.memref_squeeze %dma_start3A_80 : memref<1x16xf32, #tpu.memory_space<hbm>> -> memref<16xf32, #tpu.memory_space<hbm>>
      %dma_start3A_82 = arith.constant 0 : i32
      %dma_start3A_83 = tpu.memref_slice %arg10[%add3A_75, %dma_start3A_82] : memref<256x16xf32, #tpu.memory_space<vmem>> -> memref<1x16xf32, #tpu.memory_space<vmem>>
      %dma_start3A_84 = tpu.memref_squeeze %dma_start3A_83 : memref<1x16xf32, #tpu.memory_space<vmem>> -> memref<16xf32, #tpu.memory_space<vmem>>
      %dma_start3A_85 = arith.constant 0 : i32
      %dma_start3A_86 = tpu.memref_slice %arg5[%squeeze3A_73, %dma_start3A_85] : memref<1000000x16xf32, #tpu.memory_space<hbm>> -> memref<1x16xf32, #tpu.memory_space<hbm>>
      %dma_start3A_87 = tpu.memref_squeeze %dma_start3A_86 : memref<1x16xf32, #tpu.memory_space<hbm>> -> memref<16xf32, #tpu.memory_space<hbm>>
      tpu.enqueue_dma source(%dma_start3A_87 : memref<16xf32, #tpu.memory_space<hbm>>) target(%dma_start3A_84 : memref<16xf32, #tpu.memory_space<vmem>>) target_semaphore(%arg12 : memref<!tpu.dma_semaphore, #tpu.memory_space<semaphore_mem>>)
      %slice3A_88 = vector.extract_strided_slice %get3A_54 {offsets = [1], sizes = [1], strides = [1]} : vector<16xi32> to vector<1xi32>
      %squeeze3A_89 = vector.extract %slice3A_88[0] : i32 from vector<1xi32>
      %add3A_90 = arith.constant 1 : i32
      %add3A_91 = arith.addi %mul3A_51, %add3A_90 : i32
      %dma_start3A_92 = arith.constant 0 : i32
      %dma_start3A_93 = tpu.memref_slice %arg9[%add3A_91, %dma_start3A_92] : memref<256x16xf32, #tpu.memory_space<vmem>> -> memref<1x16xf32, #tpu.memory_space<vmem>>
      %dma_start3A_94 = tpu.memref_squeeze %dma_start3A_93 : memref<1x16xf32, #tpu.memory_space<vmem>> -> memref<16xf32, #tpu.memory_space<vmem>>
      %dma_start3A_95 = arith.constant 0 : i32
      %dma_start3A_96 = tpu.memref_slice %arg4[%squeeze3A_89, %dma_start3A_95] : memref<1000000x16xf32, #tpu.memory_space<hbm>> -> memref<1x16xf32, #tpu.memory_space<hbm>>
      %dma_start3A_97 = tpu.memref_squeeze %dma_start3A_96 : memref<1x16xf32, #tpu.memory_space<hbm>> -> memref<16xf32, #tpu.memory_space<hbm>>
      %dma_start3A_98 = arith.constant 0 : i32
      %dma_start3A_99 = tpu.memref_slice %arg9[%add3A_91, %dma_start3A_98] : memref<256x16xf32, #tpu.memory_space<vmem>> -> memref<1x16xf32, #tpu.memory_space<vmem>>
      %dma_start3A_100 = tpu.memref_squeeze %dma_start3A_99 : memref<1x16xf32, #tpu.memory_space<vmem>> -> memref<16xf32, #tpu.memory_space<vmem>>
      %dma_start3A_101 = arith.constant 0 : i32
      %dma_start3A_102 = tpu.memref_slice %arg4[%squeeze3A_89, %dma_start3A_101] : memref<1000000x16xf32, #tpu.memory_space<hbm>> -> memref<1x16xf32, #tpu.memory_space<hbm>>
      %dma_start3A_103 = tpu.memref_squeeze %dma_start3A_102 : memref<1x16xf32, #tpu.memory_space<hbm>> -> memref<16xf32, #tpu.memory_space<hbm>>
      tpu.enqueue_dma source(%dma_start3A_103 : memref<16xf32, #tpu.memory_space<hbm>>) target(%dma_start3A_100 : memref<16xf32, #tpu.memory_space<vmem>>) target_semaphore(%arg12 : memref<!tpu.dma_semaphore, #tpu.memory_space<semaphore_mem>>)
      %slice3A_104 = vector.extract_strided_slice %get3A_58 {offsets = [1], sizes = [1], strides = [1]} : vector<16xi32> to vector<1xi32>
      %squeeze3A_105 = vector.extract %slice3A_104[0] : i32 from vector<1xi32>
      %add3A_106 = arith.constant 1 : i32
      %add3A_107 = arith.addi %mul3A_51, %add3A_106 : i32
      %dma_start3A_108 = arith.constant 0 : i32
      %dma_start3A_109 = tpu.memref_slice %arg10[%add3A_107, %dma_start3A_108] : memref<256x16xf32, #tpu.memory_space<vmem>> -> memref<1x16xf32, #tpu.memory_space<vmem>>
      %dma_start3A_110 = tpu.memref_squeeze %dma_start3A_109 : memref<1x16xf32, #tpu.memory_space<vmem>> -> memref<16xf32, #tpu.memory_space<vmem>>
      %dma_start3A_111 = arith.constant 0 : i32
      %dma_start3A_112 = tpu.memref_slice %arg5[%squeeze3A_105, %dma_start3A_111] : memref<1000000x16xf32, #tpu.memory_space<hbm>> -> memref<1x16xf32, #tpu.memory_space<hbm>>
      %dma_start3A_113 = tpu.memref_squeeze %dma_start3A_112 : memref<1x16xf32, #tpu.memory_space<hbm>> -> memref<16xf32, #tpu.memory_space<hbm>>
      %dma_start3A_114 = arith.constant 0 : i32
      %dma_start3A_115 = tpu.memref_slice %arg10[%add3A_107, %dma_start3A_114] : memref<256x16xf32, #tpu.memory_space<vmem>> -> memref<1x16xf32, #tpu.memory_space<vmem>>
      %dma_start3A_116 = tpu.memref_squeeze %dma_start3A_115 : memref<1x16xf32, #tpu.memory_space<vmem>> -> memref<16xf32, #tpu.memory_space<vmem>>
      %dma_start3A_117 = arith.constant 0 : i32
      %dma_start3A_118 = tpu.memref_slice %arg5[%squeeze3A_105, %dma_start3A_117] : memref<1000000x16xf32, #tpu.memory_space<hbm>> -> memref<1x16xf32, #tpu.memory_space<hbm>>
      %dma_start3A_119 = tpu.memref_squeeze %dma_start3A_118 : memref<1x16xf32, #tpu.memory_space<hbm>> -> memref<16xf32, #tpu.memory_space<hbm>>
      tpu.enqueue_dma source(%dma_start3A_119 : memref<16xf32, #tpu.memory_space<hbm>>) target(%dma_start3A_116 : memref<16xf32, #tpu.memory_space<vmem>>) target_semaphore(%arg12 : memref<!tpu.dma_semaphore, #tpu.memory_space<semaphore_mem>>)
      %slice3A_120 = vector.extract_strided_slice %get3A_54 {offsets = [2], sizes = [1], strides = [1]} : vector<16xi32> to vector<1xi32>
      %squeeze3A_121 = vector.extract %slice3A_120[0] : i32 from vector<1xi32>
      %add3A_122 = arith.constant 2 : i32
      %add3A_123 = arith.addi %mul3A_51, %add3A_122 : i32
      %dma_start3A_124 = arith.constant 0 : i32
      %dma_start3A_125 = tpu.memref_slice %arg9[%add3A_123, %dma_start3A_124] : memref<256x16xf32, #tpu.memory_space<vmem>> -> memref<1x16xf32, #tpu.memory_space<vmem>>
      %dma_start3A_126 = tpu.memref_squeeze %dma_start3A_125 : memref<1x16xf32, #tpu.memory_space<vmem>> -> memref<16xf32, #tpu.memory_space<vmem>>
      %dma_start3A_127 = arith.constant 0 : i32
      %dma_start3A_128 = tpu.memref_slice %arg4[%squeeze3A_121, %dma_start3A_127] : memref<1000000x16xf32, #tpu.memory_space<hbm>> -> memref<1x16xf32, #tpu.memory_space<hbm>>
      %dma_start3A_129 = tpu.memref_squeeze %dma_start3A_128 : memref<1x16xf32, #tpu.memory_space<hbm>> -> memref<16xf32, #tpu.memory_space<hbm>>
      %dma_start3A_130 = arith.constant 0 : i32
      %dma_start3A_131 = tpu.memref_slice %arg9[%add3A_123, %dma_start3A_130] : memref<256x16xf32, #tpu.memory_space<vmem>> -> memref<1x16xf32, #tpu.memory_space<vmem>>
      %dma_start3A_132 = tpu.memref_squeeze %dma_start3A_131 : memref<1x16xf32, #tpu.memory_space<vmem>> -> memref<16xf32, #tpu.memory_space<vmem>>
      %dma_start3A_133 = arith.constant 0 : i32
      %dma_start3A_134 = tpu.memref_slice %arg4[%squeeze3A_121, %dma_start3A_133] : memref<1000000x16xf32, #tpu.memory_space<hbm>> -> memref<1x16xf32, #tpu.memory_space<hbm>>
      %dma_start3A_135 = tpu.memref_squeeze %dma_start3A_134 : memref<1x16xf32, #tpu.memory_space<hbm>> -> memref<16xf32, #tpu.memory_space<hbm>>
      tpu.enqueue_dma source(%dma_start3A_135 : memref<16xf32, #tpu.memory_space<hbm>>) target(%dma_start3A_132 : memref<16xf32, #tpu.memory_space<vmem>>) target_semaphore(%arg12 : memref<!tpu.dma_semaphore, #tpu.memory_space<semaphore_mem>>)
      %slice3A_136 = vector.extract_strided_slice %get3A_58 {offsets = [2], sizes = [1], strides = [1]} : vector<16xi32> to vector<1xi32>
      %squeeze3A_137 = vector.extract %slice3A_136[0] : i32 from vector<1xi32>
      %add3A_138 = arith.constant 2 : i32
      %add3A_139 = arith.addi %mul3A_51, %add3A_138 : i32
      %dma_start3A_140 = arith.constant 0 : i32
      %dma_start3A_141 = tpu.memref_slice %arg10[%add3A_139, %dma_start3A_140] : memref<256x16xf32, #tpu.memory_space<vmem>> -> memref<1x16xf32, #tpu.memory_space<vmem>>
      %dma_start3A_142 = tpu.memref_squeeze %dma_start3A_141 : memref<1x16xf32, #tpu.memory_space<vmem>> -> memref<16xf32, #tpu.memory_space<vmem>>
      %dma_start3A_143 = arith.constant 0 : i32
      %dma_start3A_144 = tpu.memref_slice %arg5[%squeeze3A_137, %dma_start3A_143] : memref<1000000x16xf32, #tpu.memory_space<hbm>> -> memref<1x16xf32, #tpu.memory_space<hbm>>
      %dma_start3A_145 = tpu.memref_squeeze %dma_start3A_144 : memref<1x16xf32, #tpu.memory_space<hbm>> -> memref<16xf32, #tpu.memory_space<hbm>>
      %dma_start3A_146 = arith.constant 0 : i32
      %dma_start3A_147 = tpu.memref_slice %arg10[%add3A_139, %dma_start3A_146] : memref<256x16xf32, #tpu.memory_space<vmem>> -> memref<1x16xf32, #tpu.memory_space<vmem>>
      %dma_start3A_148 = tpu.memref_squeeze %dma_start3A_147 : memref<1x16xf32, #tpu.memory_space<vmem>> -> memref<16xf32, #tpu.memory_space<vmem>>
      %dma_start3A_149 = arith.constant 0 : i32
      %dma_start3A_150 = tpu.memref_slice %arg5[%squeeze3A_137, %dma_start3A_149] : memref<1000000x16xf32, #tpu.memory_space<hbm>> -> memref<1x16xf32, #tpu.memory_space<hbm>>
      %dma_start3A_151 = tpu.memref_squeeze %dma_start3A_150 : memref<1x16xf32, #tpu.memory_space<hbm>> -> memref<16xf32, #tpu.memory_space<hbm>>
      tpu.enqueue_dma source(%dma_start3A_151 : memref<16xf32, #tpu.memory_space<hbm>>) target(%dma_start3A_148 : memref<16xf32, #tpu.memory_space<vmem>>) target_semaphore(%arg12 : memref<!tpu.dma_semaphore, #tpu.memory_space<semaphore_mem>>)
      %slice3A_152 = vector.extract_strided_slice %get3A_54 {offsets = [3], sizes = [1], strides = [1]} : vector<16xi32> to vector<1xi32>
      %squeeze3A_153 = vector.extract %slice3A_152[0] : i32 from vector<1xi32>
      %add3A_154 = arith.constant 3 : i32
      %add3A_155 = arith.addi %mul3A_51, %add3A_154 : i32
      %dma_start3A_156 = arith.constant 0 : i32
      %dma_start3A_157 = tpu.memref_slice %arg9[%add3A_155, %dma_start3A_156] : memref<256x16xf32, #tpu.memory_space<vmem>> -> memref<1x16xf32, #tpu.memory_space<vmem>>
      %dma_start3A_158 = tpu.memref_squeeze %dma_start3A_157 : memref<1x16xf32, #tpu.memory_space<vmem>> -> memref<16xf32, #tpu.memory_space<vmem>>
      %dma_start3A_159 = arith.constant 0 : i32
      %dma_start3A_160 = tpu.memref_slice %arg4[%squeeze3A_153, %dma_start3A_159] : memref<1000000x16xf32, #tpu.memory_space<hbm>> -> memref<1x16xf32, #tpu.memory_space<hbm>>
      %dma_start3A_161 = tpu.memref_squeeze %dma_start3A_160 : memref<1x16xf32, #tpu.memory_space<hbm>> -> memref<16xf32, #tpu.memory_space<hbm>>
      %dma_start3A_162 = arith.constant 0 : i32
      %dma_start3A_163 = tpu.memref_slice %arg9[%add3A_155, %dma_start3A_162] : memref<256x16xf32, #tpu.memory_space<vmem>> -> memref<1x16xf32, #tpu.memory_space<vmem>>
      %dma_start3A_164 = tpu.memref_squeeze %dma_start3A_163 : memref<1x16xf32, #tpu.memory_space<vmem>> -> memref<16xf32, #tpu.memory_space<vmem>>
      %dma_start3A_165 = arith.constant 0 : i32
      %dma_start3A_166 = tpu.memref_slice %arg4[%squeeze3A_153, %dma_start3A_165] : memref<1000000x16xf32, #tpu.memory_space<hbm>> -> memref<1x16xf32, #tpu.memory_space<hbm>>
      %dma_start3A_167 = tpu.memref_squeeze %dma_start3A_166 : memref<1x16xf32, #tpu.memory_space<hbm>> -> memref<16xf32, #tpu.memory_space<hbm>>
      tpu.enqueue_dma source(%dma_start3A_167 : memref<16xf32, #tpu.memory_space<hbm>>) target(%dma_start3A_164 : memref<16xf32, #tpu.memory_space<vmem>>) target_semaphore(%arg12 : memref<!tpu.dma_semaphore, #tpu.memory_space<semaphore_mem>>)
      %slice3A_168 = vector.extract_strided_slice %get3A_58 {offsets = [3], sizes = [1], strides = [1]} : vector<16xi32> to vector<1xi32>
      %squeeze3A_169 = vector.extract %slice3A_168[0] : i32 from vector<1xi32>
      %add3A_170 = arith.constant 3 : i32
      %add3A_171 = arith.addi %mul3A_51, %add3A_170 : i32
      %dma_start3A_172 = arith.constant 0 : i32
      %dma_start3A_173 = tpu.memref_slice %arg10[%add3A_171, %dma_start3A_172] : memref<256x16xf32, #tpu.memory_space<vmem>> -> memref<1x16xf32, #tpu.memory_space<vmem>>
      %dma_start3A_174 = tpu.memref_squeeze %dma_start3A_173 : memref<1x16xf32, #tpu.memory_space<vmem>> -> memref<16xf32, #tpu.memory_space<vmem>>
      %dma_start3A_175 = arith.constant 0 : i32
      %dma_start3A_176 = tpu.memref_slice %arg5[%squeeze3A_169, %dma_start3A_175] : memref<1000000x16xf32, #tpu.memory_space<hbm>> -> memref<1x16xf32, #tpu.memory_space<hbm>>
      %dma_start3A_177 = tpu.memref_squeeze %dma_start3A_176 : memref<1x16xf32, #tpu.memory_space<hbm>> -> memref<16xf32, #tpu.memory_space<hbm>>
      %dma_start3A_178 = arith.constant 0 : i32
      %dma_start3A_179 = tpu.memref_slice %arg10[%add3A_171, %dma_start3A_178] : memref<256x16xf32, #tpu.memory_space<vmem>> -> memref<1x16xf32, #tpu.memory_space<vmem>>
      %dma_start3A_180 = tpu.memref_squeeze %dma_start3A_179 : memref<1x16xf32, #tpu.memory_space<vmem>> -> memref<16xf32, #tpu.memory_space<vmem>>
      %dma_start3A_181 = arith.constant 0 : i32
      %dma_start3A_182 = tpu.memref_slice %arg5[%squeeze3A_169, %dma_start3A_181] : memref<1000000x16xf32, #tpu.memory_space<hbm>> -> memref<1x16xf32, #tpu.memory_space<hbm>>
      %dma_start3A_183 = tpu.memref_squeeze %dma_start3A_182 : memref<1x16xf32, #tpu.memory_space<hbm>> -> memref<16xf32, #tpu.memory_space<hbm>>
      tpu.enqueue_dma source(%dma_start3A_183 : memref<16xf32, #tpu.memory_space<hbm>>) target(%dma_start3A_180 : memref<16xf32, #tpu.memory_space<vmem>>) target_semaphore(%arg12 : memref<!tpu.dma_semaphore, #tpu.memory_space<semaphore_mem>>)
      %slice3A_184 = vector.extract_strided_slice %get3A_54 {offsets = [4], sizes = [1], strides = [1]} : vector<16xi32> to vector<1xi32>
      %squeeze3A_185 = vector.extract %slice3A_184[0] : i32 from vector<1xi32>
      %add3A_186 = arith.constant 4 : i32
      %add3A_187 = arith.addi %mul3A_51, %add3A_186 : i32
      %dma_start3A_188 = arith.constant 0 : i32
      %dma_start3A_189 = tpu.memref_slice %arg9[%add3A_187, %dma_start3A_188] : memref<256x16xf32, #tpu.memory_space<vmem>> -> memref<1x16xf32, #tpu.memory_space<vmem>>
      %dma_start3A_190 = tpu.memref_squeeze %dma_start3A_189 : memref<1x16xf32, #tpu.memory_space<vmem>> -> memref<16xf32, #tpu.memory_space<vmem>>
      %dma_start3A_191 = arith.constant 0 : i32
      %dma_start3A_192 = tpu.memref_slice %arg4[%squeeze3A_185, %dma_start3A_191] : memref<1000000x16xf32, #tpu.memory_space<hbm>> -> memref<1x16xf32, #tpu.memory_space<hbm>>
      %dma_start3A_193 = tpu.memref_squeeze %dma_start3A_192 : memref<1x16xf32, #tpu.memory_space<hbm>> -> memref<16xf32, #tpu.memory_space<hbm>>
      %dma_start3A_194 = arith.constant 0 : i32
      %dma_start3A_195 = tpu.memref_slice %arg9[%add3A_187, %dma_start3A_194] : memref<256x16xf32, #tpu.memory_space<vmem>> -> memref<1x16xf32, #tpu.memory_space<vmem>>
      %dma_start3A_196 = tpu.memref_squeeze %dma_start3A_195 : memref<1x16xf32, #tpu.memory_space<vmem>> -> memref<16xf32, #tpu.memory_space<vmem>>
      %dma_start3A_197 = arith.constant 0 : i32
      %dma_start3A_198 = tpu.memref_slice %arg4[%squeeze3A_185, %dma_start3A_197] : memref<1000000x16xf32, #tpu.memory_space<hbm>> -> memref<1x16xf32, #tpu.memory_space<hbm>>
      %dma_start3A_199 = tpu.memref_squeeze %dma_start3A_198 : memref<1x16xf32, #tpu.memory_space<hbm>> -> memref<16xf32, #tpu.memory_space<hbm>>
      tpu.enqueue_dma source(%dma_start3A_199 : memref<16xf32, #tpu.memory_space<hbm>>) target(%dma_start3A_196 : memref<16xf32, #tpu.memory_space<vmem>>) target_semaphore(%arg12 : memref<!tpu.dma_semaphore, #tpu.memory_space<semaphore_mem>>)
      %slice3A_200 = vector.extract_strided_slice %get3A_58 {offsets = [4], sizes = [1], strides = [1]} : vector<16xi32> to vector<1xi32>
      %squeeze3A_201 = vector.extract %slice3A_200[0] : i32 from vector<1xi32>
      %add3A_202 = arith.constant 4 : i32
      %add3A_203 = arith.addi %mul3A_51, %add3A_202 : i32
      %dma_start3A_204 = arith.constant 0 : i32
      %dma_start3A_205 = tpu.memref_slice %arg10[%add3A_203, %dma_start3A_204] : memref<256x16xf32, #tpu.memory_space<vmem>> -> memref<1x16xf32, #tpu.memory_space<vmem>>
      %dma_start3A_206 = tpu.memref_squeeze %dma_start3A_205 : memref<1x16xf32, #tpu.memory_space<vmem>> -> memref<16xf32, #tpu.memory_space<vmem>>
      %dma_start3A_207 = arith.constant 0 : i32
      %dma_start3A_208 = tpu.memref_slice %arg5[%squeeze3A_201, %dma_start3A_207] : memref<1000000x16xf32, #tpu.memory_space<hbm>> -> memref<1x16xf32, #tpu.memory_space<hbm>>
      %dma_start3A_209 = tpu.memref_squeeze %dma_start3A_208 : memref<1x16xf32, #tpu.memory_space<hbm>> -> memref<16xf32, #tpu.memory_space<hbm>>
      %dma_start3A_210 = arith.constant 0 : i32
      %dma_start3A_211 = tpu.memref_slice %arg10[%add3A_203, %dma_start3A_210] : memref<256x16xf32, #tpu.memory_space<vmem>> -> memref<1x16xf32, #tpu.memory_space<vmem>>
      %dma_start3A_212 = tpu.memref_squeeze %dma_start3A_211 : memref<1x16xf32, #tpu.memory_space<vmem>> -> memref<16xf32, #tpu.memory_space<vmem>>
      %dma_start3A_213 = arith.constant 0 : i32
      %dma_start3A_214 = tpu.memref_slice %arg5[%squeeze3A_201, %dma_start3A_213] : memref<1000000x16xf32, #tpu.memory_space<hbm>> -> memref<1x16xf32, #tpu.memory_space<hbm>>
      %dma_start3A_215 = tpu.memref_squeeze %dma_start3A_214 : memref<1x16xf32, #tpu.memory_space<hbm>> -> memref<16xf32, #tpu.memory_space<hbm>>
      tpu.enqueue_dma source(%dma_start3A_215 : memref<16xf32, #tpu.memory_space<hbm>>) target(%dma_start3A_212 : memref<16xf32, #tpu.memory_space<vmem>>) target_semaphore(%arg12 : memref<!tpu.dma_semaphore, #tpu.memory_space<semaphore_mem>>)
      %slice3A_216 = vector.extract_strided_slice %get3A_54 {offsets = [5], sizes = [1], strides = [1]} : vector<16xi32> to vector<1xi32>
      %squeeze3A_217 = vector.extract %slice3A_216[0] : i32 from vector<1xi32>
      %add3A_218 = arith.constant 5 : i32
      %add3A_219 = arith.addi %mul3A_51, %add3A_218 : i32
      %dma_start3A_220 = arith.constant 0 : i32
      %dma_start3A_221 = tpu.memref_slice %arg9[%add3A_219, %dma_start3A_220] : memref<256x16xf32, #tpu.memory_space<vmem>> -> memref<1x16xf32, #tpu.memory_space<vmem>>
      %dma_start3A_222 = tpu.memref_squeeze %dma_start3A_221 : memref<1x16xf32, #tpu.memory_space<vmem>> -> memref<16xf32, #tpu.memory_space<vmem>>
      %dma_start3A_223 = arith.constant 0 : i32
      %dma_start3A_224 = tpu.memref_slice %arg4[%squeeze3A_217, %dma_start3A_223] : memref<1000000x16xf32, #tpu.memory_space<hbm>> -> memref<1x16xf32, #tpu.memory_space<hbm>>
      %dma_start3A_225 = tpu.memref_squeeze %dma_start3A_224 : memref<1x16xf32, #tpu.memory_space<hbm>> -> memref<16xf32, #tpu.memory_space<hbm>>
      %dma_start3A_226 = arith.constant 0 : i32
      %dma_start3A_227 = tpu.memref_slice %arg9[%add3A_219, %dma_start3A_226] : memref<256x16xf32, #tpu.memory_space<vmem>> -> memref<1x16xf32, #tpu.memory_space<vmem>>
      %dma_start3A_228 = tpu.memref_squeeze %dma_start3A_227 : memref<1x16xf32, #tpu.memory_space<vmem>> -> memref<16xf32, #tpu.memory_space<vmem>>
      %dma_start3A_229 = arith.constant 0 : i32
      %dma_start3A_230 = tpu.memref_slice %arg4[%squeeze3A_217, %dma_start3A_229] : memref<1000000x16xf32, #tpu.memory_space<hbm>> -> memref<1x16xf32, #tpu.memory_space<hbm>>
      %dma_start3A_231 = tpu.memref_squeeze %dma_start3A_230 : memref<1x16xf32, #tpu.memory_space<hbm>> -> memref<16xf32, #tpu.memory_space<hbm>>
      tpu.enqueue_dma source(%dma_start3A_231 : memref<16xf32, #tpu.memory_space<hbm>>) target(%dma_start3A_228 : memref<16xf32, #tpu.memory_space<vmem>>) target_semaphore(%arg12 : memref<!tpu.dma_semaphore, #tpu.memory_space<semaphore_mem>>)
      %slice3A_232 = vector.extract_strided_slice %get3A_58 {offsets = [5], sizes = [1], strides = [1]} : vector<16xi32> to vector<1xi32>
      %squeeze3A_233 = vector.extract %slice3A_232[0] : i32 from vector<1xi32>
      %add3A_234 = arith.constant 5 : i32
      %add3A_235 = arith.addi %mul3A_51, %add3A_234 : i32
      %dma_start3A_236 = arith.constant 0 : i32
      %dma_start3A_237 = tpu.memref_slice %arg10[%add3A_235, %dma_start3A_236] : memref<256x16xf32, #tpu.memory_space<vmem>> -> memref<1x16xf32, #tpu.memory_space<vmem>>
      %dma_start3A_238 = tpu.memref_squeeze %dma_start3A_237 : memref<1x16xf32, #tpu.memory_space<vmem>> -> memref<16xf32, #tpu.memory_space<vmem>>
      %dma_start3A_239 = arith.constant 0 : i32
      %dma_start3A_240 = tpu.memref_slice %arg5[%squeeze3A_233, %dma_start3A_239] : memref<1000000x16xf32, #tpu.memory_space<hbm>> -> memref<1x16xf32, #tpu.memory_space<hbm>>
      %dma_start3A_241 = tpu.memref_squeeze %dma_start3A_240 : memref<1x16xf32, #tpu.memory_space<hbm>> -> memref<16xf32, #tpu.memory_space<hbm>>
      %dma_start3A_242 = arith.constant 0 : i32
      %dma_start3A_243 = tpu.memref_slice %arg10[%add3A_235, %dma_start3A_242] : memref<256x16xf32, #tpu.memory_space<vmem>> -> memref<1x16xf32, #tpu.memory_space<vmem>>
      %dma_start3A_244 = tpu.memref_squeeze %dma_start3A_243 : memref<1x16xf32, #tpu.memory_space<vmem>> -> memref<16xf32, #tpu.memory_space<vmem>>
      %dma_start3A_245 = arith.constant 0 : i32
      %dma_start3A_246 = tpu.memref_slice %arg5[%squeeze3A_233, %dma_start3A_245] : memref<1000000x16xf32, #tpu.memory_space<hbm>> -> memref<1x16xf32, #tpu.memory_space<hbm>>
      %dma_start3A_247 = tpu.memref_squeeze %dma_start3A_246 : memref<1x16xf32, #tpu.memory_space<hbm>> -> memref<16xf32, #tpu.memory_space<hbm>>
      tpu.enqueue_dma source(%dma_start3A_247 : memref<16xf32, #tpu.memory_space<hbm>>) target(%dma_start3A_244 : memref<16xf32, #tpu.memory_space<vmem>>) target_semaphore(%arg12 : memref<!tpu.dma_semaphore, #tpu.memory_space<semaphore_mem>>)
      %slice3A_248 = vector.extract_strided_slice %get3A_54 {offsets = [6], sizes = [1], strides = [1]} : vector<16xi32> to vector<1xi32>
      %squeeze3A_249 = vector.extract %slice3A_248[0] : i32 from vector<1xi32>
      %add3A_250 = arith.constant 6 : i32
      %add3A_251 = arith.addi %mul3A_51, %add3A_250 : i32
      %dma_start3A_252 = arith.constant 0 : i32
      %dma_start3A_253 = tpu.memref_slice %arg9[%add3A_251, %dma_start3A_252] : memref<256x16xf32, #tpu.memory_space<vmem>> -> memref<1x16xf32, #tpu.memory_space<vmem>>
      %dma_start3A_254 = tpu.memref_squeeze %dma_start3A_253 : memref<1x16xf32, #tpu.memory_space<vmem>> -> memref<16xf32, #tpu.memory_space<vmem>>
      %dma_start3A_255 = arith.constant 0 : i32
      %dma_start3A_256 = tpu.memref_slice %arg4[%squeeze3A_249, %dma_start3A_255] : memref<1000000x16xf32, #tpu.memory_space<hbm>> -> memref<1x16xf32, #tpu.memory_space<hbm>>
      %dma_start3A_257 = tpu.memref_squeeze %dma_start3A_256 : memref<1x16xf32, #tpu.memory_space<hbm>> -> memref<16xf32, #tpu.memory_space<hbm>>
      %dma_start3A_258 = arith.constant 0 : i32
      %dma_start3A_259 = tpu.memref_slice %arg9[%add3A_251, %dma_start3A_258] : memref<256x16xf32, #tpu.memory_space<vmem>> -> memref<1x16xf32, #tpu.memory_space<vmem>>
      %dma_start3A_260 = tpu.memref_squeeze %dma_start3A_259 : memref<1x16xf32, #tpu.memory_space<vmem>> -> memref<16xf32, #tpu.memory_space<vmem>>
      %dma_start3A_261 = arith.constant 0 : i32
      %dma_start3A_262 = tpu.memref_slice %arg4[%squeeze3A_249, %dma_start3A_261] : memref<1000000x16xf32, #tpu.memory_space<hbm>> -> memref<1x16xf32, #tpu.memory_space<hbm>>
      %dma_start3A_263 = tpu.memref_squeeze %dma_start3A_262 : memref<1x16xf32, #tpu.memory_space<hbm>> -> memref<16xf32, #tpu.memory_space<hbm>>
      tpu.enqueue_dma source(%dma_start3A_263 : memref<16xf32, #tpu.memory_space<hbm>>) target(%dma_start3A_260 : memref<16xf32, #tpu.memory_space<vmem>>) target_semaphore(%arg12 : memref<!tpu.dma_semaphore, #tpu.memory_space<semaphore_mem>>)
      %slice3A_264 = vector.extract_strided_slice %get3A_58 {offsets = [6], sizes = [1], strides = [1]} : vector<16xi32> to vector<1xi32>
      %squeeze3A_265 = vector.extract %slice3A_264[0] : i32 from vector<1xi32>
      %add3A_266 = arith.constant 6 : i32
      %add3A_267 = arith.addi %mul3A_51, %add3A_266 : i32
      %dma_start3A_268 = arith.constant 0 : i32
      %dma_start3A_269 = tpu.memref_slice %arg10[%add3A_267, %dma_start3A_268] : memref<256x16xf32, #tpu.memory_space<vmem>> -> memref<1x16xf32, #tpu.memory_space<vmem>>
      %dma_start3A_270 = tpu.memref_squeeze %dma_start3A_269 : memref<1x16xf32, #tpu.memory_space<vmem>> -> memref<16xf32, #tpu.memory_space<vmem>>
      %dma_start3A_271 = arith.constant 0 : i32
      %dma_start3A_272 = tpu.memref_slice %arg5[%squeeze3A_265, %dma_start3A_271] : memref<1000000x16xf32, #tpu.memory_space<hbm>> -> memref<1x16xf32, #tpu.memory_space<hbm>>
      %dma_start3A_273 = tpu.memref_squeeze %dma_start3A_272 : memref<1x16xf32, #tpu.memory_space<hbm>> -> memref<16xf32, #tpu.memory_space<hbm>>
      %dma_start3A_274 = arith.constant 0 : i32
      %dma_start3A_275 = tpu.memref_slice %arg10[%add3A_267, %dma_start3A_274] : memref<256x16xf32, #tpu.memory_space<vmem>> -> memref<1x16xf32, #tpu.memory_space<vmem>>
      %dma_start3A_276 = tpu.memref_squeeze %dma_start3A_275 : memref<1x16xf32, #tpu.memory_space<vmem>> -> memref<16xf32, #tpu.memory_space<vmem>>
      %dma_start3A_277 = arith.constant 0 : i32
      %dma_start3A_278 = tpu.memref_slice %arg5[%squeeze3A_265, %dma_start3A_277] : memref<1000000x16xf32, #tpu.memory_space<hbm>> -> memref<1x16xf32, #tpu.memory_space<hbm>>
      %dma_start3A_279 = tpu.memref_squeeze %dma_start3A_278 : memref<1x16xf32, #tpu.memory_space<hbm>> -> memref<16xf32, #tpu.memory_space<hbm>>
      tpu.enqueue_dma source(%dma_start3A_279 : memref<16xf32, #tpu.memory_space<hbm>>) target(%dma_start3A_276 : memref<16xf32, #tpu.memory_space<vmem>>) target_semaphore(%arg12 : memref<!tpu.dma_semaphore, #tpu.memory_space<semaphore_mem>>)
      %slice3A_280 = vector.extract_strided_slice %get3A_54 {offsets = [7], sizes = [1], strides = [1]} : vector<16xi32> to vector<1xi32>
      %squeeze3A_281 = vector.extract %slice3A_280[0] : i32 from vector<1xi32>
      %add3A_282 = arith.constant 7 : i32
      %add3A_283 = arith.addi %mul3A_51, %add3A_282 : i32
      %dma_start3A_284 = arith.constant 0 : i32
      %dma_start3A_285 = tpu.memref_slice %arg9[%add3A_283, %dma_start3A_284] : memref<256x16xf32, #tpu.memory_space<vmem>> -> memref<1x16xf32, #tpu.memory_space<vmem>>
      %dma_start3A_286 = tpu.memref_squeeze %dma_start3A_285 : memref<1x16xf32, #tpu.memory_space<vmem>> -> memref<16xf32, #tpu.memory_space<vmem>>
      %dma_start3A_287 = arith.constant 0 : i32
      %dma_start3A_288 = tpu.memref_slice %arg4[%squeeze3A_281, %dma_start3A_287] : memref<1000000x16xf32, #tpu.memory_space<hbm>> -> memref<1x16xf32, #tpu.memory_space<hbm>>
      %dma_start3A_289 = tpu.memref_squeeze %dma_start3A_288 : memref<1x16xf32, #tpu.memory_space<hbm>> -> memref<16xf32, #tpu.memory_space<hbm>>
      %dma_start3A_290 = arith.constant 0 : i32
      %dma_start3A_291 = tpu.memref_slice %arg9[%add3A_283, %dma_start3A_290] : memref<256x16xf32, #tpu.memory_space<vmem>> -> memref<1x16xf32, #tpu.memory_space<vmem>>
      %dma_start3A_292 = tpu.memref_squeeze %dma_start3A_291 : memref<1x16xf32, #tpu.memory_space<vmem>> -> memref<16xf32, #tpu.memory_space<vmem>>
      %dma_start3A_293 = arith.constant 0 : i32
      %dma_start3A_294 = tpu.memref_slice %arg4[%squeeze3A_281, %dma_start3A_293] : memref<1000000x16xf32, #tpu.memory_space<hbm>> -> memref<1x16xf32, #tpu.memory_space<hbm>>
      %dma_start3A_295 = tpu.memref_squeeze %dma_start3A_294 : memref<1x16xf32, #tpu.memory_space<hbm>> -> memref<16xf32, #tpu.memory_space<hbm>>
      tpu.enqueue_dma source(%dma_start3A_295 : memref<16xf32, #tpu.memory_space<hbm>>) target(%dma_start3A_292 : memref<16xf32, #tpu.memory_space<vmem>>) target_semaphore(%arg12 : memref<!tpu.dma_semaphore, #tpu.memory_space<semaphore_mem>>)
      %slice3A_296 = vector.extract_strided_slice %get3A_58 {offsets = [7], sizes = [1], strides = [1]} : vector<16xi32> to vector<1xi32>
      %squeeze3A_297 = vector.extract %slice3A_296[0] : i32 from vector<1xi32>
      %add3A_298 = arith.constant 7 : i32
      %add3A_299 = arith.addi %mul3A_51, %add3A_298 : i32
      %dma_start3A_300 = arith.constant 0 : i32
      %dma_start3A_301 = tpu.memref_slice %arg10[%add3A_299, %dma_start3A_300] : memref<256x16xf32, #tpu.memory_space<vmem>> -> memref<1x16xf32, #tpu.memory_space<vmem>>
      %dma_start3A_302 = tpu.memref_squeeze %dma_start3A_301 : memref<1x16xf32, #tpu.memory_space<vmem>> -> memref<16xf32, #tpu.memory_space<vmem>>
      %dma_start3A_303 = arith.constant 0 : i32
      %dma_start3A_304 = tpu.memref_slice %arg5[%squeeze3A_297, %dma_start3A_303] : memref<1000000x16xf32, #tpu.memory_space<hbm>> -> memref<1x16xf32, #tpu.memory_space<hbm>>
      %dma_start3A_305 = tpu.memref_squeeze %dma_start3A_304 : memref<1x16xf32, #tpu.memory_space<hbm>> -> memref<16xf32, #tpu.memory_space<hbm>>
      %dma_start3A_306 = arith.constant 0 : i32
      %dma_start3A_307 = tpu.memref_slice %arg10[%add3A_299, %dma_start3A_306] : memref<256x16xf32, #tpu.memory_space<vmem>> -> memref<1x16xf32, #tpu.memory_space<vmem>>
      %dma_start3A_308 = tpu.memref_squeeze %dma_start3A_307 : memref<1x16xf32, #tpu.memory_space<vmem>> -> memref<16xf32, #tpu.memory_space<vmem>>
      %dma_start3A_309 = arith.constant 0 : i32
      %dma_start3A_310 = tpu.memref_slice %arg5[%squeeze3A_297, %dma_start3A_309] : memref<1000000x16xf32, #tpu.memory_space<hbm>> -> memref<1x16xf32, #tpu.memory_space<hbm>>
      %dma_start3A_311 = tpu.memref_squeeze %dma_start3A_310 : memref<1x16xf32, #tpu.memory_space<hbm>> -> memref<16xf32, #tpu.memory_space<hbm>>
      tpu.enqueue_dma source(%dma_start3A_311 : memref<16xf32, #tpu.memory_space<hbm>>) target(%dma_start3A_308 : memref<16xf32, #tpu.memory_space<vmem>>) target_semaphore(%arg12 : memref<!tpu.dma_semaphore, #tpu.memory_space<semaphore_mem>>)
      %slice3A_312 = vector.extract_strided_slice %get3A_54 {offsets = [8], sizes = [1], strides = [1]} : vector<16xi32> to vector<1xi32>
      %squeeze3A_313 = vector.extract %slice3A_312[0] : i32 from vector<1xi32>
      %add3A_314 = arith.constant 8 : i32
      %add3A_315 = arith.addi %mul3A_51, %add3A_314 : i32
      %dma_start3A_316 = arith.constant 0 : i32
      %dma_start3A_317 = tpu.memref_slice %arg9[%add3A_315, %dma_start3A_316] : memref<256x16xf32, #tpu.memory_space<vmem>> -> memref<1x16xf32, #tpu.memory_space<vmem>>
      %dma_start3A_318 = tpu.memref_squeeze %dma_start3A_317 : memref<1x16xf32, #tpu.memory_space<vmem>> -> memref<16xf32, #tpu.memory_space<vmem>>
      %dma_start3A_319 = arith.constant 0 : i32
      %dma_start3A_320 = tpu.memref_slice %arg4[%squeeze3A_313, %dma_start3A_319] : memref<1000000x16xf32, #tpu.memory_space<hbm>> -> memref<1x16xf32, #tpu.memory_space<hbm>>
      %dma_start3A_321 = tpu.memref_squeeze %dma_start3A_320 : memref<1x16xf32, #tpu.memory_space<hbm>> -> memref<16xf32, #tpu.memory_space<hbm>>
      %dma_start3A_322 = arith.constant 0 : i32
      %dma_start3A_323 = tpu.memref_slice %arg9[%add3A_315, %dma_start3A_322] : memref<256x16xf32, #tpu.memory_space<vmem>> -> memref<1x16xf32, #tpu.memory_space<vmem>>
      %dma_start3A_324 = tpu.memref_squeeze %dma_start3A_323 : memref<1x16xf32, #tpu.memory_space<vmem>> -> memref<16xf32, #tpu.memory_space<vmem>>
      %dma_start3A_325 = arith.constant 0 : i32
      %dma_start3A_326 = tpu.memref_slice %arg4[%squeeze3A_313, %dma_start3A_325] : memref<1000000x16xf32, #tpu.memory_space<hbm>> -> memref<1x16xf32, #tpu.memory_space<hbm>>
      %dma_start3A_327 = tpu.memref_squeeze %dma_start3A_326 : memref<1x16xf32, #tpu.memory_space<hbm>> -> memref<16xf32, #tpu.memory_space<hbm>>
      tpu.enqueue_dma source(%dma_start3A_327 : memref<16xf32, #tpu.memory_space<hbm>>) target(%dma_start3A_324 : memref<16xf32, #tpu.memory_space<vmem>>) target_semaphore(%arg12 : memref<!tpu.dma_semaphore, #tpu.memory_space<semaphore_mem>>)
      %slice3A_328 = vector.extract_strided_slice %get3A_58 {offsets = [8], sizes = [1], strides = [1]} : vector<16xi32> to vector<1xi32>
      %squeeze3A_329 = vector.extract %slice3A_328[0] : i32 from vector<1xi32>
      %add3A_330 = arith.constant 8 : i32
      %add3A_331 = arith.addi %mul3A_51, %add3A_330 : i32
      %dma_start3A_332 = arith.constant 0 : i32
      %dma_start3A_333 = tpu.memref_slice %arg10[%add3A_331, %dma_start3A_332] : memref<256x16xf32, #tpu.memory_space<vmem>> -> memref<1x16xf32, #tpu.memory_space<vmem>>
      %dma_start3A_334 = tpu.memref_squeeze %dma_start3A_333 : memref<1x16xf32, #tpu.memory_space<vmem>> -> memref<16xf32, #tpu.memory_space<vmem>>
      %dma_start3A_335 = arith.constant 0 : i32
      %dma_start3A_336 = tpu.memref_slice %arg5[%squeeze3A_329, %dma_start3A_335] : memref<1000000x16xf32, #tpu.memory_space<hbm>> -> memref<1x16xf32, #tpu.memory_space<hbm>>
      %dma_start3A_337 = tpu.memref_squeeze %dma_start3A_336 : memref<1x16xf32, #tpu.memory_space<hbm>> -> memref<16xf32, #tpu.memory_space<hbm>>
      %dma_start3A_338 = arith.constant 0 : i32
      %dma_start3A_339 = tpu.memref_slice %arg10[%add3A_331, %dma_start3A_338] : memref<256x16xf32, #tpu.memory_space<vmem>> -> memref<1x16xf32, #tpu.memory_space<vmem>>
      %dma_start3A_340 = tpu.memref_squeeze %dma_start3A_339 : memref<1x16xf32, #tpu.memory_space<vmem>> -> memref<16xf32, #tpu.memory_space<vmem>>
      %dma_start3A_341 = arith.constant 0 : i32
      %dma_start3A_342 = tpu.memref_slice %arg5[%squeeze3A_329, %dma_start3A_341] : memref<1000000x16xf32, #tpu.memory_space<hbm>> -> memref<1x16xf32, #tpu.memory_space<hbm>>
      %dma_start3A_343 = tpu.memref_squeeze %dma_start3A_342 : memref<1x16xf32, #tpu.memory_space<hbm>> -> memref<16xf32, #tpu.memory_space<hbm>>
      tpu.enqueue_dma source(%dma_start3A_343 : memref<16xf32, #tpu.memory_space<hbm>>) target(%dma_start3A_340 : memref<16xf32, #tpu.memory_space<vmem>>) target_semaphore(%arg12 : memref<!tpu.dma_semaphore, #tpu.memory_space<semaphore_mem>>)
      %slice3A_344 = vector.extract_strided_slice %get3A_54 {offsets = [9], sizes = [1], strides = [1]} : vector<16xi32> to vector<1xi32>
      %squeeze3A_345 = vector.extract %slice3A_344[0] : i32 from vector<1xi32>
      %add3A_346 = arith.constant 9 : i32
      %add3A_347 = arith.addi %mul3A_51, %add3A_346 : i32
      %dma_start3A_348 = arith.constant 0 : i32
      %dma_start3A_349 = tpu.memref_slice %arg9[%add3A_347, %dma_start3A_348] : memref<256x16xf32, #tpu.memory_space<vmem>> -> memref<1x16xf32, #tpu.memory_space<vmem>>
      %dma_start3A_350 = tpu.memref_squeeze %dma_start3A_349 : memref<1x16xf32, #tpu.memory_space<vmem>> -> memref<16xf32, #tpu.memory_space<vmem>>
      %dma_start3A_351 = arith.constant 0 : i32
      %dma_start3A_352 = tpu.memref_slice %arg4[%squeeze3A_345, %dma_start3A_351] : memref<1000000x16xf32, #tpu.memory_space<hbm>> -> memref<1x16xf32, #tpu.memory_space<hbm>>
      %dma_start3A_353 = tpu.memref_squeeze %dma_start3A_352 : memref<1x16xf32, #tpu.memory_space<hbm>> -> memref<16xf32, #tpu.memory_space<hbm>>
      %dma_start3A_354 = arith.constant 0 : i32
      %dma_start3A_355 = tpu.memref_slice %arg9[%add3A_347, %dma_start3A_354] : memref<256x16xf32, #tpu.memory_space<vmem>> -> memref<1x16xf32, #tpu.memory_space<vmem>>
      %dma_start3A_356 = tpu.memref_squeeze %dma_start3A_355 : memref<1x16xf32, #tpu.memory_space<vmem>> -> memref<16xf32, #tpu.memory_space<vmem>>
      %dma_start3A_357 = arith.constant 0 : i32
      %dma_start3A_358 = tpu.memref_slice %arg4[%squeeze3A_345, %dma_start3A_357] : memref<1000000x16xf32, #tpu.memory_space<hbm>> -> memref<1x16xf32, #tpu.memory_space<hbm>>
      %dma_start3A_359 = tpu.memref_squeeze %dma_start3A_358 : memref<1x16xf32, #tpu.memory_space<hbm>> -> memref<16xf32, #tpu.memory_space<hbm>>
      tpu.enqueue_dma source(%dma_start3A_359 : memref<16xf32, #tpu.memory_space<hbm>>) target(%dma_start3A_356 : memref<16xf32, #tpu.memory_space<vmem>>) target_semaphore(%arg12 : memref<!tpu.dma_semaphore, #tpu.memory_space<semaphore_mem>>)
      %slice3A_360 = vector.extract_strided_slice %get3A_58 {offsets = [9], sizes = [1], strides = [1]} : vector<16xi32> to vector<1xi32>
      %squeeze3A_361 = vector.extract %slice3A_360[0] : i32 from vector<1xi32>
      %add3A_362 = arith.constant 9 : i32
      %add3A_363 = arith.addi %mul3A_51, %add3A_362 : i32
      %dma_start3A_364 = arith.constant 0 : i32
      %dma_start3A_365 = tpu.memref_slice %arg10[%add3A_363, %dma_start3A_364] : memref<256x16xf32, #tpu.memory_space<vmem>> -> memref<1x16xf32, #tpu.memory_space<vmem>>
      %dma_start3A_366 = tpu.memref_squeeze %dma_start3A_365 : memref<1x16xf32, #tpu.memory_space<vmem>> -> memref<16xf32, #tpu.memory_space<vmem>>
      %dma_start3A_367 = arith.constant 0 : i32
      %dma_start3A_368 = tpu.memref_slice %arg5[%squeeze3A_361, %dma_start3A_367] : memref<1000000x16xf32, #tpu.memory_space<hbm>> -> memref<1x16xf32, #tpu.memory_space<hbm>>
      %dma_start3A_369 = tpu.memref_squeeze %dma_start3A_368 : memref<1x16xf32, #tpu.memory_space<hbm>> -> memref<16xf32, #tpu.memory_space<hbm>>
      %dma_start3A_370 = arith.constant 0 : i32
      %dma_start3A_371 = tpu.memref_slice %arg10[%add3A_363, %dma_start3A_370] : memref<256x16xf32, #tpu.memory_space<vmem>> -> memref<1x16xf32, #tpu.memory_space<vmem>>
      %dma_start3A_372 = tpu.memref_squeeze %dma_start3A_371 : memref<1x16xf32, #tpu.memory_space<vmem>> -> memref<16xf32, #tpu.memory_space<vmem>>
      %dma_start3A_373 = arith.constant 0 : i32
      %dma_start3A_374 = tpu.memref_slice %arg5[%squeeze3A_361, %dma_start3A_373] : memref<1000000x16xf32, #tpu.memory_space<hbm>> -> memref<1x16xf32, #tpu.memory_space<hbm>>
      %dma_start3A_375 = tpu.memref_squeeze %dma_start3A_374 : memref<1x16xf32, #tpu.memory_space<hbm>> -> memref<16xf32, #tpu.memory_space<hbm>>
      tpu.enqueue_dma source(%dma_start3A_375 : memref<16xf32, #tpu.memory_space<hbm>>) target(%dma_start3A_372 : memref<16xf32, #tpu.memory_space<vmem>>) target_semaphore(%arg12 : memref<!tpu.dma_semaphore, #tpu.memory_space<semaphore_mem>>)
      %slice3A_376 = vector.extract_strided_slice %get3A_54 {offsets = [10], sizes = [1], strides = [1]} : vector<16xi32> to vector<1xi32>
      %squeeze3A_377 = vector.extract %slice3A_376[0] : i32 from vector<1xi32>
      %add3A_378 = arith.constant 10 : i32
      %add3A_379 = arith.addi %mul3A_51, %add3A_378 : i32
      %dma_start3A_380 = arith.constant 0 : i32
      %dma_start3A_381 = tpu.memref_slice %arg9[%add3A_379, %dma_start3A_380] : memref<256x16xf32, #tpu.memory_space<vmem>> -> memref<1x16xf32, #tpu.memory_space<vmem>>
      %dma_start3A_382 = tpu.memref_squeeze %dma_start3A_381 : memref<1x16xf32, #tpu.memory_space<vmem>> -> memref<16xf32, #tpu.memory_space<vmem>>
      %dma_start3A_383 = arith.constant 0 : i32
      %dma_start3A_384 = tpu.memref_slice %arg4[%squeeze3A_377, %dma_start3A_383] : memref<1000000x16xf32, #tpu.memory_space<hbm>> -> memref<1x16xf32, #tpu.memory_space<hbm>>
      %dma_start3A_385 = tpu.memref_squeeze %dma_start3A_384 : memref<1x16xf32, #tpu.memory_space<hbm>> -> memref<16xf32, #tpu.memory_space<hbm>>
      %dma_start3A_386 = arith.constant 0 : i32
      %dma_start3A_387 = tpu.memref_slice %arg9[%add3A_379, %dma_start3A_386] : memref<256x16xf32, #tpu.memory_space<vmem>> -> memref<1x16xf32, #tpu.memory_space<vmem>>
      %dma_start3A_388 = tpu.memref_squeeze %dma_start3A_387 : memref<1x16xf32, #tpu.memory_space<vmem>> -> memref<16xf32, #tpu.memory_space<vmem>>
      %dma_start3A_389 = arith.constant 0 : i32
      %dma_start3A_390 = tpu.memref_slice %arg4[%squeeze3A_377, %dma_start3A_389] : memref<1000000x16xf32, #tpu.memory_space<hbm>> -> memref<1x16xf32, #tpu.memory_space<hbm>>
      %dma_start3A_391 = tpu.memref_squeeze %dma_start3A_390 : memref<1x16xf32, #tpu.memory_space<hbm>> -> memref<16xf32, #tpu.memory_space<hbm>>
      tpu.enqueue_dma source(%dma_start3A_391 : memref<16xf32, #tpu.memory_space<hbm>>) target(%dma_start3A_388 : memref<16xf32, #tpu.memory_space<vmem>>) target_semaphore(%arg12 : memref<!tpu.dma_semaphore, #tpu.memory_space<semaphore_mem>>)
      %slice3A_392 = vector.extract_strided_slice %get3A_58 {offsets = [10], sizes = [1], strides = [1]} : vector<16xi32> to vector<1xi32>
      %squeeze3A_393 = vector.extract %slice3A_392[0] : i32 from vector<1xi32>
      %add3A_394 = arith.constant 10 : i32
      %add3A_395 = arith.addi %mul3A_51, %add3A_394 : i32
      %dma_start3A_396 = arith.constant 0 : i32
      %dma_start3A_397 = tpu.memref_slice %arg10[%add3A_395, %dma_start3A_396] : memref<256x16xf32, #tpu.memory_space<vmem>> -> memref<1x16xf32, #tpu.memory_space<vmem>>
      %dma_start3A_398 = tpu.memref_squeeze %dma_start3A_397 : memref<1x16xf32, #tpu.memory_space<vmem>> -> memref<16xf32, #tpu.memory_space<vmem>>
      %dma_start3A_399 = arith.constant 0 : i32
      %dma_start3A_400 = tpu.memref_slice %arg5[%squeeze3A_393, %dma_start3A_399] : memref<1000000x16xf32, #tpu.memory_space<hbm>> -> memref<1x16xf32, #tpu.memory_space<hbm>>
      %dma_start3A_401 = tpu.memref_squeeze %dma_start3A_400 : memref<1x16xf32, #tpu.memory_space<hbm>> -> memref<16xf32, #tpu.memory_space<hbm>>
      %dma_start3A_402 = arith.constant 0 : i32
      %dma_start3A_403 = tpu.memref_slice %arg10[%add3A_395, %dma_start3A_402] : memref<256x16xf32, #tpu.memory_space<vmem>> -> memref<1x16xf32, #tpu.memory_space<vmem>>
      %dma_start3A_404 = tpu.memref_squeeze %dma_start3A_403 : memref<1x16xf32, #tpu.memory_space<vmem>> -> memref<16xf32, #tpu.memory_space<vmem>>
      %dma_start3A_405 = arith.constant 0 : i32
      %dma_start3A_406 = tpu.memref_slice %arg5[%squeeze3A_393, %dma_start3A_405] : memref<1000000x16xf32, #tpu.memory_space<hbm>> -> memref<1x16xf32, #tpu.memory_space<hbm>>
      %dma_start3A_407 = tpu.memref_squeeze %dma_start3A_406 : memref<1x16xf32, #tpu.memory_space<hbm>> -> memref<16xf32, #tpu.memory_space<hbm>>
      tpu.enqueue_dma source(%dma_start3A_407 : memref<16xf32, #tpu.memory_space<hbm>>) target(%dma_start3A_404 : memref<16xf32, #tpu.memory_space<vmem>>) target_semaphore(%arg12 : memref<!tpu.dma_semaphore, #tpu.memory_space<semaphore_mem>>)
      %slice3A_408 = vector.extract_strided_slice %get3A_54 {offsets = [11], sizes = [1], strides = [1]} : vector<16xi32> to vector<1xi32>
      %squeeze3A_409 = vector.extract %slice3A_408[0] : i32 from vector<1xi32>
      %add3A_410 = arith.constant 11 : i32
      %add3A_411 = arith.addi %mul3A_51, %add3A_410 : i32
      %dma_start3A_412 = arith.constant 0 : i32
      %dma_start3A_413 = tpu.memref_slice %arg9[%add3A_411, %dma_start3A_412] : memref<256x16xf32, #tpu.memory_space<vmem>> -> memref<1x16xf32, #tpu.memory_space<vmem>>
      %dma_start3A_414 = tpu.memref_squeeze %dma_start3A_413 : memref<1x16xf32, #tpu.memory_space<vmem>> -> memref<16xf32, #tpu.memory_space<vmem>>
      %dma_start3A_415 = arith.constant 0 : i32
      %dma_start3A_416 = tpu.memref_slice %arg4[%squeeze3A_409, %dma_start3A_415] : memref<1000000x16xf32, #tpu.memory_space<hbm>> -> memref<1x16xf32, #tpu.memory_space<hbm>>
      %dma_start3A_417 = tpu.memref_squeeze %dma_start3A_416 : memref<1x16xf32, #tpu.memory_space<hbm>> -> memref<16xf32, #tpu.memory_space<hbm>>
      %dma_start3A_418 = arith.constant 0 : i32
      %dma_start3A_419 = tpu.memref_slice %arg9[%add3A_411, %dma_start3A_418] : memref<256x16xf32, #tpu.memory_space<vmem>> -> memref<1x16xf32, #tpu.memory_space<vmem>>
      %dma_start3A_420 = tpu.memref_squeeze %dma_start3A_419 : memref<1x16xf32, #tpu.memory_space<vmem>> -> memref<16xf32, #tpu.memory_space<vmem>>
      %dma_start3A_421 = arith.constant 0 : i32
      %dma_start3A_422 = tpu.memref_slice %arg4[%squeeze3A_409, %dma_start3A_421] : memref<1000000x16xf32, #tpu.memory_space<hbm>> -> memref<1x16xf32, #tpu.memory_space<hbm>>
      %dma_start3A_423 = tpu.memref_squeeze %dma_start3A_422 : memref<1x16xf32, #tpu.memory_space<hbm>> -> memref<16xf32, #tpu.memory_space<hbm>>
      tpu.enqueue_dma source(%dma_start3A_423 : memref<16xf32, #tpu.memory_space<hbm>>) target(%dma_start3A_420 : memref<16xf32, #tpu.memory_space<vmem>>) target_semaphore(%arg12 : memref<!tpu.dma_semaphore, #tpu.memory_space<semaphore_mem>>)
      %slice3A_424 = vector.extract_strided_slice %get3A_58 {offsets = [11], sizes = [1], strides = [1]} : vector<16xi32> to vector<1xi32>
      %squeeze3A_425 = vector.extract %slice3A_424[0] : i32 from vector<1xi32>
      %add3A_426 = arith.constant 11 : i32
      %add3A_427 = arith.addi %mul3A_51, %add3A_426 : i32
      %dma_start3A_428 = arith.constant 0 : i32
      %dma_start3A_429 = tpu.memref_slice %arg10[%add3A_427, %dma_start3A_428] : memref<256x16xf32, #tpu.memory_space<vmem>> -> memref<1x16xf32, #tpu.memory_space<vmem>>
      %dma_start3A_430 = tpu.memref_squeeze %dma_start3A_429 : memref<1x16xf32, #tpu.memory_space<vmem>> -> memref<16xf32, #tpu.memory_space<vmem>>
      %dma_start3A_431 = arith.constant 0 : i32
      %dma_start3A_432 = tpu.memref_slice %arg5[%squeeze3A_425, %dma_start3A_431] : memref<1000000x16xf32, #tpu.memory_space<hbm>> -> memref<1x16xf32, #tpu.memory_space<hbm>>
      %dma_start3A_433 = tpu.memref_squeeze %dma_start3A_432 : memref<1x16xf32, #tpu.memory_space<hbm>> -> memref<16xf32, #tpu.memory_space<hbm>>
      %dma_start3A_434 = arith.constant 0 : i32
      %dma_start3A_435 = tpu.memref_slice %arg10[%add3A_427, %dma_start3A_434] : memref<256x16xf32, #tpu.memory_space<vmem>> -> memref<1x16xf32, #tpu.memory_space<vmem>>
      %dma_start3A_436 = tpu.memref_squeeze %dma_start3A_435 : memref<1x16xf32, #tpu.memory_space<vmem>> -> memref<16xf32, #tpu.memory_space<vmem>>
      %dma_start3A_437 = arith.constant 0 : i32
      %dma_start3A_438 = tpu.memref_slice %arg5[%squeeze3A_425, %dma_start3A_437] : memref<1000000x16xf32, #tpu.memory_space<hbm>> -> memref<1x16xf32, #tpu.memory_space<hbm>>
      %dma_start3A_439 = tpu.memref_squeeze %dma_start3A_438 : memref<1x16xf32, #tpu.memory_space<hbm>> -> memref<16xf32, #tpu.memory_space<hbm>>
      tpu.enqueue_dma source(%dma_start3A_439 : memref<16xf32, #tpu.memory_space<hbm>>) target(%dma_start3A_436 : memref<16xf32, #tpu.memory_space<vmem>>) target_semaphore(%arg12 : memref<!tpu.dma_semaphore, #tpu.memory_space<semaphore_mem>>)
      %slice3A_440 = vector.extract_strided_slice %get3A_54 {offsets = [12], sizes = [1], strides = [1]} : vector<16xi32> to vector<1xi32>
      %squeeze3A_441 = vector.extract %slice3A_440[0] : i32 from vector<1xi32>
      %add3A_442 = arith.constant 12 : i32
      %add3A_443 = arith.addi %mul3A_51, %add3A_442 : i32
      %dma_start3A_444 = arith.constant 0 : i32
      %dma_start3A_445 = tpu.memref_slice %arg9[%add3A_443, %dma_start3A_444] : memref<256x16xf32, #tpu.memory_space<vmem>> -> memref<1x16xf32, #tpu.memory_space<vmem>>
      %dma_start3A_446 = tpu.memref_squeeze %dma_start3A_445 : memref<1x16xf32, #tpu.memory_space<vmem>> -> memref<16xf32, #tpu.memory_space<vmem>>
      %dma_start3A_447 = arith.constant 0 : i32
      %dma_start3A_448 = tpu.memref_slice %arg4[%squeeze3A_441, %dma_start3A_447] : memref<1000000x16xf32, #tpu.memory_space<hbm>> -> memref<1x16xf32, #tpu.memory_space<hbm>>
      %dma_start3A_449 = tpu.memref_squeeze %dma_start3A_448 : memref<1x16xf32, #tpu.memory_space<hbm>> -> memref<16xf32, #tpu.memory_space<hbm>>
      %dma_start3A_450 = arith.constant 0 : i32
      %dma_start3A_451 = tpu.memref_slice %arg9[%add3A_443, %dma_start3A_450] : memref<256x16xf32, #tpu.memory_space<vmem>> -> memref<1x16xf32, #tpu.memory_space<vmem>>
      %dma_start3A_452 = tpu.memref_squeeze %dma_start3A_451 : memref<1x16xf32, #tpu.memory_space<vmem>> -> memref<16xf32, #tpu.memory_space<vmem>>
      %dma_start3A_453 = arith.constant 0 : i32
      %dma_start3A_454 = tpu.memref_slice %arg4[%squeeze3A_441, %dma_start3A_453] : memref<1000000x16xf32, #tpu.memory_space<hbm>> -> memref<1x16xf32, #tpu.memory_space<hbm>>
      %dma_start3A_455 = tpu.memref_squeeze %dma_start3A_454 : memref<1x16xf32, #tpu.memory_space<hbm>> -> memref<16xf32, #tpu.memory_space<hbm>>
      tpu.enqueue_dma source(%dma_start3A_455 : memref<16xf32, #tpu.memory_space<hbm>>) target(%dma_start3A_452 : memref<16xf32, #tpu.memory_space<vmem>>) target_semaphore(%arg12 : memref<!tpu.dma_semaphore, #tpu.memory_space<semaphore_mem>>)
      %slice3A_456 = vector.extract_strided_slice %get3A_58 {offsets = [12], sizes = [1], strides = [1]} : vector<16xi32> to vector<1xi32>
      %squeeze3A_457 = vector.extract %slice3A_456[0] : i32 from vector<1xi32>
      %add3A_458 = arith.constant 12 : i32
      %add3A_459 = arith.addi %mul3A_51, %add3A_458 : i32
      %dma_start3A_460 = arith.constant 0 : i32
      %dma_start3A_461 = tpu.memref_slice %arg10[%add3A_459, %dma_start3A_460] : memref<256x16xf32, #tpu.memory_space<vmem>> -> memref<1x16xf32, #tpu.memory_space<vmem>>
      %dma_start3A_462 = tpu.memref_squeeze %dma_start3A_461 : memref<1x16xf32, #tpu.memory_space<vmem>> -> memref<16xf32, #tpu.memory_space<vmem>>
      %dma_start3A_463 = arith.constant 0 : i32
      %dma_start3A_464 = tpu.memref_slice %arg5[%squeeze3A_457, %dma_start3A_463] : memref<1000000x16xf32, #tpu.memory_space<hbm>> -> memref<1x16xf32, #tpu.memory_space<hbm>>
      %dma_start3A_465 = tpu.memref_squeeze %dma_start3A_464 : memref<1x16xf32, #tpu.memory_space<hbm>> -> memref<16xf32, #tpu.memory_space<hbm>>
      %dma_start3A_466 = arith.constant 0 : i32
      %dma_start3A_467 = tpu.memref_slice %arg10[%add3A_459, %dma_start3A_466] : memref<256x16xf32, #tpu.memory_space<vmem>> -> memref<1x16xf32, #tpu.memory_space<vmem>>
      %dma_start3A_468 = tpu.memref_squeeze %dma_start3A_467 : memref<1x16xf32, #tpu.memory_space<vmem>> -> memref<16xf32, #tpu.memory_space<vmem>>
      %dma_start3A_469 = arith.constant 0 : i32
      %dma_start3A_470 = tpu.memref_slice %arg5[%squeeze3A_457, %dma_start3A_469] : memref<1000000x16xf32, #tpu.memory_space<hbm>> -> memref<1x16xf32, #tpu.memory_space<hbm>>
      %dma_start3A_471 = tpu.memref_squeeze %dma_start3A_470 : memref<1x16xf32, #tpu.memory_space<hbm>> -> memref<16xf32, #tpu.memory_space<hbm>>
      tpu.enqueue_dma source(%dma_start3A_471 : memref<16xf32, #tpu.memory_space<hbm>>) target(%dma_start3A_468 : memref<16xf32, #tpu.memory_space<vmem>>) target_semaphore(%arg12 : memref<!tpu.dma_semaphore, #tpu.memory_space<semaphore_mem>>)
      %slice3A_472 = vector.extract_strided_slice %get3A_54 {offsets = [13], sizes = [1], strides = [1]} : vector<16xi32> to vector<1xi32>
      %squeeze3A_473 = vector.extract %slice3A_472[0] : i32 from vector<1xi32>
      %add3A_474 = arith.constant 13 : i32
      %add3A_475 = arith.addi %mul3A_51, %add3A_474 : i32
      %dma_start3A_476 = arith.constant 0 : i32
      %dma_start3A_477 = tpu.memref_slice %arg9[%add3A_475, %dma_start3A_476] : memref<256x16xf32, #tpu.memory_space<vmem>> -> memref<1x16xf32, #tpu.memory_space<vmem>>
      %dma_start3A_478 = tpu.memref_squeeze %dma_start3A_477 : memref<1x16xf32, #tpu.memory_space<vmem>> -> memref<16xf32, #tpu.memory_space<vmem>>
      %dma_start3A_479 = arith.constant 0 : i32
      %dma_start3A_480 = tpu.memref_slice %arg4[%squeeze3A_473, %dma_start3A_479] : memref<1000000x16xf32, #tpu.memory_space<hbm>> -> memref<1x16xf32, #tpu.memory_space<hbm>>
      %dma_start3A_481 = tpu.memref_squeeze %dma_start3A_480 : memref<1x16xf32, #tpu.memory_space<hbm>> -> memref<16xf32, #tpu.memory_space<hbm>>
      %dma_start3A_482 = arith.constant 0 : i32
      %dma_start3A_483 = tpu.memref_slice %arg9[%add3A_475, %dma_start3A_482] : memref<256x16xf32, #tpu.memory_space<vmem>> -> memref<1x16xf32, #tpu.memory_space<vmem>>
      %dma_start3A_484 = tpu.memref_squeeze %dma_start3A_483 : memref<1x16xf32, #tpu.memory_space<vmem>> -> memref<16xf32, #tpu.memory_space<vmem>>
      %dma_start3A_485 = arith.constant 0 : i32
      %dma_start3A_486 = tpu.memref_slice %arg4[%squeeze3A_473, %dma_start3A_485] : memref<1000000x16xf32, #tpu.memory_space<hbm>> -> memref<1x16xf32, #tpu.memory_space<hbm>>
      %dma_start3A_487 = tpu.memref_squeeze %dma_start3A_486 : memref<1x16xf32, #tpu.memory_space<hbm>> -> memref<16xf32, #tpu.memory_space<hbm>>
      tpu.enqueue_dma source(%dma_start3A_487 : memref<16xf32, #tpu.memory_space<hbm>>) target(%dma_start3A_484 : memref<16xf32, #tpu.memory_space<vmem>>) target_semaphore(%arg12 : memref<!tpu.dma_semaphore, #tpu.memory_space<semaphore_mem>>)
      %slice3A_488 = vector.extract_strided_slice %get3A_58 {offsets = [13], sizes = [1], strides = [1]} : vector<16xi32> to vector<1xi32>
      %squeeze3A_489 = vector.extract %slice3A_488[0] : i32 from vector<1xi32>
      %add3A_490 = arith.constant 13 : i32
      %add3A_491 = arith.addi %mul3A_51, %add3A_490 : i32
      %dma_start3A_492 = arith.constant 0 : i32
      %dma_start3A_493 = tpu.memref_slice %arg10[%add3A_491, %dma_start3A_492] : memref<256x16xf32, #tpu.memory_space<vmem>> -> memref<1x16xf32, #tpu.memory_space<vmem>>
      %dma_start3A_494 = tpu.memref_squeeze %dma_start3A_493 : memref<1x16xf32, #tpu.memory_space<vmem>> -> memref<16xf32, #tpu.memory_space<vmem>>
      %dma_start3A_495 = arith.constant 0 : i32
      %dma_start3A_496 = tpu.memref_slice %arg5[%squeeze3A_489, %dma_start3A_495] : memref<1000000x16xf32, #tpu.memory_space<hbm>> -> memref<1x16xf32, #tpu.memory_space<hbm>>
      %dma_start3A_497 = tpu.memref_squeeze %dma_start3A_496 : memref<1x16xf32, #tpu.memory_space<hbm>> -> memref<16xf32, #tpu.memory_space<hbm>>
      %dma_start3A_498 = arith.constant 0 : i32
      %dma_start3A_499 = tpu.memref_slice %arg10[%add3A_491, %dma_start3A_498] : memref<256x16xf32, #tpu.memory_space<vmem>> -> memref<1x16xf32, #tpu.memory_space<vmem>>
      %dma_start3A_500 = tpu.memref_squeeze %dma_start3A_499 : memref<1x16xf32, #tpu.memory_space<vmem>> -> memref<16xf32, #tpu.memory_space<vmem>>
      %dma_start3A_501 = arith.constant 0 : i32
      %dma_start3A_502 = tpu.memref_slice %arg5[%squeeze3A_489, %dma_start3A_501] : memref<1000000x16xf32, #tpu.memory_space<hbm>> -> memref<1x16xf32, #tpu.memory_space<hbm>>
      %dma_start3A_503 = tpu.memref_squeeze %dma_start3A_502 : memref<1x16xf32, #tpu.memory_space<hbm>> -> memref<16xf32, #tpu.memory_space<hbm>>
      tpu.enqueue_dma source(%dma_start3A_503 : memref<16xf32, #tpu.memory_space<hbm>>) target(%dma_start3A_500 : memref<16xf32, #tpu.memory_space<vmem>>) target_semaphore(%arg12 : memref<!tpu.dma_semaphore, #tpu.memory_space<semaphore_mem>>)
      %slice3A_504 = vector.extract_strided_slice %get3A_54 {offsets = [14], sizes = [1], strides = [1]} : vector<16xi32> to vector<1xi32>
      %squeeze3A_505 = vector.extract %slice3A_504[0] : i32 from vector<1xi32>
      %add3A_506 = arith.constant 14 : i32
      %add3A_507 = arith.addi %mul3A_51, %add3A_506 : i32
      %dma_start3A_508 = arith.constant 0 : i32
      %dma_start3A_509 = tpu.memref_slice %arg9[%add3A_507, %dma_start3A_508] : memref<256x16xf32, #tpu.memory_space<vmem>> -> memref<1x16xf32, #tpu.memory_space<vmem>>
      %dma_start3A_510 = tpu.memref_squeeze %dma_start3A_509 : memref<1x16xf32, #tpu.memory_space<vmem>> -> memref<16xf32, #tpu.memory_space<vmem>>
      %dma_start3A_511 = arith.constant 0 : i32
      %dma_start3A_512 = tpu.memref_slice %arg4[%squeeze3A_505, %dma_start3A_511] : memref<1000000x16xf32, #tpu.memory_space<hbm>> -> memref<1x16xf32, #tpu.memory_space<hbm>>
      %dma_start3A_513 = tpu.memref_squeeze %dma_start3A_512 : memref<1x16xf32, #tpu.memory_space<hbm>> -> memref<16xf32, #tpu.memory_space<hbm>>
      %dma_start3A_514 = arith.constant 0 : i32
      %dma_start3A_515 = tpu.memref_slice %arg9[%add3A_507, %dma_start3A_514] : memref<256x16xf32, #tpu.memory_space<vmem>> -> memref<1x16xf32, #tpu.memory_space<vmem>>
      %dma_start3A_516 = tpu.memref_squeeze %dma_start3A_515 : memref<1x16xf32, #tpu.memory_space<vmem>> -> memref<16xf32, #tpu.memory_space<vmem>>
      %dma_start3A_517 = arith.constant 0 : i32
      %dma_start3A_518 = tpu.memref_slice %arg4[%squeeze3A_505, %dma_start3A_517] : memref<1000000x16xf32, #tpu.memory_space<hbm>> -> memref<1x16xf32, #tpu.memory_space<hbm>>
      %dma_start3A_519 = tpu.memref_squeeze %dma_start3A_518 : memref<1x16xf32, #tpu.memory_space<hbm>> -> memref<16xf32, #tpu.memory_space<hbm>>
      tpu.enqueue_dma source(%dma_start3A_519 : memref<16xf32, #tpu.memory_space<hbm>>) target(%dma_start3A_516 : memref<16xf32, #tpu.memory_space<vmem>>) target_semaphore(%arg12 : memref<!tpu.dma_semaphore, #tpu.memory_space<semaphore_mem>>)
      %slice3A_520 = vector.extract_strided_slice %get3A_58 {offsets = [14], sizes = [1], strides = [1]} : vector<16xi32> to vector<1xi32>
      %squeeze3A_521 = vector.extract %slice3A_520[0] : i32 from vector<1xi32>
      %add3A_522 = arith.constant 14 : i32
      %add3A_523 = arith.addi %mul3A_51, %add3A_522 : i32
      %dma_start3A_524 = arith.constant 0 : i32
      %dma_start3A_525 = tpu.memref_slice %arg10[%add3A_523, %dma_start3A_524] : memref<256x16xf32, #tpu.memory_space<vmem>> -> memref<1x16xf32, #tpu.memory_space<vmem>>
      %dma_start3A_526 = tpu.memref_squeeze %dma_start3A_525 : memref<1x16xf32, #tpu.memory_space<vmem>> -> memref<16xf32, #tpu.memory_space<vmem>>
      %dma_start3A_527 = arith.constant 0 : i32
      %dma_start3A_528 = tpu.memref_slice %arg5[%squeeze3A_521, %dma_start3A_527] : memref<1000000x16xf32, #tpu.memory_space<hbm>> -> memref<1x16xf32, #tpu.memory_space<hbm>>
      %dma_start3A_529 = tpu.memref_squeeze %dma_start3A_528 : memref<1x16xf32, #tpu.memory_space<hbm>> -> memref<16xf32, #tpu.memory_space<hbm>>
      %dma_start3A_530 = arith.constant 0 : i32
      %dma_start3A_531 = tpu.memref_slice %arg10[%add3A_523, %dma_start3A_530] : memref<256x16xf32, #tpu.memory_space<vmem>> -> memref<1x16xf32, #tpu.memory_space<vmem>>
      %dma_start3A_532 = tpu.memref_squeeze %dma_start3A_531 : memref<1x16xf32, #tpu.memory_space<vmem>> -> memref<16xf32, #tpu.memory_space<vmem>>
      %dma_start3A_533 = arith.constant 0 : i32
      %dma_start3A_534 = tpu.memref_slice %arg5[%squeeze3A_521, %dma_start3A_533] : memref<1000000x16xf32, #tpu.memory_space<hbm>> -> memref<1x16xf32, #tpu.memory_space<hbm>>
      %dma_start3A_535 = tpu.memref_squeeze %dma_start3A_534 : memref<1x16xf32, #tpu.memory_space<hbm>> -> memref<16xf32, #tpu.memory_space<hbm>>
      tpu.enqueue_dma source(%dma_start3A_535 : memref<16xf32, #tpu.memory_space<hbm>>) target(%dma_start3A_532 : memref<16xf32, #tpu.memory_space<vmem>>) target_semaphore(%arg12 : memref<!tpu.dma_semaphore, #tpu.memory_space<semaphore_mem>>)
      %slice3A_536 = vector.extract_strided_slice %get3A_54 {offsets = [15], sizes = [1], strides = [1]} : vector<16xi32> to vector<1xi32>
      %squeeze3A_537 = vector.extract %slice3A_536[0] : i32 from vector<1xi32>
      %add3A_538 = arith.constant 15 : i32
      %add3A_539 = arith.addi %mul3A_51, %add3A_538 : i32
      %dma_start3A_540 = arith.constant 0 : i32
      %dma_start3A_541 = tpu.memref_slice %arg9[%add3A_539, %dma_start3A_540] : memref<256x16xf32, #tpu.memory_space<vmem>> -> memref<1x16xf32, #tpu.memory_space<vmem>>
      %dma_start3A_542 = tpu.memref_squeeze %dma_start3A_541 : memref<1x16xf32, #tpu.memory_space<vmem>> -> memref<16xf32, #tpu.memory_space<vmem>>
      %dma_start3A_543 = arith.constant 0 : i32
      %dma_start3A_544 = tpu.memref_slice %arg4[%squeeze3A_537, %dma_start3A_543] : memref<1000000x16xf32, #tpu.memory_space<hbm>> -> memref<1x16xf32, #tpu.memory_space<hbm>>
      %dma_start3A_545 = tpu.memref_squeeze %dma_start3A_544 : memref<1x16xf32, #tpu.memory_space<hbm>> -> memref<16xf32, #tpu.memory_space<hbm>>
      %dma_start3A_546 = arith.constant 0 : i32
      %dma_start3A_547 = tpu.memref_slice %arg9[%add3A_539, %dma_start3A_546] : memref<256x16xf32, #tpu.memory_space<vmem>> -> memref<1x16xf32, #tpu.memory_space<vmem>>
      %dma_start3A_548 = tpu.memref_squeeze %dma_start3A_547 : memref<1x16xf32, #tpu.memory_space<vmem>> -> memref<16xf32, #tpu.memory_space<vmem>>
      %dma_start3A_549 = arith.constant 0 : i32
      %dma_start3A_550 = tpu.memref_slice %arg4[%squeeze3A_537, %dma_start3A_549] : memref<1000000x16xf32, #tpu.memory_space<hbm>> -> memref<1x16xf32, #tpu.memory_space<hbm>>
      %dma_start3A_551 = tpu.memref_squeeze %dma_start3A_550 : memref<1x16xf32, #tpu.memory_space<hbm>> -> memref<16xf32, #tpu.memory_space<hbm>>
      tpu.enqueue_dma source(%dma_start3A_551 : memref<16xf32, #tpu.memory_space<hbm>>) target(%dma_start3A_548 : memref<16xf32, #tpu.memory_space<vmem>>) target_semaphore(%arg12 : memref<!tpu.dma_semaphore, #tpu.memory_space<semaphore_mem>>)
      %slice3A_552 = vector.extract_strided_slice %get3A_58 {offsets = [15], sizes = [1], strides = [1]} : vector<16xi32> to vector<1xi32>
      %squeeze3A_553 = vector.extract %slice3A_552[0] : i32 from vector<1xi32>
      %add3A_554 = arith.constant 15 : i32
      %add3A_555 = arith.addi %mul3A_51, %add3A_554 : i32
      %dma_start3A_556 = arith.constant 0 : i32
      %dma_start3A_557 = tpu.memref_slice %arg10[%add3A_555, %dma_start3A_556] : memref<256x16xf32, #tpu.memory_space<vmem>> -> memref<1x16xf32, #tpu.memory_space<vmem>>
      %dma_start3A_558 = tpu.memref_squeeze %dma_start3A_557 : memref<1x16xf32, #tpu.memory_space<vmem>> -> memref<16xf32, #tpu.memory_space<vmem>>
      %dma_start3A_559 = arith.constant 0 : i32
      %dma_start3A_560 = tpu.memref_slice %arg5[%squeeze3A_553, %dma_start3A_559] : memref<1000000x16xf32, #tpu.memory_space<hbm>> -> memref<1x16xf32, #tpu.memory_space<hbm>>
      %dma_start3A_561 = tpu.memref_squeeze %dma_start3A_560 : memref<1x16xf32, #tpu.memory_space<hbm>> -> memref<16xf32, #tpu.memory_space<hbm>>
      %dma_start3A_562 = arith.constant 0 : i32
      %dma_start3A_563 = tpu.memref_slice %arg10[%add3A_555, %dma_start3A_562] : memref<256x16xf32, #tpu.memory_space<vmem>> -> memref<1x16xf32, #tpu.memory_space<vmem>>
      %dma_start3A_564 = tpu.memref_squeeze %dma_start3A_563 : memref<1x16xf32, #tpu.memory_space<vmem>> -> memref<16xf32, #tpu.memory_space<vmem>>
      %dma_start3A_565 = arith.constant 0 : i32
      %dma_start3A_566 = tpu.memref_slice %arg5[%squeeze3A_553, %dma_start3A_565] : memref<1000000x16xf32, #tpu.memory_space<hbm>> -> memref<1x16xf32, #tpu.memory_space<hbm>>
      %dma_start3A_567 = tpu.memref_squeeze %dma_start3A_566 : memref<1x16xf32, #tpu.memory_space<hbm>> -> memref<16xf32, #tpu.memory_space<hbm>>
      tpu.enqueue_dma source(%dma_start3A_567 : memref<16xf32, #tpu.memory_space<hbm>>) target(%dma_start3A_564 : memref<16xf32, #tpu.memory_space<vmem>>) target_semaphore(%arg12 : memref<!tpu.dma_semaphore, #tpu.memory_space<semaphore_mem>>)
    }
    %scan3A_30 = arith.constant 16 : i32
    %dma_wait3A_31 = arith.constant 0 : i32
    %dma_wait3A_32 = arith.constant 0 : i32
    %dma_wait3A_33 = tpu.memref_slice %arg4[%dma_wait3A_31, %dma_wait3A_32] : memref<1000000x16xf32, #tpu.memory_space<hbm>> -> memref<256x16xf32, #tpu.memory_space<hbm>>
    %dma_wait3A_34 = arith.constant 0 : i32
    %dma_wait3A_35 = arith.constant 0 : i32
    %dma_wait3A_36 = tpu.memref_slice %arg4[%dma_wait3A_34, %dma_wait3A_35] : memref<1000000x16xf32, #tpu.memory_space<hbm>> -> memref<256x16xf32, #tpu.memory_space<hbm>>
    tpu.wait_dma2 semaphore(%arg12 : memref<!tpu.dma_semaphore, #tpu.memory_space<semaphore_mem>>) src(%dma_wait3A_36 : memref<256x16xf32, #tpu.memory_space<hbm>>) dst(%arg9 : memref<256x16xf32, #tpu.memory_space<vmem>>)
    %dma_wait3A_37 = arith.constant 0 : i32
    %dma_wait3A_38 = arith.constant 0 : i32
    %dma_wait3A_39 = tpu.memref_slice %arg4[%dma_wait3A_37, %dma_wait3A_38] : memref<1000000x16xf32, #tpu.memory_space<hbm>> -> memref<256x16xf32, #tpu.memory_space<hbm>>
    %dma_wait3A_40 = arith.constant 0 : i32
    %dma_wait3A_41 = arith.constant 0 : i32
    %dma_wait3A_42 = tpu.memref_slice %arg4[%dma_wait3A_40, %dma_wait3A_41] : memref<1000000x16xf32, #tpu.memory_space<hbm>> -> memref<256x16xf32, #tpu.memory_space<hbm>>
    tpu.wait_dma2 semaphore(%arg12 : memref<!tpu.dma_semaphore, #tpu.memory_space<semaphore_mem>>) src(%dma_wait3A_42 : memref<256x16xf32, #tpu.memory_space<hbm>>) dst(%arg10 : memref<256x16xf32, #tpu.memory_space<vmem>>)
    %scan3A_43 = arith.constant 0 : i32
    %scan3A_44 = arith.constant 0 : i32
    %scan3A_45 = arith.constant 16 : i32
    %scan3A_46 = arith.addi %scan3A_44, %scan3A_45 : i32
    %scan3A_47 = arith.constant 1 : i32
    scf.for %scan3A_49 = %scan3A_44 to %scan3A_46 step %scan3A_47  : i32 {
      %mul3A_50 = arith.constant 16 : i32
      %mul3A_51 = arith.muli %scan3A_49, %mul3A_50 : i32
      %iota3A = tpu.iota {dimensions = array<i32: 0>} : vector<16xi32>
      %add3A_52 = vector.broadcast %mul3A_51 : i32 to vector<16xi32>
      %add3A_53 = arith.addi %add3A_52, %iota3A : vector<16xi32>
      %broadcast_in_dim3A = arith.constant 0.000000e+00 : f32
      %broadcast_in_dim3A_54 = vector.broadcast %broadcast_in_dim3A : f32 to vector<16xf32>
      %broadcast_in_dim3A_55 = arith.constant 0 : i32
      %broadcast_in_dim3A_56 = vector.broadcast %broadcast_in_dim3A_55 : i32 to vector<16xi32>
      %gather3A = tpu.vector_load_idx %arg9[%add3A_53, %broadcast_in_dim3A_56] : memref<256x16xf32, #tpu.memory_space<vmem>>[vector<16xi32>, vector<16xi32>], vector<16xf32>,
      %gather3A_57 = tpu.vector_load_idx %arg10[%add3A_53, %broadcast_in_dim3A_56] : memref<256x16xf32, #tpu.memory_space<vmem>>[vector<16xi32>, vector<16xi32>], vector<16xf32>,
      %mul3A_58 = arith.mulf %gather3A, %gather3A_57 : vector<16xf32>
      %add3A_59 = arith.addf %broadcast_in_dim3A_54, %mul3A_58 : vector<16xf32>
      %broadcast_in_dim3A_60 = arith.constant 1 : i32
      %broadcast_in_dim3A_61 = vector.broadcast %broadcast_in_dim3A_60 : i32 to vector<16xi32>
      %gather3A_62 = tpu.vector_load_idx %arg9[%add3A_53, %broadcast_in_dim3A_61] : memref<256x16xf32, #tpu.memory_space<vmem>>[vector<16xi32>, vector<16xi32>], vector<16xf32>,
      %gather3A_63 = tpu.vector_load_idx %arg10[%add3A_53, %broadcast_in_dim3A_61] : memref<256x16xf32, #tpu.memory_space<vmem>>[vector<16xi32>, vector<16xi32>], vector<16xf32>,
      %mul3A_64 = arith.mulf %gather3A_62, %gather3A_63 : vector<16xf32>
      %add3A_65 = arith.addf %add3A_59, %mul3A_64 : vector<16xf32>
      %broadcast_in_dim3A_66 = arith.constant 2 : i32
      %broadcast_in_dim3A_67 = vector.broadcast %broadcast_in_dim3A_66 : i32 to vector<16xi32>
      %gather3A_68 = tpu.vector_load_idx %arg9[%add3A_53, %broadcast_in_dim3A_67] : memref<256x16xf32, #tpu.memory_space<vmem>>[vector<16xi32>, vector<16xi32>], vector<16xf32>,
      %gather3A_69 = tpu.vector_load_idx %arg10[%add3A_53, %broadcast_in_dim3A_67] : memref<256x16xf32, #tpu.memory_space<vmem>>[vector<16xi32>, vector<16xi32>], vector<16xf32>,
      %mul3A_70 = arith.mulf %gather3A_68, %gather3A_69 : vector<16xf32>
      %add3A_71 = arith.addf %add3A_65, %mul3A_70 : vector<16xf32>
      %broadcast_in_dim3A_72 = arith.constant 3 : i32
      %broadcast_in_dim3A_73 = vector.broadcast %broadcast_in_dim3A_72 : i32 to vector<16xi32>
      %gather3A_74 = tpu.vector_load_idx %arg9[%add3A_53, %broadcast_in_dim3A_73] : memref<256x16xf32, #tpu.memory_space<vmem>>[vector<16xi32>, vector<16xi32>], vector<16xf32>,
      %gather3A_75 = tpu.vector_load_idx %arg10[%add3A_53, %broadcast_in_dim3A_73] : memref<256x16xf32, #tpu.memory_space<vmem>>[vector<16xi32>, vector<16xi32>], vector<16xf32>,
      %mul3A_76 = arith.mulf %gather3A_74, %gather3A_75 : vector<16xf32>
      %add3A_77 = arith.addf %add3A_71, %mul3A_76 : vector<16xf32>
      %broadcast_in_dim3A_78 = arith.constant 4 : i32
      %broadcast_in_dim3A_79 = vector.broadcast %broadcast_in_dim3A_78 : i32 to vector<16xi32>
      %gather3A_80 = tpu.vector_load_idx %arg9[%add3A_53, %broadcast_in_dim3A_79] : memref<256x16xf32, #tpu.memory_space<vmem>>[vector<16xi32>, vector<16xi32>], vector<16xf32>,
      %gather3A_81 = tpu.vector_load_idx %arg10[%add3A_53, %broadcast_in_dim3A_79] : memref<256x16xf32, #tpu.memory_space<vmem>>[vector<16xi32>, vector<16xi32>], vector<16xf32>,
      %mul3A_82 = arith.mulf %gather3A_80, %gather3A_81 : vector<16xf32>
      %add3A_83 = arith.addf %add3A_77, %mul3A_82 : vector<16xf32>
      %broadcast_in_dim3A_84 = arith.constant 5 : i32
      %broadcast_in_dim3A_85 = vector.broadcast %broadcast_in_dim3A_84 : i32 to vector<16xi32>
      %gather3A_86 = tpu.vector_load_idx %arg9[%add3A_53, %broadcast_in_dim3A_85] : memref<256x16xf32, #tpu.memory_space<vmem>>[vector<16xi32>, vector<16xi32>], vector<16xf32>,
      %gather3A_87 = tpu.vector_load_idx %arg10[%add3A_53, %broadcast_in_dim3A_85] : memref<256x16xf32, #tpu.memory_space<vmem>>[vector<16xi32>, vector<16xi32>], vector<16xf32>,
      %mul3A_88 = arith.mulf %gather3A_86, %gather3A_87 : vector<16xf32>
      %add3A_89 = arith.addf %add3A_83, %mul3A_88 : vector<16xf32>
      %broadcast_in_dim3A_90 = arith.constant 6 : i32
      %broadcast_in_dim3A_91 = vector.broadcast %broadcast_in_dim3A_90 : i32 to vector<16xi32>
      %gather3A_92 = tpu.vector_load_idx %arg9[%add3A_53, %broadcast_in_dim3A_91] : memref<256x16xf32, #tpu.memory_space<vmem>>[vector<16xi32>, vector<16xi32>], vector<16xf32>,
      %gather3A_93 = tpu.vector_load_idx %arg10[%add3A_53, %broadcast_in_dim3A_91] : memref<256x16xf32, #tpu.memory_space<vmem>>[vector<16xi32>, vector<16xi32>], vector<16xf32>,
      %mul3A_94 = arith.mulf %gather3A_92, %gather3A_93 : vector<16xf32>
      %add3A_95 = arith.addf %add3A_89, %mul3A_94 : vector<16xf32>
      %broadcast_in_dim3A_96 = arith.constant 7 : i32
      %broadcast_in_dim3A_97 = vector.broadcast %broadcast_in_dim3A_96 : i32 to vector<16xi32>
      %gather3A_98 = tpu.vector_load_idx %arg9[%add3A_53, %broadcast_in_dim3A_97] : memref<256x16xf32, #tpu.memory_space<vmem>>[vector<16xi32>, vector<16xi32>], vector<16xf32>,
      %gather3A_99 = tpu.vector_load_idx %arg10[%add3A_53, %broadcast_in_dim3A_97] : memref<256x16xf32, #tpu.memory_space<vmem>>[vector<16xi32>, vector<16xi32>], vector<16xf32>,
      %mul3A_100 = arith.mulf %gather3A_98, %gather3A_99 : vector<16xf32>
      %add3A_101 = arith.addf %add3A_95, %mul3A_100 : vector<16xf32>
      %broadcast_in_dim3A_102 = arith.constant 8 : i32
      %broadcast_in_dim3A_103 = vector.broadcast %broadcast_in_dim3A_102 : i32 to vector<16xi32>
      %gather3A_104 = tpu.vector_load_idx %arg9[%add3A_53, %broadcast_in_dim3A_103] : memref<256x16xf32, #tpu.memory_space<vmem>>[vector<16xi32>, vector<16xi32>], vector<16xf32>,
      %gather3A_105 = tpu.vector_load_idx %arg10[%add3A_53, %broadcast_in_dim3A_103] : memref<256x16xf32, #tpu.memory_space<vmem>>[vector<16xi32>, vector<16xi32>], vector<16xf32>,
      %mul3A_106 = arith.mulf %gather3A_104, %gather3A_105 : vector<16xf32>
      %add3A_107 = arith.addf %add3A_101, %mul3A_106 : vector<16xf32>
      %broadcast_in_dim3A_108 = arith.constant 9 : i32
      %broadcast_in_dim3A_109 = vector.broadcast %broadcast_in_dim3A_108 : i32 to vector<16xi32>
      %gather3A_110 = tpu.vector_load_idx %arg9[%add3A_53, %broadcast_in_dim3A_109] : memref<256x16xf32, #tpu.memory_space<vmem>>[vector<16xi32>, vector<16xi32>], vector<16xf32>,
      %gather3A_111 = tpu.vector_load_idx %arg10[%add3A_53, %broadcast_in_dim3A_109] : memref<256x16xf32, #tpu.memory_space<vmem>>[vector<16xi32>, vector<16xi32>], vector<16xf32>,
      %mul3A_112 = arith.mulf %gather3A_110, %gather3A_111 : vector<16xf32>
      %add3A_113 = arith.addf %add3A_107, %mul3A_112 : vector<16xf32>
      %broadcast_in_dim3A_114 = arith.constant 10 : i32
      %broadcast_in_dim3A_115 = vector.broadcast %broadcast_in_dim3A_114 : i32 to vector<16xi32>
      %gather3A_116 = tpu.vector_load_idx %arg9[%add3A_53, %broadcast_in_dim3A_115] : memref<256x16xf32, #tpu.memory_space<vmem>>[vector<16xi32>, vector<16xi32>], vector<16xf32>,
      %gather3A_117 = tpu.vector_load_idx %arg10[%add3A_53, %broadcast_in_dim3A_115] : memref<256x16xf32, #tpu.memory_space<vmem>>[vector<16xi32>, vector<16xi32>], vector<16xf32>,
      %mul3A_118 = arith.mulf %gather3A_116, %gather3A_117 : vector<16xf32>
      %add3A_119 = arith.addf %add3A_113, %mul3A_118 : vector<16xf32>
      %broadcast_in_dim3A_120 = arith.constant 11 : i32
      %broadcast_in_dim3A_121 = vector.broadcast %broadcast_in_dim3A_120 : i32 to vector<16xi32>
      %gather3A_122 = tpu.vector_load_idx %arg9[%add3A_53, %broadcast_in_dim3A_121] : memref<256x16xf32, #tpu.memory_space<vmem>>[vector<16xi32>, vector<16xi32>], vector<16xf32>,
      %gather3A_123 = tpu.vector_load_idx %arg10[%add3A_53, %broadcast_in_dim3A_121] : memref<256x16xf32, #tpu.memory_space<vmem>>[vector<16xi32>, vector<16xi32>], vector<16xf32>,
      %mul3A_124 = arith.mulf %gather3A_122, %gather3A_123 : vector<16xf32>
      %add3A_125 = arith.addf %add3A_119, %mul3A_124 : vector<16xf32>
      %broadcast_in_dim3A_126 = arith.constant 12 : i32
      %broadcast_in_dim3A_127 = vector.broadcast %broadcast_in_dim3A_126 : i32 to vector<16xi32>
      %gather3A_128 = tpu.vector_load_idx %arg9[%add3A_53, %broadcast_in_dim3A_127] : memref<256x16xf32, #tpu.memory_space<vmem>>[vector<16xi32>, vector<16xi32>], vector<16xf32>,
      %gather3A_129 = tpu.vector_load_idx %arg10[%add3A_53, %broadcast_in_dim3A_127] : memref<256x16xf32, #tpu.memory_space<vmem>>[vector<16xi32>, vector<16xi32>], vector<16xf32>,
      %mul3A_130 = arith.mulf %gather3A_128, %gather3A_129 : vector<16xf32>
      %add3A_131 = arith.addf %add3A_125, %mul3A_130 : vector<16xf32>
      %broadcast_in_dim3A_132 = arith.constant 13 : i32
      %broadcast_in_dim3A_133 = vector.broadcast %broadcast_in_dim3A_132 : i32 to vector<16xi32>
      %gather3A_134 = tpu.vector_load_idx %arg9[%add3A_53, %broadcast_in_dim3A_133] : memref<256x16xf32, #tpu.memory_space<vmem>>[vector<16xi32>, vector<16xi32>], vector<16xf32>,
      %gather3A_135 = tpu.vector_load_idx %arg10[%add3A_53, %broadcast_in_dim3A_133] : memref<256x16xf32, #tpu.memory_space<vmem>>[vector<16xi32>, vector<16xi32>], vector<16xf32>,
      %mul3A_136 = arith.mulf %gather3A_134, %gather3A_135 : vector<16xf32>
      %add3A_137 = arith.addf %add3A_131, %mul3A_136 : vector<16xf32>
      %broadcast_in_dim3A_138 = arith.constant 14 : i32
      %broadcast_in_dim3A_139 = vector.broadcast %broadcast_in_dim3A_138 : i32 to vector<16xi32>
      %gather3A_140 = tpu.vector_load_idx %arg9[%add3A_53, %broadcast_in_dim3A_139] : memref<256x16xf32, #tpu.memory_space<vmem>>[vector<16xi32>, vector<16xi32>], vector<16xf32>,
      %gather3A_141 = tpu.vector_load_idx %arg10[%add3A_53, %broadcast_in_dim3A_139] : memref<256x16xf32, #tpu.memory_space<vmem>>[vector<16xi32>, vector<16xi32>], vector<16xf32>,
      %mul3A_142 = arith.mulf %gather3A_140, %gather3A_141 : vector<16xf32>
      %add3A_143 = arith.addf %add3A_137, %mul3A_142 : vector<16xf32>
      %broadcast_in_dim3A_144 = arith.constant 15 : i32
      %broadcast_in_dim3A_145 = vector.broadcast %broadcast_in_dim3A_144 : i32 to vector<16xi32>
      %gather3A_146 = tpu.vector_load_idx %arg9[%add3A_53, %broadcast_in_dim3A_145] : memref<256x16xf32, #tpu.memory_space<vmem>>[vector<16xi32>, vector<16xi32>], vector<16xf32>,
      %gather3A_147 = tpu.vector_load_idx %arg10[%add3A_53, %broadcast_in_dim3A_145] : memref<256x16xf32, #tpu.memory_space<vmem>>[vector<16xi32>, vector<16xi32>], vector<16xf32>,
      %mul3A_148 = arith.mulf %gather3A_146, %gather3A_147 : vector<16xf32>
      %add3A_149 = arith.addf %add3A_143, %mul3A_148 : vector<16xf32>
      %mul3A_150 = arith.constant 16 : i32
      %mul3A_151 = arith.muli %scan3A_49, %mul3A_150 : i32
      %add3A_152 = arith.constant 256 : i32
      %add3A_153 = arith.addi %add3A_152, %mul3A_151 : i32
      %swap3A = arith.index_cast %add3A_153 : i32 to index
      %swap3A_154 = tpu.vector_load %arg11[%swap3A] {strides = array<i32>} : memref<512xf32, #tpu.memory_space<vmem>>, vector<16xf32>,
      tpu.vector_store %arg11[%swap3A], %add3A_149 {strides = array<i32>} : memref<512xf32, #tpu.memory_space<vmem>>, vector<16xf32>,
    }
    %scan3A_48 = arith.constant 16 : i32
    "tpu.region"() ({
      %run_scoped3A = tpu.sem_alloc : memref<!tpu.dma_semaphore, #tpu.memory_space<semaphore_mem>>
      %dma_start3A = tpu.memref_slice %arg6[%mul3A_2] : memref<16384xf32, #tpu.memory_space<hbm>> -> memref<512xf32, #tpu.memory_space<hbm>>
      %dma_start3A_49 = tpu.memref_slice %arg6[%mul3A_2] : memref<16384xf32, #tpu.memory_space<hbm>> -> memref<512xf32, #tpu.memory_space<hbm>>
      tpu.enqueue_dma source(%arg11 : memref<512xf32, #tpu.memory_space<vmem>>) target(%dma_start3A_49 : memref<512xf32, #tpu.memory_space<hbm>>) target_semaphore(%run_scoped3A : memref<!tpu.dma_semaphore, #tpu.memory_space<semaphore_mem>>)
      %dma_wait3A_50 = tpu.memref_slice %arg6[%mul3A_2] : memref<16384xf32, #tpu.memory_space<hbm>> -> memref<512xf32, #tpu.memory_space<hbm>>
      %dma_wait3A_51 = tpu.memref_slice %arg6[%mul3A_2] : memref<16384xf32, #tpu.memory_space<hbm>> -> memref<512xf32, #tpu.memory_space<hbm>>
      tpu.wait_dma2 semaphore(%run_scoped3A : memref<!tpu.dma_semaphore, #tpu.memory_space<semaphore_mem>>) src(%arg11 : memref<512xf32, #tpu.memory_space<vmem>>) dst(%dma_wait3A_51 : memref<512xf32, #tpu.memory_space<hbm>>)
      tpu.yield
    }) : () -> ()
    return
  }
}

</mosaic_0001>

<sc_bundles>
// kernel: kernel.3.cloned.1.call-start
scs
__scs_entry_jumppad:
0x0: {  	(pc) =	sbr.rel $0x88, $3  }
0x1: {  	(tag) =	ssettag $0x0;
	lr =	simm.s32 $0x1  }
0x2: {  	[smem:$0x3F9D] =	sst lr;
	_ =	strace $0xD0000000  }
0x3: {  	_ = 	snop  }
0x4: {  	_ = 	snop  }
0x5: {  	_ = 	snop  }
0x6: {  	_ = 	snop  }
0x7: {  	_ = 	snop  }
__scs_overlays_trampoline_lowered:
0x8: {  	[smem:$0x3FAC] =	sst s0  }
0x9: {  	[smem:$0x3FAD] =	sst s1  }
0xa: {  	[smem:$0x3FAE] =	sst s2  }
0xb: {  	[smem:$0x3FAF] =	sst s3  }
0xc: {  	[smem:$0x3FB0] =	sst s4  }
0xd: {  	[smem:$0x3FB1] =	sst s5  }
0xe: {  	[smem:$0x3FB2] =	sst s6  }
0xf: {  	[smem:$0x3FB3] =	sst s7  }
0x10: {  	[smem:$0x3FB4] =	sst s8  }
0x11: {  	[smem:$0x3FB5] =	sst s9;
	s0 =	simm.s32 @!p0 $0x0  }
0x12: {  	s1 =	sld [smem:$0x3F9B];
	s0 =	simm.s32 @p0 $0x1  }
0x13: {  	[smem:$0x3FB6] =	sst s0;
	s0 =	simm.s32 @!p1 $0x0  }
0x14: {  	s2 =	sld [smem:$0x3F9A];
	s0 =	simm.s32 @p1 $0x1  }
0x15: {  	[smem:$0x3FB7] =	sst s0;
	s0 =	simm.s32 @!p2 $0x0  }
0x16: {  	s3 =	sld [smem:$0x3FDB];
	s0 =	simm.s32 @p2 $0x1  }
0x17: {  	s4 =	simm.s32 $0x1BF5;
	[smem:$0x3FB9] =	sst s0  }
0x18: {  	s0 =	sld [smem:$0x3F9C];
	_ =	swait.ge [sflag:s4], $0x0  }
0x19: {  	s7 =	sld [smem:$0x3F9D]  }
0x1a: {  	s8 =	sadd.s32 $0xFFFFE003, lr  }
0x1b: {  	s9 =	sadd.s32 $0xFFFFFEF7, lr;
	s5 =	simm.s32 $0xFFFFFFFF;
	p2 =	slt.u32 s8, $0xFFFFF086  }
0x1c: {  	p1 =	slt.u32 s9, $0xF7A;
	s5 =	simm.s32 @!p2 $0x0  }
0x1d: {  	s5 =	simm.s32 @p1 $0x1;
	p0 =	seq.s32 s7, s2  }
0x1e: {  	s7 =	smul.u32 @!p0 $0xF7A, s2;
	p2 =	seq.s32 @!p0 s5, $0x0  }
0x1f: {  	s9 =	smul.u32 $0xF7A, s1;
	s8 =	simm.s32 @!p0 $0x1BF5;
	p2 =	por !p2, p0  }
0x20: {  	[sflag:s8] =	ssyncset.s32 @!p0 $0xFFFFF086;
	s6 =	sadd.s32 @!p0 s3, s7;
	s7 =	simm.s32 @!p0 $0x108  }
0x21: {  	s3 =	sadd.s32 s3, s9;
	s6 =	sadd.s32 @!p0 $0x88, s6;
	s7 =	simm.s32 @p2 $0x1082  }
0x22: {  	[simem:s7], [sflag:s8] =	dma.local @!p0 [hbm:s6], $0xF7A  }
0x23: {  	s9 =	sor.u32 $0xD0000000, s2;
	s6 =	simm.s32 $0x108;
	_ =	swait.ge @!p0 [sflag:s8], $0x0  }
0x24: {  	s3 =	sadd.s32 $0x88, s3;
	s6 =	simm.s32 @!p1 $0x1082;
	[sflag:s4] =	ssyncset.s32 $0xFFFFF086  }
0x25: {  	[simem:s6], [sflag:s4] =	dma.local [hbm:s3], $0xF7A  }
0x26: {  	[smem:$0x3F9D] =	sst s1;
	(tag) =	ssettag s2;
	_ =	strace s9  }
0x27: {  	s1 =	sld [smem:$0x3FAD]  }
0x28: {  	s2 =	sld [smem:$0x3FAE]  }
0x29: {  	s4 =	sld [smem:$0x3FB0]  }
0x2a: {  	p0 =	seq.s32 s5, $0x0;
	s5 =	sld [smem:$0x3FB1]  }
0x2b: {  	s6 =	sld [smem:$0x3FB2]  }
0x2c: {  	s7 =	sld [smem:$0x3FB3]  }
0x2d: {  	s3 =	simm.s32 $0x108;
	s8 =	sld [smem:$0x3FB4]  }
0x2e: {  	s3 =	simm.s32 @!p0 $0x1082;
	s9 =	sld [smem:$0x3FB5]  }
0x2f: {  	lr =	sadd.s32 s0, s3;
	s0 =	sld [smem:$0x3FAC]  }
0x30: {  	s3 =	sld [smem:$0x3FAF]  }
0x31: {  	[smem:$0x3FB8] =	sst s10  }
0x32: {  	s10 =	sld [smem:$0x3FB6];
	_ =	sdelay $0x3  }
0x33: {  	p0 =	seq.s32 s10, $0x1;
	s10 =	sld [smem:$0x3FB8];
	_ =	sdelay $0x3  }
0x34: {  	[smem:$0x3FB8] =	sst s10  }
0x35: {  	s10 =	sld [smem:$0x3FB7];
	_ =	sdelay $0x3  }
0x36: {  	p1 =	seq.s32 s10, $0x1;
	s10 =	sld [smem:$0x3FB8];
	_ =	sdelay $0x3  }
0x37: {  	[smem:$0x3FB8] =	sst s10  }
0x38: {  	s10 =	sld [smem:$0x3FB9]  }
0x39: {  	_ = 	snop;
	(pc) =	sbr.ind lr, $3  }
0x3a: {  	_ = 	snop  }
0x3b: {  	_ = 	snop  }
0x3c: {  	p2 =	seq.s32 s10, $0x1;
	s10 =	sld [smem:$0x3FB8]  }
0x3d: {  	_ =	shalt  }
0x3e: {  	_ =	shalt  }
0x3f: {  	_ =	shalt  }
0x40: {  	_ =	shalt  }
0x41: {  	_ =	shalt  }
0x42: {  	_ =	shalt  }
0x43: {  	_ =	shalt  }
0x44: {  	_ =	shalt  }
0x45: {  	_ =	shalt  }
0x46: {  	_ =	shalt  }
0x47: {  	_ =	shalt  }
0x48: {  	_ =	shalt  }
0x49: {  	_ =	shalt  }
0x4a: {  	_ =	shalt  }
0x4b: {  	_ =	shalt  }
0x4c: {  	_ =	shalt  }
0x4d: {  	_ =	shalt  }
0x4e: {  	_ =	shalt  }
0x4f: {  	_ =	shalt  }
0x50: {  	_ =	shalt  }
0x51: {  	_ =	shalt  }
0x52: {  	_ =	shalt  }
0x53: {  	_ =	shalt  }
0x54: {  	_ =	shalt  }
0x55: {  	_ =	shalt  }
0x56: {  	_ =	shalt  }
0x57: {  	_ =	shalt  }
0x58: {  	_ =	shalt  }
0x59: {  	_ =	shalt  }
0x5a: {  	_ =	shalt  }
0x5b: {  	_ =	shalt  }
0x5c: {  	_ =	shalt  }
0x5d: {  	_ =	shalt  }
0x5e: {  	_ =	shalt  }
0x5f: {  	_ =	shalt  }
0x60: {  	_ =	shalt  }
0x61: {  	_ =	shalt  }
0x62: {  	_ =	shalt  }
0x63: {  	_ =	shalt  }
0x64: {  	_ =	shalt  }
0x65: {  	_ =	shalt  }
0x66: {  	_ =	shalt  }
0x67: {  	_ =	shalt  }
0x68: {  	_ =	shalt  }
0x69: {  	_ =	shalt  }
0x6a: {  	_ =	shalt  }
0x6b: {  	_ =	shalt  }
0x6c: {  	_ =	shalt  }
0x6d: {  	_ =	shalt  }
0x6e: {  	_ =	shalt  }
0x6f: {  	_ =	shalt  }
0x70: {  	_ =	shalt  }
0x71: {  	_ =	shalt  }
0x72: {  	_ =	shalt  }
0x73: {  	_ =	shalt  }
0x74: {  	_ =	shalt  }
0x75: {  	_ =	shalt  }
0x76: {  	_ =	shalt  }
0x77: {  	_ =	shalt  }
0x78: {  	_ =	shalt  }
0x79: {  	_ =	shalt  }
0x7a: {  	_ =	shalt  }
0x7b: {  	_ =	shalt  }
0x7c: {  	_ =	shalt  }
0x7d: {  	_ =	shalt  }
0x7e: {  	_ =	shalt  }
0x7f: {  	_ =	shalt  }
0x80: {  	_ =	shalt  }
0x81: {  	_ =	shalt  }
0x82: {  	_ =	shalt  }
0x83: {  	_ =	shalt  }
0x84: {  	_ =	shalt  }
0x85: {  	_ =	shalt  }
0x86: {  	_ =	shalt  }
0x87: {  	_ =	shalt  }
.Lfunc_end0:
.L_simem_size_0:
called_computation_lowered:
.L_overlay_start_0:
0x88: {  	s2 =	sld [smem:$0x3FD9]  }
0x89: {  	s3 =	sld [smem:$0x3FFE];
	_ =	sdelay $0x1  }
0x8a: {  	s1 =	srdreg.scid  }
0x8b: {  	s0 =	sand.u32 $0x1, s1  }
0x8c: {  	s17 =	sshll.u32 s0, $0xA;
	s2 =	sadd.s32 s3, s2  }
0x8d: {  	s2 =	sadd.s32 s2, s17  }
0x8e: {  	[smem:$0x3FC4] =	sst s2  }
0x8f: {  	_ = 	snop  }
0x90: {  	s2 =	sld [smem:$0x3FC9]  }
0x91: {  	s18 =	sld [smem:$0x3FC8]  }
0x92: {  	s4 =	sld [smem:$0x3FD0];
	(tm) =	ssettm $0x1  }
0x93: {  	s5 =	sld [smem:$0x3FFB];
	_ =	sdelay $0x3  }
0x94: {  	_ =	strace s5  }
0x95: {  	s5 =	sld [smem:$0x3FFC];
	_ =	sdelay $0x3  }
0x96: {  	_ =	strace s5  }
0x97: {  	s5 =	sld [smem:$0x3FFD];
	_ =	sdelay $0x3  }
0x98: {  	_ =	strace s5  }
0x99: {  	_ =	strace $0x8FFFFFFF  }
0x9a: {  	s19 =	sld [smem:$0x3FDB];
	_ =	sdelay $0x1  }
0x9b: {  	s6 =	simm.s32 $_scs_section_size  }
0x9c: {  	s7 =	simm.s32 $_size__tile_overlayer_lowered;
	s8 =	simm.s32 $_tile_overlayer_lowered  }
0x9d: {  	s22 =	simm.s32 $0x1BFF;
	s21 =	sshll.u32 s8, $0x1;
	s5 =	sadd.s32 s6, s19  }
0x9e: {  	s9 =	simm.s32 $0x0;
	s20 =	sshll.u32 s7, $0x1;
	s7 =	sadd.s32 s21, s5  }
0x9f: {  	[timem:s9], [sflag:s22] =	dma.local [hbm:s7], s20  }
0xa0: {  	_ =	swait.ge [sflag:s22], s20  }
0xa1: {  	s6 =	ssub.s32 $0x0, s20;
	[sflag:s22] =	ssyncset.done $0x0  }
0xa2: {  	[sflag:s22] =	ssyncadd.s32 s6;
	_ =	sdelay $0x1  }
0xa3: {  	s23 =	simm.s32 $0x1B8B  }
0xa4: {  	_ =	swait.ge [sflag:s23], $0x1  }
0xa5: {  	[sflag:s23] =	ssyncset.done $0x0  }
0xa6: {  	s25 =	simm.s32 $0x1B8E;
	s24 =	sld [smem:$0x3FFE];
	[sflag:s23] =	ssyncadd.s32 $0xFFFFFFFF  }
0xa7: {  	s26 =	simm.s32 $execute0_lowered;
	[smem:$0x3FD2] =	sst s25  }
0xa8: {  	s7 =	sshll.u32 s26, $0x1;
	_ =	strace $0x80000046;
	[dreg:$0x1] =	wrdreg $0xFFFFFFFF  }
0xa9: {  	s28 =	simm.s32 $_size_execute0_lowered;
	s5 =	sadd.s32 s5, s7;
	[dreg:$0x0] =	wrdreg $0x0  }
0xaa: {  	s7 =	sshll.u32 s28, $0x1;
	[dreg:$0x2] =	wrdreg s5  }
0xab: {  	[dreg:$0x3] =	wrdreg s7  }
0xac: {  	[dreg:$0x4] =	wrdreg $0xC0  }
0xad: {  	_ =	task [dreg:s9], $0x5FFFF  }
0xae: {  	[dreg:$0x1] =	wrdreg $0xFFFFFFFF  }
0xaf: {  	[dreg:$0x0] =	wrdreg $0x60  }
0xb0: {  	[dreg:$0x2] =	wrdreg s2  }
0xb1: {  	[dreg:$0x3] =	wrdreg s18  }
0xb2: {  	[dreg:$0x4] =	wrdreg s24  }
0xb3: {  	[dreg:$0x5] =	wrdreg s4  }
0xb4: {  	[dreg:$0x6] =	wrdreg $0x9  }
0xb5: {  	_ =	task.clear_ibuf [dreg:s9], $0x7FFFF;
	_ =	strace $0x90000046  }
0xb6: {  	s29 =	simm.s32 $0x9;
	_ =	strace $0x80000048  }
0xb7: {  	_ =	swait.ge [sflag:s29], $0x1  }
0xb8: {  	[sflag:s29] =	ssyncadd.s32 $0xFFFFFFFF  }
0xb9: {  	_ =	strace $0x90000048  }
0xba: {  	_ =	sfence  }
0xbb: {  	s30 =	sld [smem:$0x0];
	_ =	sdelay $0x2  }
0xbc: {  	s31 =	sshll.u32 s1, $0xD;
	s1 =	sshrl.u32 s1, $0x2  }
0xbd: {  	s3 =	sand.u32 $0x4000, s31;
	s1 =	sadd.s32 s1, s30  }
0xbe: {  	s0 =	sor.u32 s3, s0;
	s1 =	sshll.u32 s1, $0x11  }
0xbf: {  	s0 =	sor.u32 s1, s0  }
0xc0: {  	s0 =	sadd.s32 $0x8F2B, s0  }
0xc1: {  	[sflag:s0] =	ssyncadd.remote.s32 $0x1  }
0xc2: {  	_ =	sfence.sel $0xFFFF  }
0xc3: {  	[dreg:$0x0] =	wrdreg $0xFFFFFFFF;
	(pc) =	sbr.abs _section_cstart, $3  }
0xc4: {  	[dreg:$0x1] =	wrdreg $0xFFFFFFFF  }
0xc5: {  	_ =	task.clear_ibuf [dreg:s9], $0x2FFFF;
	_ =	strace $0x9FFFFFFF  }
0xc6: {  	(tm) =	ssettm $0x7FFFFFFF  }
0xc7: {  	_ =	shalt  }
tec
execute0_lowered:
.L_overlay_start_1:
0x0: {  	(tag) =	ssettag $0x1  }
0x1: {  	s0 =	rddreg [dreg:$0x0]  }
0x2: {  	s1 =	rddreg [dreg:$0x1]  }
0x3: {  	s4 =	rddreg [dreg:$0x2];
	s3 =	srdreg.scid  }
0x4: {  	s2 =	simm.s32 $0x0;
	s7 =	stileid.u32;
	s3 =	sand.u32 $0x1, s3  }
0x5: {  	[smem:$0x7FF] =	sst s2;
	s7 =	sshll.u32 s7, $0x7;
	s8 =	sshll.u32 s3, $0x6  }
0x6: {  	s5 =	rddreg [dreg:$0x3];
	_ =	strace $0x80000047;
	s7 =	sor.u32 s8, s7  }
0x7: {  	s6 =	ssub.s32 $0x2, s3;
	s3 =	sadd.s32 $0x400, s4;
	s0 =	sadd.s32 s0, s7  }
0x8: {  	s9 =	sshrl.u32 s6, $0x1;
	s29 =	sadd.s32 s1, s7;
	[dreg:$0x17] =	wrdreg s0  }
0x9: {  	v0 =	vlaneseq.u32;
	s6 =	ssub.s32 s6, s9;
	s30 =	sadd.s32 s5, s7;
	[dreg:$0x18] =	wrdreg s29  }
0xa: {  	v0 =	vmul.u32 $0x80, v0;
	s4 =	sadd.s32 $0xF42800, s4;
	[dreg:$0x19] =	wrdreg s30;
	s31 =	smax.u32 s6, $0x1  }
0xb: {  	s5 =	simm.s32 $0x2;
	s1 =	simm.s32 $0x0;
	[dreg:$0x1a] =	wrdreg s31  }
.LBB2_1:
0xc: {  	[dreg:$0x1b] =	wrdreg s1  }
0xd: {  	s0 =	rddreg [dreg:$0x17]  }
0xe: {  	[tilespmem:s2], [sflag:$0x2] =	stream.linear.gather [hbm4b:s0+s2], $0x200, $0x38;
	[tilespmem:$0x10600] =	vst v63  }
0xf: {  	_ =	swait.ge [sflag:s5], $0x200  }
0x10: {  	[sflag:s5] =	ssyncset.done $0x0  }
0x11: {  	s24 =	simm.s32 $0x200;
	s25 =	rddreg [dreg:$0x18];
	[sflag:s5] =	ssyncadd.s32 $0xFFFFFE00  }
0x12: {  	[tilespmem:s24], [sflag:$0x2] =	stream.linear.gather [hbm4b:s25+s2], $0x200, $0x38;
	[tilespmem:$0x10600] =	vst v63  }
0x13: {  	_ =	swait.ge [sflag:s5], $0x200  }
0x14: {  	[sflag:s5] =	ssyncset.done $0x0  }
0x15: {  	[sflag:s5] =	ssyncadd.s32 $0xFFFFFE00  }
0x16: {  	v1 =	vld [tilespmem:s2+$0x0]  }
0x17: {  	v3 =	vld [tilespmem:s24+$0x0];
	_ =	sdelay $0x3  }
0x18: {  	v2 =	vshll.u32 v1, $0x4  }
0x19: {  	v1 =	vshll.u32 v3, $0x4;
	(v2sf) =	vpush v2, $0x0  }
0x1a: {  	(v2sf) =	vpush v1, $0x0  }
0x1b: {  	(v2sf) =	vpush v2, $0x1;
	_ =	sdelay $0x1  }
0x1c: {  	(v2sf) =	vpush v1, $0x1;
	_ =	sdelay $0x3  }
0x1d: {  	(v2sf) =	vpush v2, $0x2;
	_ =	sdelay $0x1  }
0x1e: {  	(v2sf) =	vpush v1, $0x2  }
0x1f: {  	s16 =	simm.s32 $0x2000;
	(v2sf) =	vpush v2, $0x3  }
0x20: {  	s15 =	simm.s32 $0x0;
	s6 =	simm.s32 $0x8400;
	s1 =	simm.s32 $0x880  }
0x21: {  	s7 =	simm.s32 $0x400;
	s9 =	simm.s32 $0x600;
	s10 =	simm.s32 $0x580  }
0x22: {  	s29 =	simm.s32 $0x480;
	s13 =	simm.s32 $0x500;
	s18 =	simm.s32 $0x8500  }
0x23: {  	s23 =	simm.s32 $0x8600;
	s0 =	simm.s32 $0x8900;
	s8 =	spop (v2sf);
	(v2sf) =	vpush v1, $0x3  }
0x24: {  	s5 =	simm.s32 $0x680;
	s8 =	sand.u32 $0x1FFFFFF0, s8;
	s11 =	spop (v2sf)  }
0x25: {  	(v2sf) =	vpush v2, $0x4;
	s8 =	sadd.s32 s3, s8;
	s26 =	sand.u32 $0x1FFFFFF0, s11;
	s28 =	spop (v2sf)  }
0x26: {  	(v2sf) =	vpush v1, $0x4;
	[tilespmem:s7], [sflag:$0x1] =	stream.linear.gather [hbm4b:s8+s2], $0x80, $0x38;
	[tilespmem:$0x10600] =	vst v63  }
0x27: {  	s8 =	sadd.s32 s4, s26;
	s11 =	sand.u32 $0x1FFFFFF0, s28;
	s12 =	spop (v2sf)  }
0x28: {  	(v2sf) =	vpush v2, $0x5;
	[tilespmem:s6], [sflag:$0x1] =	stream.linear.gather [hbm4b:s8+s2], $0x80, $0x38;
	[tilespmem:$0x10600] =	vst v63  }
0x29: {  	s7 =	simm.s32 $0x8580;
	s30 =	sadd.s32 s3, s11;
	s31 =	sand.u32 $0x1FFFFFF0, s12;
	(v2sf) =	vpush v1, $0x5  }
0x2a: {  	[tilespmem:s29], [sflag:$0x1] =	stream.linear.gather [hbm4b:s30+s2], $0x80, $0x38;
	[tilespmem:$0x10600] =	vst v63  }
0x2b: {  	s12 =	spop (v2sf);
	s8 =	simm.s32 $0x8480;
	s11 =	sadd.s32 s4, s31;
	(v2sf) =	vpush v2, $0x6  }
0x2c: {  	[tilespmem:s8], [sflag:$0x1] =	stream.linear.gather [hbm4b:s11+s2], $0x80, $0x38;
	[tilespmem:$0x10600] =	vst v63  }
0x2d: {  	s14 =	spop (v2sf);
	s31 =	simm.s32 $0x700;
	s8 =	sand.u32 $0x1FFFFFF0, s12  }
0x2e: {  	s17 =	spop (v2sf);
	s11 =	sand.u32 $0x1FFFFFF0, s14;
	s8 =	sadd.s32 s3, s8  }
0x2f: {  	(v2sf) =	vpush v1, $0x6;
	[tilespmem:s13], [sflag:$0x1] =	stream.linear.gather [hbm4b:s8+s2], $0x80, $0x38;
	[tilespmem:$0x10600] =	vst v63  }
0x30: {  	s20 =	sand.u32 $0x1FFFFFF0, s17;
	s29 =	simm.s32 $0x8680;
	s19 =	sadd.s32 s4, s11  }
0x31: {  	[tilespmem:s18], [sflag:$0x1] =	stream.linear.gather [hbm4b:s19+s2], $0x80, $0x38;
	[tilespmem:$0x10600] =	vst v63  }
0x32: {  	s22 =	sadd.s32 s3, s20;
	s20 =	simm.s32 $0x8700;
	s21 =	spop (v2sf)  }
0x33: {  	(v2sf) =	vpush v2, $0x7;
	[tilespmem:s10], [sflag:$0x1] =	stream.linear.gather [hbm4b:s22+s2], $0x80, $0x38;
	[tilespmem:$0x10600] =	vst v63  }
0x34: {  	s13 =	simm.s32 $0xA80;
	s6 =	sand.u32 $0x1FFFFFF0, s21;
	s24 =	spop (v2sf)  }
0x35: {  	s19 =	simm.s32 $0x8A00;
	(v2sf) =	vpush v1, $0x7;
	s6 =	sadd.s32 s4, s6;
	s25 =	spop (v2sf)  }
0x36: {  	(v2sf) =	vpush v2, $0x8;
	[tilespmem:s7], [sflag:$0x1] =	stream.linear.gather [hbm4b:s6+s2], $0x80, $0x38;
	[tilespmem:$0x10600] =	vst v63  }
0x37: {  	s10 =	sand.u32 $0x1FFFFFF0, s24;
	s28 =	sand.u32 $0x1FFFFFF0, s25;
	s30 =	spop (v2sf)  }
0x38: {  	s26 =	sadd.s32 s3, s10;
	(v2sf) =	vpush v1, $0x8;
	s7 =	sadd.s32 s4, s28;
	s10 =	spop (v2sf)  }
0x39: {  	(v2sf) =	vpush v2, $0x9;
	[tilespmem:s9], [sflag:$0x1] =	stream.linear.gather [hbm4b:s26+s2], $0x80, $0x38;
	[tilespmem:$0x10600] =	vst v63  }
0x3a: {  	s9 =	sand.u32 $0x1FFFFFF0, s30;
	s11 =	spop (v2sf);
	s26 =	simm.s32 $0x8780  }
0x3b: {  	(v2sf) =	vpush v1, $0x9;
	[tilespmem:s23], [sflag:$0x1] =	stream.linear.gather [hbm4b:s7+s2], $0x80, $0x38;
	[tilespmem:$0x10600] =	vst v63  }
0x3c: {  	s8 =	sadd.s32 s3, s9;
	s9 =	sand.u32 $0x1FFFFFF0, s10;
	s14 =	sand.u32 $0x1FFFFFF0, s11;
	(v2sf) =	vpush v2, $0xA  }
0x3d: {  	[tilespmem:s5], [sflag:$0x1] =	stream.linear.gather [hbm4b:s8+s2], $0x80, $0x38;
	[tilespmem:$0x10600] =	vst v63  }
0x3e: {  	s10 =	simm.s32 $0x8A80;
	s17 =	spop (v2sf);
	s12 =	sadd.s32 s4, s9;
	(v2sf) =	vpush v1, $0xA  }
0x3f: {  	[tilespmem:s29], [sflag:$0x1] =	stream.linear.gather [hbm4b:s12+s2], $0x80, $0x38;
	[tilespmem:$0x10600] =	vst v63  }
0x40: {  	s11 =	simm.s32 $0x8880;
	s18 =	sadd.s32 s3, s14;
	s6 =	sand.u32 $0x1FFFFFF0, s17  }
0x41: {  	[tilespmem:s31], [sflag:$0x1] =	stream.linear.gather [hbm4b:s18+s2], $0x80, $0x38;
	[tilespmem:$0x10600] =	vst v63  }
0x42: {  	s23 =	simm.s32 $0x780;
	s6 =	sadd.s32 s4, s6;
	s21 =	spop (v2sf)  }
0x43: {  	[tilespmem:s20], [sflag:$0x1] =	stream.linear.gather [hbm4b:s6+s2], $0x80, $0x38;
	[tilespmem:$0x10600] =	vst v63  }
0x44: {  	s14 =	simm.s32 $0x900;
	(v2sf) =	vpush v2, $0xB;
	s8 =	sand.u32 $0x1FFFFFF0, s21;
	s22 =	spop (v2sf)  }
0x45: {  	s5 =	simm.s32 $0x8980;
	s24 =	sadd.s32 s3, s8;
	s28 =	spop (v2sf)  }
0x46: {  	(v2sf) =	vpush v1, $0xB;
	[tilespmem:s23], [sflag:$0x1] =	stream.linear.gather [hbm4b:s24+s2], $0x80, $0x38;
	[tilespmem:$0x10600] =	vst v63  }
0x47: {  	s29 =	simm.s32 $0x800;
	s25 =	sand.u32 $0x1FFFFFF0, s22;
	s30 =	spop (v2sf)  }
0x48: {  	s8 =	sadd.s32 s4, s25;
	s7 =	sand.u32 $0x1FFFFFF0, s28;
	s31 =	spop (v2sf)  }
0x49: {  	(v2sf) =	vpush v2, $0xC;
	[tilespmem:s26], [sflag:$0x1] =	stream.linear.gather [hbm4b:s8+s2], $0x80, $0x38;
	[tilespmem:$0x10600] =	vst v63  }
0x4a: {  	s7 =	sadd.s32 s3, s7;
	s8 =	sand.u32 $0x1FFFFFF0, s30;
	s12 =	spop (v2sf)  }
0x4b: {  	(v2sf) =	vpush v1, $0xC;
	s9 =	sand.u32 $0x1FFFFFF0, s31;
	s26 =	simm.s32 $0x980;
	s17 =	spop (v2sf)  }
0x4c: {  	[tilespmem:s29], [sflag:$0x1] =	stream.linear.gather [hbm4b:s7+s2], $0x80, $0x38;
	[tilespmem:$0x10600] =	vst v63  }
0x4d: {  	s8 =	sadd.s32 s4, s8;
	s7 =	simm.s32 $0x8800;
	s18 =	spop (v2sf)  }
0x4e: {  	[tilespmem:s7], [sflag:$0x1] =	stream.linear.gather [hbm4b:s8+s2], $0x80, $0x38;
	[tilespmem:$0x10600] =	vst v63  }
0x4f: {  	s21 =	sand.u32 $0x1FFFFFF0, s18;
	s8 =	sadd.s32 s3, s9;
	s7 =	sand.u32 $0x1FFFFFF0, s12  }
0x50: {  	[tilespmem:s1], [sflag:$0x1] =	stream.linear.gather [hbm4b:s8+s2], $0x80, $0x38;
	[tilespmem:$0x10600] =	vst v63  }
0x51: {  	s23 =	sadd.s32 s4, s21;
	s7 =	sadd.s32 s4, s7;
	s8 =	sand.u32 $0x1FFFFFF0, s17  }
0x52: {  	[tilespmem:s11], [sflag:$0x1] =	stream.linear.gather [hbm4b:s7+s2], $0x80, $0x38;
	[tilespmem:$0x10600] =	vst v63  }
0x53: {  	s21 =	simm.s32 $0x210;
	s20 =	sadd.s32 s3, s8;
	s22 =	spop (v2sf)  }
0x54: {  	[tilespmem:s14], [sflag:$0x1] =	stream.linear.gather [hbm4b:s20+s2], $0x80, $0x38;
	[tilespmem:$0x10600] =	vst v63  }
0x55: {  	s20 =	simm.s32 $0x10;
	s24 =	sand.u32 $0x1FFFFFF0, s22;
	s25 =	spop (v2sf)  }
0x56: {  	(v2sf) =	vpush v2, $0xD;
	[tilespmem:s0], [sflag:$0x1] =	stream.linear.gather [hbm4b:s23+s2], $0x80, $0x38;
	[tilespmem:$0x10600] =	vst v63  }
0x57: {  	(v2sf) =	vpush v1, $0xD;
	s22 =	simm.s32 $0x8B00;
	s28 =	sadd.s32 s3, s24;
	s29 =	sand.u32 $0x1FFFFFF0, s25  }
0x58: {  	s24 =	simm.s32 $0xA00;
	(v2sf) =	vpush v2, $0xE;
	s23 =	simm.s32 $0xB00;
	s31 =	spop (v2sf)  }
0x59: {  	(v2sf) =	vpush v1, $0xE;
	[tilespmem:s26], [sflag:$0x1] =	stream.linear.gather [hbm4b:s28+s2], $0x80, $0x38;
	[tilespmem:$0x10600] =	vst v63  }
0x5a: {  	s30 =	sadd.s32 s4, s29;
	(v2sf) =	vpush v2, $0xF;
	s0 =	sand.u32 $0x1FFFFFF0, s31;
	s1 =	spop (v2sf)  }
0x5b: {  	(v2sf) =	vpush v1, $0xF;
	[tilespmem:s5], [sflag:$0x1] =	stream.linear.gather [hbm4b:s30+s2], $0x80, $0x38;
	[tilespmem:$0x10600] =	vst v63  }
.LBB2_2:
0x5c: {  	_ =	sdelay $0x4  }
0x5d: {  	s0 =	sadd.s32 s3, s0;
	s1 =	sand.u32 $0x1FFFFFF0, s1  }
0x5e: {  	[tilespmem:s24], [sflag:$0x1] =	stream.linear.gather [hbm4b:s0+s2], $0x80, $0x38;
	[tilespmem:$0x10600] =	vst v63  }
0x5f: {  	s25 =	sadd.s32 s4, s1  }
0x60: {  	[tilespmem:s19], [sflag:$0x1] =	stream.linear.gather [hbm4b:s25+s2], $0x80, $0x38;
	[tilespmem:$0x10600] =	vst v63  }
0x61: {  	s5 =	spop (v2sf)  }
0x62: {  	s26 =	sand.u32 $0x1FFFFFF0, s5;
	s28 =	spop (v2sf)  }
0x63: {  	s29 =	sadd.s32 s3, s26;
	s30 =	sand.u32 $0x1FFFFFF0, s28;
	s31 =	spop (v2sf)  }
0x64: {  	[tilespmem:s13], [sflag:$0x1] =	stream.linear.gather [hbm4b:s29+s2], $0x80, $0x38;
	[tilespmem:$0x10600] =	vst v63  }
0x65: {  	s1 =	sadd.s32 s4, s30;
	s5 =	sand.u32 $0x1FFFFFF0, s31;
	s6 =	spop (v2sf)  }
0x66: {  	[tilespmem:s10], [sflag:$0x1] =	stream.linear.gather [hbm4b:s1+s2], $0x80, $0x38;
	[tilespmem:$0x10600] =	vst v63  }
0x67: {  	s7 =	sadd.s32 s3, s5;
	s8 =	sand.u32 $0x1FFFFFF0, s6;
	s9 =	spop (v2sf)  }
0x68: {  	[tilespmem:s23], [sflag:$0x1] =	stream.linear.gather [hbm4b:s7+s2], $0x80, $0x38;
	[tilespmem:$0x10600] =	vst v63  }
0x69: {  	s10 =	sadd.s32 s4, s8;
	s11 =	sand.u32 $0x1FFFFFF0, s9;
	s12 =	spop (v2sf)  }
0x6a: {  	[tilespmem:s22], [sflag:$0x1] =	stream.linear.gather [hbm4b:s10+s2], $0x80, $0x38;
	[tilespmem:$0x10600] =	vst v63  }
0x6b: {  	s13 =	sadd.s32 $0xB80, s15;
	s1 =	sadd.s32 s3, s11;
	s5 =	sand.u32 $0x1FFFFFF0, s12  }
0x6c: {  	[tilespmem:s13], [sflag:$0x1] =	stream.linear.gather [hbm4b:s1+s2], $0x80, $0x38;
	[tilespmem:$0x10600] =	vst v63  }
0x6d: {  	s14 =	sadd.s32 $0x8B80, s15;
	s15 =	sadd.s32 s4, s5  }
0x6e: {  	[tilespmem:s14], [sflag:$0x1] =	stream.linear.gather [hbm4b:s15+s2], $0x80, $0x38;
	[tilespmem:$0x10600] =	vst v63  }
0x6f: {  	v1 =	vld [tilespmem:s20+$0x0]  }
0x70: {  	v3 =	vld [tilespmem:s21+$0x0];
	_ =	sdelay $0x3  }
0x71: {  	v2 =	vshll.u32 v1, $0x4  }
0x72: {  	s17 =	smov.u32 s16;
	v1 =	vshll.u32 v3, $0x4;
	(v2sf) =	vpush v2, $0x0  }
0x73: {  	s15 =	sshra.s32 s17, $0x2;
	(v2sf) =	vpush v1, $0x0  }
0x74: {  	p0 =	sne.s32 s16, $0x1E000;
	s16 =	sadd.s32 $0x2000, s16;
	s25 =	sadd.s32 $0x8400, s15;
	(v2sf) =	vpush v2, $0x1  }
0x75: {  	s0 =	sadd.s32 $0x680, s15;
	s18 =	sadd.s32 $0x880, s15;
	s29 =	sadd.s32 $0x400, s15  }
0x76: {  	s10 =	sadd.s32 $0x600, s15;
	s19 =	sadd.s32 $0x8900, s15;
	s26 =	sadd.s32 $0x580, s15;
	(v2sf) =	vpush v1, $0x1  }
0x77: {  	s11 =	sadd.s32 $0x8580, s15;
	s17 =	sadd.s32 $0x500, s15;
	s14 =	sadd.s32 $0x8600, s15  }
0x78: {  	s13 =	sadd.s32 $0xA80, s15;
	s28 =	sadd.s32 $0x8480, s15;
	s12 =	sadd.s32 $0x8500, s15;
	(v2sf) =	vpush v2, $0x2  }
0x79: {  	s9 =	sadd.s32 $0x8680, s15;
	s8 =	sadd.s32 $0x700, s15;
	[dreg:$0x15] =	wrdreg s0  }
0x7a: {  	s22 =	sadd.s32 $0x8980, s15;
	s1 =	sadd.s32 $0x8A80, s15;
	[dreg:$0x9] =	wrdreg s18;
	(v2sf) =	vpush v1, $0x2  }
0x7b: {  	s7 =	sadd.s32 $0x8700, s15;
	s23 =	sadd.s32 $0x8880, s15;
	[dreg:$0x5] =	wrdreg s19  }
0x7c: {  	s24 =	sadd.s32 $0x900, s15;
	s6 =	sadd.s32 $0x780, s15;
	[dreg:$0x7] =	wrdreg s22;
	(v2sf) =	vpush v2, $0x3  }
0x7d: {  	s30 =	sadd.s32 $0x8800, s15;
	s5 =	sadd.s32 $0x8780, s15;
	[dreg:$0xd] =	wrdreg s23  }
0x7e: {  	s31 =	sadd.s32 $0x800, s15;
	s20 =	sadd.s32 $0x10, s20;
	[dreg:$0xb] =	wrdreg s24;
	(v2sf) =	vpush v1, $0x3  }
0x7f: {  	s21 =	sadd.s32 $0x10, s21;
	s19 =	sadd.s32 $0x8A00, s15;
	[dreg:$0x11] =	wrdreg s30  }
0x80: {  	s24 =	sadd.s32 $0xA00, s15;
	s30 =	sadd.s32 $0x480, s15;
	[dreg:$0x13] =	wrdreg s31;
	(v2sf) =	vpush v2, $0x4  }
0x81: {  	s23 =	sadd.s32 $0xB00, s15;
	s18 =	sadd.s32 $0x980, s15;
	s31 =	spop (v2sf)  }
0x82: {  	[dreg:$0xf] =	wrdreg s18;
	s31 =	sand.u32 $0x1FFFFFF0, s31;
	s18 =	spop (v2sf);
	(v2sf) =	vpush v1, $0x4  }
0x83: {  	s31 =	sadd.s32 s3, s31;
	s18 =	sand.u32 $0x1FFFFFF0, s18;
	s0 =	spop (v2sf)  }
0x84: {  	(v2sf) =	vpush v2, $0x5;
	[tilespmem:s29], [sflag:$0x1] =	stream.linear.gather [hbm4b:s31+s2], $0x80, $0x38;
	[tilespmem:$0x10600] =	vst v63  }
0x85: {  	s18 =	sadd.s32 s4, s18;
	s0 =	sand.u32 $0x1FFFFFF0, s0;
	s31 =	spop (v2sf);
	(v2sf) =	vpush v1, $0x5  }
0x86: {  	[tilespmem:s25], [sflag:$0x1] =	stream.linear.gather [hbm4b:s18+s2], $0x80, $0x38;
	[tilespmem:$0x10600] =	vst v63  }
0x87: {  	s0 =	sadd.s32 s3, s0;
	s29 =	sand.u32 $0x1FFFFFF0, s31;
	s31 =	spop (v2sf);
	(v2sf) =	vpush v2, $0x6  }
0x88: {  	[tilespmem:s30], [sflag:$0x1] =	stream.linear.gather [hbm4b:s0+s2], $0x80, $0x38;
	[tilespmem:$0x10600] =	vst v63  }
0x89: {  	s29 =	sadd.s32 s4, s29;
	s30 =	sand.u32 $0x1FFFFFF0, s31;
	s31 =	spop (v2sf);
	(v2sf) =	vpush v1, $0x6  }
0x8a: {  	[tilespmem:s28], [sflag:$0x1] =	stream.linear.gather [hbm4b:s29+s2], $0x80, $0x38;
	[tilespmem:$0x10600] =	vst v63  }
0x8b: {  	s18 =	sadd.s32 s3, s30;
	s25 =	sand.u32 $0x1FFFFFF0, s31;
	s28 =	spop (v2sf)  }
0x8c: {  	(v2sf) =	vpush v2, $0x7;
	[tilespmem:s17], [sflag:$0x1] =	stream.linear.gather [hbm4b:s18+s2], $0x80, $0x38;
	[tilespmem:$0x10600] =	vst v63  }
0x8d: {  	s29 =	sadd.s32 s4, s25;
	s30 =	sand.u32 $0x1FFFFFF0, s28;
	s31 =	spop (v2sf)  }
0x8e: {  	(v2sf) =	vpush v1, $0x7;
	[tilespmem:s12], [sflag:$0x1] =	stream.linear.gather [hbm4b:s29+s2], $0x80, $0x38;
	[tilespmem:$0x10600] =	vst v63  }
0x8f: {  	s17 =	sand.u32 $0x1FFFFFF0, s31;
	s18 =	spop (v2sf);
	s12 =	sadd.s32 s3, s30  }
0x90: {  	(v2sf) =	vpush v2, $0x8;
	[tilespmem:s26], [sflag:$0x1] =	stream.linear.gather [hbm4b:s12+s2], $0x80, $0x38;
	[tilespmem:$0x10600] =	vst v63  }
0x91: {  	s25 =	sadd.s32 s4, s17;
	s26 =	sand.u32 $0x1FFFFFF0, s18;
	s28 =	spop (v2sf)  }
0x92: {  	[tilespmem:s11], [sflag:$0x1] =	stream.linear.gather [hbm4b:s25+s2], $0x80, $0x38;
	[tilespmem:$0x10600] =	vst v63  }
0x93: {  	s22 =	sadd.s32 $0x8B00, s15;
	s29 =	sadd.s32 s3, s26;
	s31 =	spop (v2sf)  }
0x94: {  	(v2sf) =	vpush v1, $0x8;
	s30 =	sand.u32 $0x1FFFFFF0, s28;
	s28 =	rddreg [dreg:$0x15];
	s17 =	spop (v2sf)  }
0x95: {  	[tilespmem:s10], [sflag:$0x1] =	stream.linear.gather [hbm4b:s29+s2], $0x80, $0x38;
	[tilespmem:$0x10600] =	vst v63  }
0x96: {  	(v2sf) =	vpush v2, $0x9;
	s11 =	sadd.s32 s4, s30;
	s12 =	sand.u32 $0x1FFFFFF0, s31;
	s26 =	spop (v2sf)  }
0x97: {  	(v2sf) =	vpush v1, $0x9;
	[tilespmem:s14], [sflag:$0x1] =	stream.linear.gather [hbm4b:s11+s2], $0x80, $0x38;
	[tilespmem:$0x10600] =	vst v63  }
0x98: {  	s18 =	sadd.s32 s3, s12;
	s25 =	sand.u32 $0x1FFFFFF0, s17;
	s31 =	spop (v2sf)  }
0x99: {  	[tilespmem:s28], [sflag:$0x1] =	stream.linear.gather [hbm4b:s18+s2], $0x80, $0x38;
	[tilespmem:$0x10600] =	vst v63  }
0x9a: {  	s29 =	sadd.s32 s4, s25;
	s30 =	sand.u32 $0x1FFFFFF0, s26;
	s12 =	sand.u32 $0x1FFFFFF0, s31  }
0x9b: {  	(v2sf) =	vpush v2, $0xA;
	s10 =	sadd.s32 s3, s30;
	s14 =	spop (v2sf);
	s17 =	sadd.s32 s4, s12  }
0x9c: {  	[tilespmem:s9], [sflag:$0x1] =	stream.linear.gather [hbm4b:s29+s2], $0x80, $0x38;
	[tilespmem:$0x10600] =	vst v63  }
0x9d: {  	(v2sf) =	vpush v1, $0xA;
	s18 =	sand.u32 $0x1FFFFFF0, s14;
	s25 =	spop (v2sf);
	s14 =	rddreg [dreg:$0x11]  }
0x9e: {  	[tilespmem:s8], [sflag:$0x1] =	stream.linear.gather [hbm4b:s10+s2], $0x80, $0x38;
	[tilespmem:$0x10600] =	vst v63  }
0x9f: {  	(v2sf) =	vpush v2, $0xB;
	s26 =	sadd.s32 s3, s18;
	s28 =	sand.u32 $0x1FFFFFF0, s25;
	s29 =	spop (v2sf)  }
0xa0: {  	[tilespmem:s7], [sflag:$0x1] =	stream.linear.gather [hbm4b:s17+s2], $0x80, $0x38;
	[tilespmem:$0x10600] =	vst v63  }
0xa1: {  	s10 =	smov.u32 s1;
	s30 =	sadd.s32 s4, s28;
	s8 =	rddreg [dreg:$0x13]  }
0xa2: {  	[tilespmem:s6], [sflag:$0x1] =	stream.linear.gather [hbm4b:s26+s2], $0x80, $0x38;
	[tilespmem:$0x10600] =	vst v63  }
0xa3: {  	(v2sf) =	vpush v1, $0xB;
	s31 =	sand.u32 $0x1FFFFFF0, s29;
	s1 =	spop (v2sf);
	s26 =	rddreg [dreg:$0x9]  }
0xa4: {  	(v2sf) =	vpush v2, $0xC;
	[tilespmem:s5], [sflag:$0x1] =	stream.linear.gather [hbm4b:s30+s2], $0x80, $0x38;
	[tilespmem:$0x10600] =	vst v63  }
0xa5: {  	s6 =	sand.u32 $0x1FFFFFF0, s1;
	s7 =	spop (v2sf);
	s5 =	sadd.s32 s3, s31  }
0xa6: {  	(v2sf) =	vpush v1, $0xC;
	s9 =	sadd.s32 s4, s6;
	s11 =	sand.u32 $0x1FFFFFF0, s7;
	s12 =	spop (v2sf)  }
0xa7: {  	[tilespmem:s8], [sflag:$0x1] =	stream.linear.gather [hbm4b:s5+s2], $0x80, $0x38;
	[tilespmem:$0x10600] =	vst v63  }
0xa8: {  	s31 =	rddreg [dreg:$0xd];
	s17 =	sadd.s32 s3, s11;
	s18 =	sand.u32 $0x1FFFFFF0, s12  }
0xa9: {  	[tilespmem:s14], [sflag:$0x1] =	stream.linear.gather [hbm4b:s9+s2], $0x80, $0x38;
	[tilespmem:$0x10600] =	vst v63  }
0xaa: {  	s25 =	spop (v2sf);
	s11 =	rddreg [dreg:$0xb];
	s28 =	sadd.s32 s4, s18  }
0xab: {  	[tilespmem:s26], [sflag:$0x1] =	stream.linear.gather [hbm4b:s17+s2], $0x80, $0x38;
	[tilespmem:$0x10600] =	vst v63  }
0xac: {  	s29 =	sand.u32 $0x1FFFFFF0, s25;
	s18 =	rddreg [dreg:$0x5];
	s30 =	spop (v2sf)  }
0xad: {  	[tilespmem:s31], [sflag:$0x1] =	stream.linear.gather [hbm4b:s28+s2], $0x80, $0x38;
	[tilespmem:$0x10600] =	vst v63  }
0xae: {  	s7 =	sadd.s32 s3, s29;
	s8 =	sand.u32 $0x1FFFFFF0, s30;
	s9 =	spop (v2sf)  }
0xaf: {  	[tilespmem:s11], [sflag:$0x1] =	stream.linear.gather [hbm4b:s7+s2], $0x80, $0x38;
	[tilespmem:$0x10600] =	vst v63  }
0xb0: {  	s29 =	rddreg [dreg:$0xf];
	s12 =	sadd.s32 s4, s8;
	s14 =	sand.u32 $0x1FFFFFF0, s9  }
0xb1: {  	(v2sf) =	vpush v2, $0xD;
	[tilespmem:s18], [sflag:$0x1] =	stream.linear.gather [hbm4b:s12+s2], $0x80, $0x38;
	[tilespmem:$0x10600] =	vst v63  }
.Ltmp0:
0xb2: {  	(v2sf) =	vpush v1, $0xD;
	s17 =	spop (v2sf);
	s25 =	sadd.s32 s3, s14;
	(pc) =	sbr.rel @p0 .LBB2_2-.Ltmp0, $4  }
0xb3: {  	(v2sf) =	vpush v2, $0xE;
	s26 =	sand.u32 $0x1FFFFFF0, s17;
	s28 =	spop (v2sf);
	s31 =	rddreg [dreg:$0x7]  }
0xb4: {  	(v2sf) =	vpush v1, $0xE;
	[tilespmem:s29], [sflag:$0x1] =	stream.linear.gather [hbm4b:s25+s2], $0x80, $0x38;
	[tilespmem:$0x10600] =	vst v63  }
0xb5: {  	(v2sf) =	vpush v2, $0xF;
	s30 =	sadd.s32 s4, s26;
	s0 =	sand.u32 $0x1FFFFFF0, s28;
	s1 =	spop (v2sf)  }
0xb6: {  	(v2sf) =	vpush v1, $0xF;
	[tilespmem:s31], [sflag:$0x1] =	stream.linear.gather [hbm4b:s30+s2], $0x80, $0x38;
	[tilespmem:$0x10600] =	vst v63  }
0xb7: {  	_ =	sdelay $0x4  }
0xb8: {  	s0 =	sadd.s32 s3, s0;
	s1 =	sand.u32 $0x1FFFFFF0, s1  }
0xb9: {  	[tilespmem:s24], [sflag:$0x1] =	stream.linear.gather [hbm4b:s0+s2], $0x80, $0x38;
	[tilespmem:$0x10600] =	vst v63  }
0xba: {  	s6 =	sadd.s32 s4, s1  }
0xbb: {  	[tilespmem:s19], [sflag:$0x1] =	stream.linear.gather [hbm4b:s6+s2], $0x80, $0x38;
	[tilespmem:$0x10600] =	vst v63  }
0xbc: {  	s5 =	spop (v2sf)  }
0xbd: {  	s25 =	sadd.s32 $0x8B80, s15;
	s7 =	sand.u32 $0x1FFFFFF0, s5;
	s8 =	spop (v2sf)  }
0xbe: {  	s9 =	sadd.s32 s3, s7;
	s11 =	sand.u32 $0x1FFFFFF0, s8;
	s12 =	spop (v2sf)  }
0xbf: {  	[tilespmem:s13], [sflag:$0x1] =	stream.linear.gather [hbm4b:s9+s2], $0x80, $0x38;
	[tilespmem:$0x10600] =	vst v63  }
0xc0: {  	s13 =	sadd.s32 s4, s11;
	s14 =	sand.u32 $0x1FFFFFF0, s12;
	s16 =	spop (v2sf)  }
0xc1: {  	[tilespmem:s10], [sflag:$0x1] =	stream.linear.gather [hbm4b:s13+s2], $0x80, $0x38;
	[tilespmem:$0x10600] =	vst v63  }
0xc2: {  	s17 =	sadd.s32 s3, s14;
	s18 =	sand.u32 $0x1FFFFFF0, s16;
	s19 =	spop (v2sf)  }
0xc3: {  	[tilespmem:s23], [sflag:$0x1] =	stream.linear.gather [hbm4b:s17+s2], $0x80, $0x38;
	[tilespmem:$0x10600] =	vst v63  }
0xc4: {  	s20 =	sadd.s32 s4, s18;
	s21 =	sand.u32 $0x1FFFFFF0, s19;
	s23 =	spop (v2sf)  }
0xc5: {  	[tilespmem:s22], [sflag:$0x1] =	stream.linear.gather [hbm4b:s20+s2], $0x80, $0x38;
	[tilespmem:$0x10600] =	vst v63  }
0xc6: {  	s24 =	sadd.s32 $0xB80, s15;
	s1 =	sadd.s32 s3, s21;
	s5 =	sand.u32 $0x1FFFFFF0, s23  }
0xc7: {  	[tilespmem:s24], [sflag:$0x1] =	stream.linear.gather [hbm4b:s1+s2], $0x80, $0x38;
	[tilespmem:$0x10600] =	vst v63  }
0xc8: {  	s28 =	simm.s32 $0x0;
	s29 =	simm.s32 $0x1;
	s26 =	sadd.s32 s4, s5  }
0xc9: {  	v1 =	vmov s28;
	[tilespmem:s25], [sflag:$0x1] =	stream.linear.gather [hbm4b:s26+s2], $0x80, $0x38;
	[tilespmem:$0x10600] =	vst v63  }
0xca: {  	v1 =	vshll.u32 v1, $0x7;
	_ =	swait.ge [sflag:s29], $0x8000  }
0xcb: {  	v1 =	vor.u32 v0, v1;
	[sflag:s29] =	ssyncset.done $0x0  }
0xcc: {  	[sflag:s29] =	ssyncadd.s32 $0xFFFF8000  }
0xcd: {  	v2 =	vor.u32 $0x1, v1;
	_ =	swait.ge [sflag:s29], $0x8000  }
0xce: {  	[sflag:s29] =	ssyncset.done $0x0  }
0xcf: {  	v3 =	vor.u32 $0x2, v1;
	s5 =	simm.s32 $0x8400;
	[sflag:s29] =	ssyncadd.s32 $0xFFFF8000  }
0xd0: {  	s1 =	simm.s32 $0x400;
	v4 =	vld.idx.msk [tilespmem:v1+s5+$0x0], $0xffff  }
0xd1: {  	v6 =	vor.u32 $0x3, v1;
	v5 =	vld.idx.msk [tilespmem:v1+s1+$0x0], $0xffff  }
0xd2: {  	v7 =	vld.idx.msk [tilespmem:v2+s1+$0x0], $0xffff  }
0xd3: {  	v8 =	vor.u32 $0x4, v1;
	v2 =	vld.idx.msk [tilespmem:v2+s5+$0x0], $0xffff  }
0xd4: {  	v9 =	vld.idx.msk [tilespmem:v3+s1+$0x0], $0xffff  }
0xd5: {  	v10 =	vor.u32 $0x5, v1;
	v3 =	vld.idx.msk [tilespmem:v3+s5+$0x0], $0xffff  }
0xd6: {  	v11 =	vld.idx.msk [tilespmem:v6+s1+$0x0], $0xffff;
	v4 =	vmul.f32 v4, v5  }
0xd7: {  	v5 =	vld.idx.msk [tilespmem:v6+s5+$0x0], $0xffff;
	v6 =	vor.u32 $0x6, v1  }
0xd8: {  	v12 =	vld.idx.msk [tilespmem:v8+s1+$0x0], $0xffff;
	v2 =	vmul.f32 v2, v7;
	v4 =	vadd.f32 $0.0e+00, v4  }
0xd9: {  	v29 =	vor.u32 $0x7, v1;
	v7 =	vld.idx.msk [tilespmem:v8+s5+$0x0], $0xffff  }
0xda: {  	v13 =	vld.idx.msk [tilespmem:v10+s1+$0x0], $0xffff;
	v3 =	vmul.f32 v3, v9;
	v2 =	vadd.f32 v2, v4  }
0xdb: {  	v30 =	vor.u32 $0x8, v1;
	v4 =	vld.idx.msk [tilespmem:v10+s5+$0x0], $0xffff  }
0xdc: {  	v31 =	vld.idx.msk [tilespmem:v6+s1+$0x0], $0xffff;
	v2 =	vadd.f32 v3, v2;
	v3 =	vmul.f32 v5, v11  }
0xdd: {  	v5 =	vld.idx.msk [tilespmem:v6+s5+$0x0], $0xffff;
	v6 =	vor.u32 $0x9, v1  }
0xde: {  	v32 =	vld.idx.msk [tilespmem:v29+s1+$0x0], $0xffff;
	v2 =	vadd.f32 v3, v2;
	v3 =	vmul.f32 v7, v12  }
0xdf: {  	v33 =	vor.u32 $0xA, v1;
	v7 =	vld.idx.msk [tilespmem:v29+s5+$0x0], $0xffff  }
0xe0: {  	v34 =	vld.idx.msk [tilespmem:v30+s1+$0x0], $0xffff;
	v2 =	vadd.f32 v3, v2;
	v3 =	vmul.f32 v4, v13  }
0xe1: {  	v35 =	vor.u32 $0xB, v1;
	v4 =	vld.idx.msk [tilespmem:v30+s5+$0x0], $0xffff  }
0xe2: {  	v36 =	vld.idx.msk [tilespmem:v6+s1+$0x0], $0xffff;
	v2 =	vadd.f32 v3, v2;
	v3 =	vmul.f32 v5, v31  }
0xe3: {  	v5 =	vld.idx.msk [tilespmem:v6+s5+$0x0], $0xffff;
	v6 =	vor.u32 $0xC, v1  }
0xe4: {  	v37 =	vld.idx.msk [tilespmem:v33+s1+$0x0], $0xffff;
	v2 =	vadd.f32 v3, v2;
	v3 =	vmul.f32 v7, v32  }
0xe5: {  	v38 =	vor.u32 $0xD, v1;
	v7 =	vld.idx.msk [tilespmem:v33+s5+$0x0], $0xffff  }
0xe6: {  	v39 =	vld.idx.msk [tilespmem:v35+s1+$0x0], $0xffff;
	v2 =	vadd.f32 v3, v2;
	v3 =	vmul.f32 v4, v34  }
0xe7: {  	v40 =	vor.u32 $0xE, v1;
	v4 =	vld.idx.msk [tilespmem:v35+s5+$0x0], $0xffff  }
0xe8: {  	v41 =	vld.idx.msk [tilespmem:v6+s1+$0x0], $0xffff;
	v2 =	vadd.f32 v3, v2;
	v3 =	vmul.f32 v5, v36  }
0xe9: {  	v1 =	vor.u32 $0xF, v1;
	v5 =	vld.idx.msk [tilespmem:v6+s5+$0x0], $0xffff  }
0xea: {  	v6 =	vld.idx.msk [tilespmem:v38+s1+$0x0], $0xffff;
	v2 =	vadd.f32 v3, v2;
	v3 =	vmul.f32 v7, v37  }
0xeb: {  	v7 =	vld.idx.msk [tilespmem:v38+s5+$0x0], $0xffff  }
0xec: {  	v42 =	vld.idx.msk [tilespmem:v40+s1+$0x0], $0xffff;
	v2 =	vadd.f32 v3, v2;
	v3 =	vmul.f32 v4, v39  }
0xed: {  	v4 =	vld.idx.msk [tilespmem:v40+s5+$0x0], $0xffff  }
0xee: {  	v43 =	vld.idx.msk [tilespmem:v1+s1+$0x0], $0xffff;
	v2 =	vadd.f32 v3, v2;
	v3 =	vmul.f32 v5, v41  }
0xef: {  	v1 =	vld.idx.msk [tilespmem:v1+s5+$0x0], $0xffff  }
0xf0: {  	v2 =	vadd.f32 v3, v2;
	v3 =	vmul.f32 v7, v6  }
0xf1: {  	s30 =	simm.s32 $0x10  }
0xf2: {  	v5 =	vmov s30;
	v2 =	vadd.f32 v3, v2;
	v3 =	vmul.f32 v4, v42  }
0xf3: {  	v4 =	vshll.u32 v5, $0x7  }
0xf4: {  	v1 =	vmul.f32 v1, v43;
	v4 =	vor.u32 v0, v4;
	v2 =	vadd.f32 v3, v2;
	_ =	sdelay $0x1  }
0xf5: {  	v3 =	vor.u32 $0x1, v4;
	v1 =	vadd.f32 v1, v2  }
0xf6: {  	s15 =	simm.s32 $0x10400  }
0xf7: {  	v2 =	vor.u32 $0x2, v4;
	[tilespmem:s15+$0x0] =	vst v1  }
0xf8: {  	v1 =	vld.idx.msk [tilespmem:v4+s5+$0x0], $0xffff  }
0xf9: {  	v6 =	vor.u32 $0x3, v4;
	v5 =	vld.idx.msk [tilespmem:v4+s1+$0x0], $0xffff  }
0xfa: {  	v7 =	vld.idx.msk [tilespmem:v3+s1+$0x0], $0xffff  }
0xfb: {  	v44 =	vor.u32 $0x4, v4;
	v3 =	vld.idx.msk [tilespmem:v3+s5+$0x0], $0xffff  }
0xfc: {  	v45 =	vld.idx.msk [tilespmem:v2+s1+$0x0], $0xffff  }
0xfd: {  	v46 =	vor.u32 $0x5, v4;
	v2 =	vld.idx.msk [tilespmem:v2+s5+$0x0], $0xffff  }
0xfe: {  	v47 =	vld.idx.msk [tilespmem:v6+s1+$0x0], $0xffff;
	v1 =	vmul.f32 v1, v5  }
0xff: {  	v5 =	vld.idx.msk [tilespmem:v6+s5+$0x0], $0xffff;
	v6 =	vor.u32 $0x6, v4  }
0x100: {  	v48 =	vld.idx.msk [tilespmem:v44+s1+$0x0], $0xffff;
	v3 =	vmul.f32 v3, v7;
	v1 =	vadd.f32 $0.0e+00, v1  }
0x101: {  	v49 =	vor.u32 $0x7, v4;
	v7 =	vld.idx.msk [tilespmem:v44+s5+$0x0], $0xffff  }
0x102: {  	v50 =	vld.idx.msk [tilespmem:v46+s1+$0x0], $0xffff;
	v2 =	vmul.f32 v2, v45;
	v1 =	vadd.f32 v3, v1  }
0x103: {  	v51 =	vor.u32 $0x8, v4;
	v3 =	vld.idx.msk [tilespmem:v46+s5+$0x0], $0xffff  }
0x104: {  	v52 =	vld.idx.msk [tilespmem:v6+s1+$0x0], $0xffff;
	v1 =	vadd.f32 v2, v1;
	v2 =	vmul.f32 v5, v47  }
0x105: {  	v5 =	vld.idx.msk [tilespmem:v6+s5+$0x0], $0xffff;
	v6 =	vor.u32 $0x9, v4  }
0x106: {  	v53 =	vld.idx.msk [tilespmem:v49+s1+$0x0], $0xffff;
	v1 =	vadd.f32 v2, v1;
	v2 =	vmul.f32 v7, v48  }
0x107: {  	v54 =	vor.u32 $0xA, v4;
	v7 =	vld.idx.msk [tilespmem:v49+s5+$0x0], $0xffff  }
0x108: {  	v55 =	vld.idx.msk [tilespmem:v51+s1+$0x0], $0xffff;
	v1 =	vadd.f32 v2, v1;
	v2 =	vmul.f32 v3, v50  }
0x109: {  	v56 =	vor.u32 $0xB, v4;
	v3 =	vld.idx.msk [tilespmem:v51+s5+$0x0], $0xffff  }
0x10a: {  	v57 =	vld.idx.msk [tilespmem:v6+s1+$0x0], $0xffff;
	v1 =	vadd.f32 v2, v1;
	v2 =	vmul.f32 v5, v52  }
0x10b: {  	v5 =	vld.idx.msk [tilespmem:v6+s5+$0x0], $0xffff;
	v6 =	vor.u32 $0xC, v4  }
0x10c: {  	v58 =	vld.idx.msk [tilespmem:v54+s1+$0x0], $0xffff;
	v1 =	vadd.f32 v2, v1;
	v2 =	vmul.f32 v7, v53  }
0x10d: {  	v7 =	vld.idx.msk [tilespmem:v54+s5+$0x0], $0xffff  }
0x10e: {  	v60 =	vld.idx.msk [tilespmem:v56+s1+$0x0], $0xffff;
	v1 =	vadd.f32 v2, v1;
	v2 =	vmul.f32 v3, v55  }
0x10f: {  	v59 =	vor.u32 $0xD, v4;
	v3 =	vld.idx.msk [tilespmem:v56+s5+$0x0], $0xffff  }
0x110: {  	v62 =	vld.idx.msk [tilespmem:v6+s1+$0x0], $0xffff;
	v1 =	vadd.f32 v2, v1;
	v2 =	vmul.f32 v5, v57  }
0x111: {  	v61 =	vor.u32 $0xE, v4;
	v5 =	vld.idx.msk [tilespmem:v6+s5+$0x0], $0xffff  }
0x112: {  	v1 =	vadd.f32 v2, v1;
	v2 =	vmul.f32 v7, v58  }
0x113: {  	v4 =	vor.u32 $0xF, v4  }
0x114: {  	v6 =	vld.idx.msk [tilespmem:v59+s1+$0x0], $0xffff;
	v1 =	vadd.f32 v2, v1;
	v2 =	vmul.f32 v3, v60  }
0x115: {  	v7 =	vld.idx.msk [tilespmem:v59+s5+$0x0], $0xffff  }
0x116: {  	v63 =	vld.idx.msk [tilespmem:v61+s1+$0x0], $0xffff;
	v1 =	vadd.f32 v2, v1;
	v2 =	vmul.f32 v5, v62  }
0x117: {  	v9 =	vld.idx.msk [tilespmem:v61+s5+$0x0], $0xffff  }
0x118: {  	v3 =	vadd.f32 v2, v1;
	v1 =	vld.idx.msk [tilespmem:v4+s1+$0x0], $0xffff  }
0x119: {  	v2 =	vld.idx.msk [tilespmem:v4+s5+$0x0], $0xffff  }
0x11a: {  	v5 =	vmul.f32 v7, v6  }
0x11b: {  	s31 =	simm.s32 $0x20  }
0x11c: {  	v6 =	vmov s31;
	v4 =	vmul.f32 v9, v63;
	v3 =	vadd.f32 v5, v3  }
0x11d: {  	s0 =	simm.s32 $0x30;
	v5 =	vshll.u32 v6, $0x7  }
.LBB2_4:
0x11e: {  	p0 =	sne.s32 s0, $0xF0;
	v5 =	vor.u32 v0, v5;
	v3 =	vadd.f32 v4, v3;
	v1 =	vmul.f32 v2, v1;
	_ =	sdelay $0x1  }
0x11f: {  	v2 =	vor.u32 $0x1, v5;
	v1 =	vadd.f32 v1, v3  }
0x120: {  	s15 =	sadd.s32 $0x10, s15  }
0x121: {  	v3 =	vor.u32 $0x2, v5;
	[tilespmem:s15+$0x0] =	vst v1  }
0x122: {  	v1 =	vld.idx.msk [tilespmem:v5+s5+$0x0], $0xffff  }
0x123: {  	v6 =	vor.u32 $0x3, v5;
	v4 =	vld.idx.msk [tilespmem:v5+s1+$0x0], $0xffff  }
0x124: {  	v7 =	vld.idx.msk [tilespmem:v2+s1+$0x0], $0xffff  }
0x125: {  	v8 =	vor.u32 $0x4, v5;
	v2 =	vld.idx.msk [tilespmem:v2+s5+$0x0], $0xffff  }
0x126: {  	v9 =	vld.idx.msk [tilespmem:v3+s1+$0x0], $0xffff  }
0x127: {  	v10 =	vor.u32 $0x5, v5;
	v3 =	vld.idx.msk [tilespmem:v3+s5+$0x0], $0xffff  }
0x128: {  	v11 =	vld.idx.msk [tilespmem:v6+s1+$0x0], $0xffff  }
0x129: {  	v1 =	vmul.f32 v1, v4;
	v4 =	vld.idx.msk [tilespmem:v6+s5+$0x0], $0xffff;
	v6 =	vor.u32 $0x6, v5  }
0x12a: {  	v12 =	vld.idx.msk [tilespmem:v8+s1+$0x0], $0xffff  }
0x12b: {  	v1 =	vadd.f32 $0.0e+00, v1;
	v2 =	vmul.f32 v2, v7;
	v7 =	vld.idx.msk [tilespmem:v8+s5+$0x0], $0xffff;
	v8 =	vor.u32 $0x7, v5  }
0x12c: {  	v13 =	vld.idx.msk [tilespmem:v10+s1+$0x0], $0xffff  }
0x12d: {  	v1 =	vadd.f32 v2, v1;
	v2 =	vmul.f32 v3, v9;
	v9 =	vor.u32 $0x8, v5;
	v3 =	vld.idx.msk [tilespmem:v10+s5+$0x0], $0xffff  }
0x12e: {  	v10 =	vld.idx.msk [tilespmem:v6+s1+$0x0], $0xffff  }
0x12f: {  	v1 =	vadd.f32 v2, v1;
	v2 =	vmul.f32 v4, v11;
	v4 =	vld.idx.msk [tilespmem:v6+s5+$0x0], $0xffff;
	v6 =	vor.u32 $0x9, v5  }
0x130: {  	v11 =	vld.idx.msk [tilespmem:v8+s1+$0x0], $0xffff  }
0x131: {  	v1 =	vadd.f32 v2, v1;
	v2 =	vmul.f32 v7, v12;
	v7 =	vld.idx.msk [tilespmem:v8+s5+$0x0], $0xffff;
	v8 =	vor.u32 $0xA, v5  }
0x132: {  	v12 =	vld.idx.msk [tilespmem:v9+s1+$0x0], $0xffff  }
0x133: {  	v1 =	vadd.f32 v2, v1;
	v2 =	vmul.f32 v3, v13;
	v3 =	vld.idx.msk [tilespmem:v9+s5+$0x0], $0xffff;
	v9 =	vor.u32 $0xB, v5  }
0x134: {  	v13 =	vld.idx.msk [tilespmem:v6+s1+$0x0], $0xffff  }
0x135: {  	v1 =	vadd.f32 v2, v1;
	v2 =	vmul.f32 v4, v10;
	v4 =	vld.idx.msk [tilespmem:v6+s5+$0x0], $0xffff;
	v6 =	vor.u32 $0xC, v5  }
0x136: {  	v10 =	vld.idx.msk [tilespmem:v8+s1+$0x0], $0xffff  }
0x137: {  	v1 =	vadd.f32 v2, v1;
	v2 =	vmul.f32 v7, v11;
	v7 =	vld.idx.msk [tilespmem:v8+s5+$0x0], $0xffff;
	v8 =	vor.u32 $0xD, v5  }
0x138: {  	v11 =	vld.idx.msk [tilespmem:v9+s1+$0x0], $0xffff  }
0x139: {  	v1 =	vadd.f32 v2, v1;
	v2 =	vmul.f32 v3, v12;
	v3 =	vld.idx.msk [tilespmem:v9+s5+$0x0], $0xffff;
	v9 =	vor.u32 $0xE, v5  }
0x13a: {  	v12 =	vld.idx.msk [tilespmem:v6+s1+$0x0], $0xffff  }
0x13b: {  	v5 =	vor.u32 $0xF, v5;
	v1 =	vadd.f32 v2, v1;
	v2 =	vmul.f32 v4, v13;
	v4 =	vld.idx.msk [tilespmem:v6+s5+$0x0], $0xffff  }
0x13c: {  	v6 =	vld.idx.msk [tilespmem:v8+s1+$0x0], $0xffff  }
0x13d: {  	v1 =	vadd.f32 v2, v1;
	v2 =	vmul.f32 v7, v10;
	v7 =	vld.idx.msk [tilespmem:v8+s5+$0x0], $0xffff  }
0x13e: {  	v8 =	vld.idx.msk [tilespmem:v9+s1+$0x0], $0xffff  }
0x13f: {  	v2 =	vadd.f32 v2, v1;
	v3 =	vmul.f32 v3, v11;
	v9 =	vld.idx.msk [tilespmem:v9+s5+$0x0], $0xffff  }
0x140: {  	v1 =	vld.idx.msk [tilespmem:v5+s1+$0x0], $0xffff  }
0x141: {  	v3 =	vadd.f32 v3, v2;
	v4 =	vmul.f32 v4, v12;
	v2 =	vld.idx.msk [tilespmem:v5+s5+$0x0], $0xffff  }
.Ltmp1:
0x142: {  	(pc) =	sbr.rel @p0 .LBB2_4-.Ltmp1, $3  }
0x143: {  	v3 =	vadd.f32 v4, v3;
	v4 =	vmul.f32 v7, v6;
	_ =	sdelay $0x1  }
0x144: {  	v5 =	vmov s0;
	v3 =	vadd.f32 v4, v3;
	v4 =	vmul.f32 v9, v8  }
0x145: {  	s0 =	sadd.s32 $0x10, s0;
	v5 =	vshll.u32 v5, $0x7  }
0x146: {  	v5 =	vor.u32 v0, v5;
	v3 =	vadd.f32 v4, v3;
	v1 =	vmul.f32 v2, v1;
	_ =	sdelay $0x1  }
0x147: {  	v2 =	vor.u32 $0x1, v5;
	v1 =	vadd.f32 v1, v3  }
0x148: {  	s0 =	sadd.s32 $0x10, s15  }
0x149: {  	v3 =	vor.u32 $0x2, v5;
	[tilespmem:s0+$0x0] =	vst v1  }
0x14a: {  	v1 =	vld.idx.msk [tilespmem:v5+s5+$0x0], $0xffff  }
0x14b: {  	v6 =	vor.u32 $0x3, v5;
	v35 =	vld.idx.msk [tilespmem:v5+s1+$0x0], $0xffff  }
0x14c: {  	v7 =	vld.idx.msk [tilespmem:v2+s1+$0x0], $0xffff  }
0x14d: {  	v8 =	vor.u32 $0x4, v5;
	v2 =	vld.idx.msk [tilespmem:v2+s5+$0x0], $0xffff  }
0x14e: {  	v9 =	vld.idx.msk [tilespmem:v3+s1+$0x0], $0xffff  }
0x14f: {  	v10 =	vor.u32 $0x5, v5;
	v3 =	vld.idx.msk [tilespmem:v3+s5+$0x0], $0xffff  }
0x150: {  	v11 =	vld.idx.msk [tilespmem:v6+s1+$0x0], $0xffff;
	v1 =	vmul.f32 v1, v35  }
0x151: {  	v37 =	vor.u32 $0x6, v5;
	v36 =	vld.idx.msk [tilespmem:v6+s5+$0x0], $0xffff  }
0x152: {  	v12 =	vld.idx.msk [tilespmem:v8+s1+$0x0], $0xffff;
	v2 =	vmul.f32 v2, v7;
	v1 =	vadd.f32 $0.0e+00, v1  }
0x153: {  	v39 =	vor.u32 $0x7, v5;
	v38 =	vld.idx.msk [tilespmem:v8+s5+$0x0], $0xffff  }
0x154: {  	v13 =	vld.idx.msk [tilespmem:v10+s1+$0x0], $0xffff;
	v1 =	vadd.f32 v2, v1;
	v2 =	vmul.f32 v3, v9  }
0x155: {  	v40 =	vor.u32 $0x8, v5;
	v3 =	vld.idx.msk [tilespmem:v10+s5+$0x0], $0xffff  }
0x156: {  	v41 =	vld.idx.msk [tilespmem:v37+s1+$0x0], $0xffff;
	v1 =	vadd.f32 v2, v1;
	v2 =	vmul.f32 v36, v11  }
0x157: {  	v43 =	vor.u32 $0x9, v5;
	v42 =	vld.idx.msk [tilespmem:v37+s5+$0x0], $0xffff  }
0x158: {  	v44 =	vld.idx.msk [tilespmem:v39+s1+$0x0], $0xffff;
	v1 =	vadd.f32 v2, v1;
	v2 =	vmul.f32 v38, v12  }
0x159: {  	v46 =	vor.u32 $0xA, v5;
	v45 =	vld.idx.msk [tilespmem:v39+s5+$0x0], $0xffff  }
0x15a: {  	v47 =	vld.idx.msk [tilespmem:v40+s1+$0x0], $0xffff;
	v1 =	vadd.f32 v2, v1;
	v2 =	vmul.f32 v3, v13  }
0x15b: {  	v48 =	vor.u32 $0xB, v5;
	v3 =	vld.idx.msk [tilespmem:v40+s5+$0x0], $0xffff  }
0x15c: {  	v49 =	vld.idx.msk [tilespmem:v43+s1+$0x0], $0xffff;
	v1 =	vadd.f32 v2, v1;
	v2 =	vmul.f32 v42, v41  }
0x15d: {  	v51 =	vor.u32 $0xC, v5;
	v50 =	vld.idx.msk [tilespmem:v43+s5+$0x0], $0xffff  }
0x15e: {  	v52 =	vld.idx.msk [tilespmem:v46+s1+$0x0], $0xffff;
	v1 =	vadd.f32 v2, v1;
	v2 =	vmul.f32 v45, v44  }
0x15f: {  	v54 =	vor.u32 $0xD, v5;
	v53 =	vld.idx.msk [tilespmem:v46+s5+$0x0], $0xffff  }
0x160: {  	v55 =	vld.idx.msk [tilespmem:v48+s1+$0x0], $0xffff;
	v1 =	vadd.f32 v2, v1;
	v2 =	vmul.f32 v3, v47  }
0x161: {  	v56 =	vor.u32 $0xE, v5;
	v3 =	vld.idx.msk [tilespmem:v48+s5+$0x0], $0xffff  }
0x162: {  	v57 =	vld.idx.msk [tilespmem:v51+s1+$0x0], $0xffff;
	v1 =	vadd.f32 v2, v1;
	v2 =	vmul.f32 v50, v49  }
0x163: {  	v5 =	vor.u32 $0xF, v5;
	v58 =	vld.idx.msk [tilespmem:v51+s5+$0x0], $0xffff  }
0x164: {  	v59 =	vld.idx.msk [tilespmem:v54+s1+$0x0], $0xffff;
	v1 =	vadd.f32 v2, v1;
	v2 =	vmul.f32 v53, v52  }
0x165: {  	v60 =	vld.idx.msk [tilespmem:v54+s5+$0x0], $0xffff  }
0x166: {  	v61 =	vld.idx.msk [tilespmem:v56+s1+$0x0], $0xffff;
	v1 =	vadd.f32 v2, v1;
	v2 =	vmul.f32 v3, v55  }
0x167: {  	v3 =	vld.idx.msk [tilespmem:v56+s5+$0x0], $0xffff  }
0x168: {  	v62 =	vld.idx.msk [tilespmem:v5+s1+$0x0], $0xffff;
	v1 =	vadd.f32 v2, v1;
	v2 =	vmul.f32 v58, v57  }
0x169: {  	v63 =	vld.idx.msk [tilespmem:v5+s5+$0x0], $0xffff  }
0x16a: {  	v1 =	vadd.f32 v2, v1;
	v2 =	vmul.f32 v60, v59;
	_ =	sdelay $0x1  }
0x16b: {  	v1 =	vadd.f32 v2, v1;
	v2 =	vmul.f32 v3, v61;
	_ =	sdelay $0x1  }
0x16c: {  	v1 =	vadd.f32 v2, v1;
	v2 =	vmul.f32 v63, v62;
	_ =	sdelay $0x1  }
0x16d: {  	v1 =	vadd.f32 v2, v1  }
0x16e: {  	s0 =	sadd.s32 $0x10, s0  }
0x16f: {  	s24 =	simm.s32 $0x100;
	[tilespmem:s0+$0x0] =	vst v1  }
0x170: {  	s25 =	simm.s32 $0x300;
	v1 =	vld [tilespmem:s24+$0x0]  }
0x171: {  	v3 =	vld [tilespmem:s25+$0x0];
	_ =	sdelay $0x3  }
0x172: {  	v2 =	vshll.u32 v1, $0x4  }
0x173: {  	v1 =	vshll.u32 v3, $0x4;
	(v2sf) =	vpush v2, $0x0  }
0x174: {  	(v2sf) =	vpush v1, $0x0  }
0x175: {  	(v2sf) =	vpush v2, $0x1;
	_ =	sdelay $0x1  }
0x176: {  	(v2sf) =	vpush v1, $0x1;
	_ =	sdelay $0x3  }
0x177: {  	(v2sf) =	vpush v2, $0x2;
	_ =	sdelay $0x1  }
0x178: {  	(v2sf) =	vpush v1, $0x2  }
0x179: {  	s16 =	simm.s32 $0x2000;
	(v2sf) =	vpush v2, $0x3  }
0x17a: {  	s15 =	simm.s32 $0x0;
	s6 =	simm.s32 $0x8400;
	s7 =	simm.s32 $0x400  }
0x17b: {  	s9 =	simm.s32 $0x600;
	s10 =	simm.s32 $0x580;
	s29 =	simm.s32 $0x480  }
0x17c: {  	s13 =	simm.s32 $0x500;
	s18 =	simm.s32 $0x8500;
	s23 =	simm.s32 $0x8600  }
0x17d: {  	s1 =	simm.s32 $0x880;
	s5 =	simm.s32 $0x680;
	s8 =	spop (v2sf);
	(v2sf) =	vpush v1, $0x3  }
0x17e: {  	s0 =	simm.s32 $0x8900;
	s8 =	sand.u32 $0x1FFFFFF0, s8;
	s11 =	spop (v2sf)  }
0x17f: {  	(v2sf) =	vpush v2, $0x4;
	s8 =	sadd.s32 s3, s8;
	s26 =	sand.u32 $0x1FFFFFF0, s11;
	s28 =	spop (v2sf)  }
0x180: {  	(v2sf) =	vpush v1, $0x4;
	[tilespmem:s7], [sflag:$0x1] =	stream.linear.gather [hbm4b:s8+s2], $0x80, $0x38;
	[tilespmem:$0x10600] =	vst v63  }
0x181: {  	s8 =	sadd.s32 s4, s26;
	s11 =	sand.u32 $0x1FFFFFF0, s28;
	s12 =	spop (v2sf)  }
0x182: {  	(v2sf) =	vpush v2, $0x5;
	[tilespmem:s6], [sflag:$0x1] =	stream.linear.gather [hbm4b:s8+s2], $0x80, $0x38;
	[tilespmem:$0x10600] =	vst v63  }
0x183: {  	s7 =	simm.s32 $0x8580;
	s30 =	sadd.s32 s3, s11;
	s31 =	sand.u32 $0x1FFFFFF0, s12;
	(v2sf) =	vpush v1, $0x5  }
0x184: {  	[tilespmem:s29], [sflag:$0x1] =	stream.linear.gather [hbm4b:s30+s2], $0x80, $0x38;
	[tilespmem:$0x10600] =	vst v63  }
0x185: {  	s12 =	spop (v2sf);
	s8 =	simm.s32 $0x8480;
	s11 =	sadd.s32 s4, s31;
	(v2sf) =	vpush v2, $0x6  }
0x186: {  	[tilespmem:s8], [sflag:$0x1] =	stream.linear.gather [hbm4b:s11+s2], $0x80, $0x38;
	[tilespmem:$0x10600] =	vst v63  }
0x187: {  	s14 =	spop (v2sf);
	s31 =	simm.s32 $0x700;
	s8 =	sand.u32 $0x1FFFFFF0, s12  }
0x188: {  	s17 =	spop (v2sf);
	s11 =	sand.u32 $0x1FFFFFF0, s14;
	s8 =	sadd.s32 s3, s8  }
0x189: {  	(v2sf) =	vpush v1, $0x6;
	[tilespmem:s13], [sflag:$0x1] =	stream.linear.gather [hbm4b:s8+s2], $0x80, $0x38;
	[tilespmem:$0x10600] =	vst v63  }
0x18a: {  	s20 =	sand.u32 $0x1FFFFFF0, s17;
	s29 =	simm.s32 $0x8680;
	s19 =	sadd.s32 s4, s11  }
0x18b: {  	[tilespmem:s18], [sflag:$0x1] =	stream.linear.gather [hbm4b:s19+s2], $0x80, $0x38;
	[tilespmem:$0x10600] =	vst v63  }
0x18c: {  	s22 =	sadd.s32 s3, s20;
	s20 =	simm.s32 $0x8700;
	s21 =	spop (v2sf)  }
0x18d: {  	(v2sf) =	vpush v2, $0x7;
	[tilespmem:s10], [sflag:$0x1] =	stream.linear.gather [hbm4b:s22+s2], $0x80, $0x38;
	[tilespmem:$0x10600] =	vst v63  }
0x18e: {  	s13 =	simm.s32 $0xA80;
	s6 =	sand.u32 $0x1FFFFFF0, s21;
	s24 =	spop (v2sf)  }
0x18f: {  	s19 =	simm.s32 $0x8A00;
	(v2sf) =	vpush v1, $0x7;
	s6 =	sadd.s32 s4, s6;
	s25 =	spop (v2sf)  }
0x190: {  	(v2sf) =	vpush v2, $0x8;
	[tilespmem:s7], [sflag:$0x1] =	stream.linear.gather [hbm4b:s6+s2], $0x80, $0x38;
	[tilespmem:$0x10600] =	vst v63  }
0x191: {  	s10 =	sand.u32 $0x1FFFFFF0, s24;
	s28 =	sand.u32 $0x1FFFFFF0, s25;
	s30 =	spop (v2sf)  }
0x192: {  	s26 =	sadd.s32 s3, s10;
	(v2sf) =	vpush v1, $0x8;
	s7 =	sadd.s32 s4, s28;
	s10 =	spop (v2sf)  }
0x193: {  	(v2sf) =	vpush v2, $0x9;
	[tilespmem:s9], [sflag:$0x1] =	stream.linear.gather [hbm4b:s26+s2], $0x80, $0x38;
	[tilespmem:$0x10600] =	vst v63  }
0x194: {  	s9 =	sand.u32 $0x1FFFFFF0, s30;
	s11 =	spop (v2sf);
	s26 =	simm.s32 $0x8780  }
0x195: {  	(v2sf) =	vpush v1, $0x9;
	[tilespmem:s23], [sflag:$0x1] =	stream.linear.gather [hbm4b:s7+s2], $0x80, $0x38;
	[tilespmem:$0x10600] =	vst v63  }
0x196: {  	s8 =	sadd.s32 s3, s9;
	s9 =	sand.u32 $0x1FFFFFF0, s10;
	s14 =	sand.u32 $0x1FFFFFF0, s11;
	(v2sf) =	vpush v2, $0xA  }
0x197: {  	[tilespmem:s5], [sflag:$0x1] =	stream.linear.gather [hbm4b:s8+s2], $0x80, $0x38;
	[tilespmem:$0x10600] =	vst v63  }
0x198: {  	s10 =	simm.s32 $0x8A80;
	s17 =	spop (v2sf);
	s12 =	sadd.s32 s4, s9;
	(v2sf) =	vpush v1, $0xA  }
0x199: {  	[tilespmem:s29], [sflag:$0x1] =	stream.linear.gather [hbm4b:s12+s2], $0x80, $0x38;
	[tilespmem:$0x10600] =	vst v63  }
0x19a: {  	s11 =	simm.s32 $0x8880;
	s18 =	sadd.s32 s3, s14;
	s6 =	sand.u32 $0x1FFFFFF0, s17  }
0x19b: {  	[tilespmem:s31], [sflag:$0x1] =	stream.linear.gather [hbm4b:s18+s2], $0x80, $0x38;
	[tilespmem:$0x10600] =	vst v63  }
0x19c: {  	s23 =	simm.s32 $0x780;
	s6 =	sadd.s32 s4, s6;
	s21 =	spop (v2sf)  }
0x19d: {  	[tilespmem:s20], [sflag:$0x1] =	stream.linear.gather [hbm4b:s6+s2], $0x80, $0x38;
	[tilespmem:$0x10600] =	vst v63  }
0x19e: {  	s14 =	simm.s32 $0x900;
	(v2sf) =	vpush v2, $0xB;
	s8 =	sand.u32 $0x1FFFFFF0, s21;
	s22 =	spop (v2sf)  }
0x19f: {  	s5 =	simm.s32 $0x8980;
	s24 =	sadd.s32 s3, s8;
	s28 =	spop (v2sf)  }
0x1a0: {  	(v2sf) =	vpush v1, $0xB;
	[tilespmem:s23], [sflag:$0x1] =	stream.linear.gather [hbm4b:s24+s2], $0x80, $0x38;
	[tilespmem:$0x10600] =	vst v63  }
0x1a1: {  	s29 =	simm.s32 $0x800;
	s25 =	sand.u32 $0x1FFFFFF0, s22;
	s30 =	spop (v2sf)  }
0x1a2: {  	s8 =	sadd.s32 s4, s25;
	s7 =	sand.u32 $0x1FFFFFF0, s28;
	s31 =	spop (v2sf)  }
0x1a3: {  	(v2sf) =	vpush v2, $0xC;
	[tilespmem:s26], [sflag:$0x1] =	stream.linear.gather [hbm4b:s8+s2], $0x80, $0x38;
	[tilespmem:$0x10600] =	vst v63  }
0x1a4: {  	s7 =	sadd.s32 s3, s7;
	s8 =	sand.u32 $0x1FFFFFF0, s30;
	s12 =	spop (v2sf)  }
0x1a5: {  	(v2sf) =	vpush v1, $0xC;
	s9 =	sand.u32 $0x1FFFFFF0, s31;
	s26 =	simm.s32 $0x980;
	s17 =	spop (v2sf)  }
0x1a6: {  	[tilespmem:s29], [sflag:$0x1] =	stream.linear.gather [hbm4b:s7+s2], $0x80, $0x38;
	[tilespmem:$0x10600] =	vst v63  }
0x1a7: {  	s8 =	sadd.s32 s4, s8;
	s7 =	simm.s32 $0x8800;
	s18 =	spop (v2sf)  }
0x1a8: {  	[tilespmem:s7], [sflag:$0x1] =	stream.linear.gather [hbm4b:s8+s2], $0x80, $0x38;
	[tilespmem:$0x10600] =	vst v63  }
0x1a9: {  	s21 =	sand.u32 $0x1FFFFFF0, s18;
	s8 =	sadd.s32 s3, s9;
	s7 =	sand.u32 $0x1FFFFFF0, s12  }
0x1aa: {  	[tilespmem:s1], [sflag:$0x1] =	stream.linear.gather [hbm4b:s8+s2], $0x80, $0x38;
	[tilespmem:$0x10600] =	vst v63  }
0x1ab: {  	s23 =	sadd.s32 s4, s21;
	s7 =	sadd.s32 s4, s7;
	s8 =	sand.u32 $0x1FFFFFF0, s17  }
0x1ac: {  	[tilespmem:s11], [sflag:$0x1] =	stream.linear.gather [hbm4b:s7+s2], $0x80, $0x38;
	[tilespmem:$0x10600] =	vst v63  }
0x1ad: {  	s21 =	simm.s32 $0x310;
	s20 =	sadd.s32 s3, s8;
	s22 =	spop (v2sf)  }
0x1ae: {  	[tilespmem:s14], [sflag:$0x1] =	stream.linear.gather [hbm4b:s20+s2], $0x80, $0x38;
	[tilespmem:$0x10600] =	vst v63  }
0x1af: {  	s20 =	simm.s32 $0x110;
	s24 =	sand.u32 $0x1FFFFFF0, s22;
	s25 =	spop (v2sf)  }
0x1b0: {  	(v2sf) =	vpush v2, $0xD;
	[tilespmem:s0], [sflag:$0x1] =	stream.linear.gather [hbm4b:s23+s2], $0x80, $0x38;
	[tilespmem:$0x10600] =	vst v63  }
0x1b1: {  	(v2sf) =	vpush v1, $0xD;
	s22 =	simm.s32 $0x8B00;
	s28 =	sadd.s32 s3, s24;
	s29 =	sand.u32 $0x1FFFFFF0, s25  }
0x1b2: {  	s24 =	simm.s32 $0xA00;
	(v2sf) =	vpush v2, $0xE;
	s23 =	simm.s32 $0xB00;
	s31 =	spop (v2sf)  }
0x1b3: {  	(v2sf) =	vpush v1, $0xE;
	[tilespmem:s26], [sflag:$0x1] =	stream.linear.gather [hbm4b:s28+s2], $0x80, $0x38;
	[tilespmem:$0x10600] =	vst v63  }
0x1b4: {  	s30 =	sadd.s32 s4, s29;
	(v2sf) =	vpush v2, $0xF;
	s0 =	sand.u32 $0x1FFFFFF0, s31;
	s1 =	spop (v2sf)  }
0x1b5: {  	(v2sf) =	vpush v1, $0xF;
	[tilespmem:s5], [sflag:$0x1] =	stream.linear.gather [hbm4b:s30+s2], $0x80, $0x38;
	[tilespmem:$0x10600] =	vst v63  }
.LBB2_6:
0x1b6: {  	_ =	sdelay $0x4  }
0x1b7: {  	s0 =	sadd.s32 s3, s0;
	s1 =	sand.u32 $0x1FFFFFF0, s1  }
0x1b8: {  	[tilespmem:s24], [sflag:$0x1] =	stream.linear.gather [hbm4b:s0+s2], $0x80, $0x38;
	[tilespmem:$0x10600] =	vst v63  }
0x1b9: {  	s25 =	sadd.s32 s4, s1  }
0x1ba: {  	[tilespmem:s19], [sflag:$0x1] =	stream.linear.gather [hbm4b:s25+s2], $0x80, $0x38;
	[tilespmem:$0x10600] =	vst v63  }
0x1bb: {  	s5 =	spop (v2sf)  }
0x1bc: {  	s26 =	sand.u32 $0x1FFFFFF0, s5;
	s28 =	spop (v2sf)  }
0x1bd: {  	s29 =	sadd.s32 s3, s26;
	s30 =	sand.u32 $0x1FFFFFF0, s28;
	s31 =	spop (v2sf)  }
0x1be: {  	[tilespmem:s13], [sflag:$0x1] =	stream.linear.gather [hbm4b:s29+s2], $0x80, $0x38;
	[tilespmem:$0x10600] =	vst v63  }
0x1bf: {  	s1 =	sadd.s32 s4, s30;
	s5 =	sand.u32 $0x1FFFFFF0, s31;
	s6 =	spop (v2sf)  }
0x1c0: {  	[tilespmem:s10], [sflag:$0x1] =	stream.linear.gather [hbm4b:s1+s2], $0x80, $0x38;
	[tilespmem:$0x10600] =	vst v63  }
0x1c1: {  	s7 =	sadd.s32 s3, s5;
	s8 =	sand.u32 $0x1FFFFFF0, s6;
	s9 =	spop (v2sf)  }
0x1c2: {  	[tilespmem:s23], [sflag:$0x1] =	stream.linear.gather [hbm4b:s7+s2], $0x80, $0x38;
	[tilespmem:$0x10600] =	vst v63  }
0x1c3: {  	s10 =	sadd.s32 s4, s8;
	s11 =	sand.u32 $0x1FFFFFF0, s9;
	s12 =	spop (v2sf)  }
0x1c4: {  	[tilespmem:s22], [sflag:$0x1] =	stream.linear.gather [hbm4b:s10+s2], $0x80, $0x38;
	[tilespmem:$0x10600] =	vst v63  }
0x1c5: {  	s13 =	sadd.s32 $0xB80, s15;
	s1 =	sadd.s32 s3, s11;
	s5 =	sand.u32 $0x1FFFFFF0, s12  }
0x1c6: {  	[tilespmem:s13], [sflag:$0x1] =	stream.linear.gather [hbm4b:s1+s2], $0x80, $0x38;
	[tilespmem:$0x10600] =	vst v63  }
0x1c7: {  	s14 =	sadd.s32 $0x8B80, s15;
	s15 =	sadd.s32 s4, s5  }
0x1c8: {  	[tilespmem:s14], [sflag:$0x1] =	stream.linear.gather [hbm4b:s15+s2], $0x80, $0x38;
	[tilespmem:$0x10600] =	vst v63  }
0x1c9: {  	v1 =	vld [tilespmem:s20+$0x0]  }
0x1ca: {  	v3 =	vld [tilespmem:s21+$0x0];
	_ =	sdelay $0x3  }
0x1cb: {  	v2 =	vshll.u32 v1, $0x4  }
0x1cc: {  	s17 =	smov.u32 s16;
	v1 =	vshll.u32 v3, $0x4;
	(v2sf) =	vpush v2, $0x0  }
0x1cd: {  	s15 =	sshra.s32 s17, $0x2;
	(v2sf) =	vpush v1, $0x0  }
0x1ce: {  	p0 =	sne.s32 s16, $0x1E000;
	s16 =	sadd.s32 $0x2000, s16;
	s11 =	sadd.s32 $0x8400, s15;
	(v2sf) =	vpush v2, $0x1  }
0x1cf: {  	s0 =	sadd.s32 $0x680, s15;
	s18 =	sadd.s32 $0x880, s15;
	s29 =	sadd.s32 $0x400, s15  }
0x1d0: {  	s10 =	sadd.s32 $0x600, s15;
	s19 =	sadd.s32 $0x8900, s15;
	s26 =	sadd.s32 $0x580, s15;
	(v2sf) =	vpush v1, $0x1  }
0x1d1: {  	s25 =	sadd.s32 $0x8580, s15;
	s17 =	sadd.s32 $0x500, s15;
	s14 =	sadd.s32 $0x8600, s15  }
0x1d2: {  	s13 =	sadd.s32 $0xA80, s15;
	s28 =	sadd.s32 $0x8480, s15;
	s12 =	sadd.s32 $0x8500, s15;
	(v2sf) =	vpush v2, $0x2  }
0x1d3: {  	s9 =	sadd.s32 $0x8680, s15;
	s8 =	sadd.s32 $0x700, s15;
	[dreg:$0x16] =	wrdreg s0  }
0x1d4: {  	s22 =	sadd.s32 $0x8980, s15;
	s1 =	sadd.s32 $0x8A80, s15;
	[dreg:$0xa] =	wrdreg s18;
	(v2sf) =	vpush v1, $0x2  }
0x1d5: {  	s7 =	sadd.s32 $0x8700, s15;
	s23 =	sadd.s32 $0x8880, s15;
	[dreg:$0x6] =	wrdreg s19  }
0x1d6: {  	s24 =	sadd.s32 $0x900, s15;
	s6 =	sadd.s32 $0x780, s15;
	[dreg:$0x8] =	wrdreg s22;
	(v2sf) =	vpush v2, $0x3  }
0x1d7: {  	s30 =	sadd.s32 $0x8800, s15;
	s5 =	sadd.s32 $0x8780, s15;
	[dreg:$0xe] =	wrdreg s23  }
0x1d8: {  	s31 =	sadd.s32 $0x800, s15;
	s20 =	sadd.s32 $0x10, s20;
	[dreg:$0xc] =	wrdreg s24;
	(v2sf) =	vpush v1, $0x3  }
0x1d9: {  	s21 =	sadd.s32 $0x10, s21;
	s19 =	sadd.s32 $0x8A00, s15;
	[dreg:$0x12] =	wrdreg s30  }
0x1da: {  	s24 =	sadd.s32 $0xA00, s15;
	s30 =	sadd.s32 $0x480, s15;
	[dreg:$0x14] =	wrdreg s31;
	(v2sf) =	vpush v2, $0x4  }
0x1db: {  	s23 =	sadd.s32 $0xB00, s15;
	s18 =	sadd.s32 $0x980, s15;
	s31 =	spop (v2sf)  }
0x1dc: {  	[dreg:$0x10] =	wrdreg s18;
	s31 =	sand.u32 $0x1FFFFFF0, s31;
	s18 =	spop (v2sf);
	(v2sf) =	vpush v1, $0x4  }
0x1dd: {  	s31 =	sadd.s32 s3, s31;
	s18 =	sand.u32 $0x1FFFFFF0, s18;
	s0 =	spop (v2sf)  }
0x1de: {  	(v2sf) =	vpush v2, $0x5;
	[tilespmem:s29], [sflag:$0x1] =	stream.linear.gather [hbm4b:s31+s2], $0x80, $0x38;
	[tilespmem:$0x10600] =	vst v63  }
0x1df: {  	s18 =	sadd.s32 s4, s18;
	s0 =	sand.u32 $0x1FFFFFF0, s0;
	s31 =	spop (v2sf);
	(v2sf) =	vpush v1, $0x5  }
0x1e0: {  	[tilespmem:s11], [sflag:$0x1] =	stream.linear.gather [hbm4b:s18+s2], $0x80, $0x38;
	[tilespmem:$0x10600] =	vst v63  }
0x1e1: {  	s0 =	sadd.s32 s3, s0;
	s29 =	sand.u32 $0x1FFFFFF0, s31;
	s31 =	spop (v2sf);
	(v2sf) =	vpush v2, $0x6  }
0x1e2: {  	[tilespmem:s30], [sflag:$0x1] =	stream.linear.gather [hbm4b:s0+s2], $0x80, $0x38;
	[tilespmem:$0x10600] =	vst v63  }
0x1e3: {  	s29 =	sadd.s32 s4, s29;
	s30 =	sand.u32 $0x1FFFFFF0, s31;
	s31 =	spop (v2sf);
	(v2sf) =	vpush v1, $0x6  }
0x1e4: {  	[tilespmem:s28], [sflag:$0x1] =	stream.linear.gather [hbm4b:s29+s2], $0x80, $0x38;
	[tilespmem:$0x10600] =	vst v63  }
0x1e5: {  	s11 =	sadd.s32 s3, s30;
	s18 =	sand.u32 $0x1FFFFFF0, s31;
	s28 =	spop (v2sf)  }
0x1e6: {  	(v2sf) =	vpush v2, $0x7;
	[tilespmem:s17], [sflag:$0x1] =	stream.linear.gather [hbm4b:s11+s2], $0x80, $0x38;
	[tilespmem:$0x10600] =	vst v63  }
0x1e7: {  	s29 =	sadd.s32 s4, s18;
	s30 =	sand.u32 $0x1FFFFFF0, s28;
	s31 =	spop (v2sf)  }
0x1e8: {  	(v2sf) =	vpush v1, $0x7;
	[tilespmem:s12], [sflag:$0x1] =	stream.linear.gather [hbm4b:s29+s2], $0x80, $0x38;
	[tilespmem:$0x10600] =	vst v63  }
0x1e9: {  	s11 =	sadd.s32 s3, s30;
	s17 =	spop (v2sf);
	s12 =	sand.u32 $0x1FFFFFF0, s31  }
0x1ea: {  	(v2sf) =	vpush v2, $0x8;
	[tilespmem:s26], [sflag:$0x1] =	stream.linear.gather [hbm4b:s11+s2], $0x80, $0x38;
	[tilespmem:$0x10600] =	vst v63  }
0x1eb: {  	s18 =	sadd.s32 s4, s12;
	s26 =	sand.u32 $0x1FFFFFF0, s17;
	s28 =	spop (v2sf)  }
0x1ec: {  	[tilespmem:s25], [sflag:$0x1] =	stream.linear.gather [hbm4b:s18+s2], $0x80, $0x38;
	[tilespmem:$0x10600] =	vst v63  }
0x1ed: {  	s22 =	sadd.s32 $0x8B00, s15;
	s29 =	sadd.s32 s3, s26;
	s31 =	spop (v2sf)  }
0x1ee: {  	(v2sf) =	vpush v1, $0x8;
	s30 =	sand.u32 $0x1FFFFFF0, s28;
	s28 =	rddreg [dreg:$0x16];
	s17 =	spop (v2sf)  }
0x1ef: {  	[tilespmem:s10], [sflag:$0x1] =	stream.linear.gather [hbm4b:s29+s2], $0x80, $0x38;
	[tilespmem:$0x10600] =	vst v63  }
0x1f0: {  	(v2sf) =	vpush v2, $0x9;
	s11 =	sadd.s32 s4, s30;
	s12 =	sand.u32 $0x1FFFFFF0, s31;
	s26 =	spop (v2sf)  }
0x1f1: {  	(v2sf) =	vpush v1, $0x9;
	[tilespmem:s14], [sflag:$0x1] =	stream.linear.gather [hbm4b:s11+s2], $0x80, $0x38;
	[tilespmem:$0x10600] =	vst v63  }
0x1f2: {  	s18 =	sadd.s32 s3, s12;
	s25 =	sand.u32 $0x1FFFFFF0, s17;
	s31 =	spop (v2sf)  }
0x1f3: {  	[tilespmem:s28], [sflag:$0x1] =	stream.linear.gather [hbm4b:s18+s2], $0x80, $0x38;
	[tilespmem:$0x10600] =	vst v63  }
0x1f4: {  	s29 =	sadd.s32 s4, s25;
	s30 =	sand.u32 $0x1FFFFFF0, s26;
	s12 =	sand.u32 $0x1FFFFFF0, s31  }
0x1f5: {  	(v2sf) =	vpush v2, $0xA;
	s10 =	sadd.s32 s3, s30;
	s14 =	spop (v2sf);
	s17 =	sadd.s32 s4, s12  }
0x1f6: {  	[tilespmem:s9], [sflag:$0x1] =	stream.linear.gather [hbm4b:s29+s2], $0x80, $0x38;
	[tilespmem:$0x10600] =	vst v63  }
0x1f7: {  	(v2sf) =	vpush v1, $0xA;
	s18 =	sand.u32 $0x1FFFFFF0, s14;
	s25 =	spop (v2sf);
	s14 =	rddreg [dreg:$0x12]  }
0x1f8: {  	[tilespmem:s8], [sflag:$0x1] =	stream.linear.gather [hbm4b:s10+s2], $0x80, $0x38;
	[tilespmem:$0x10600] =	vst v63  }
0x1f9: {  	(v2sf) =	vpush v2, $0xB;
	s26 =	sadd.s32 s3, s18;
	s28 =	sand.u32 $0x1FFFFFF0, s25;
	s29 =	spop (v2sf)  }
0x1fa: {  	[tilespmem:s7], [sflag:$0x1] =	stream.linear.gather [hbm4b:s17+s2], $0x80, $0x38;
	[tilespmem:$0x10600] =	vst v63  }
0x1fb: {  	s10 =	smov.u32 s1;
	s30 =	sadd.s32 s4, s28;
	s8 =	rddreg [dreg:$0x14]  }
0x1fc: {  	[tilespmem:s6], [sflag:$0x1] =	stream.linear.gather [hbm4b:s26+s2], $0x80, $0x38;
	[tilespmem:$0x10600] =	vst v63  }
0x1fd: {  	(v2sf) =	vpush v1, $0xB;
	s31 =	sand.u32 $0x1FFFFFF0, s29;
	s1 =	spop (v2sf);
	s26 =	rddreg [dreg:$0xa]  }
0x1fe: {  	(v2sf) =	vpush v2, $0xC;
	[tilespmem:s5], [sflag:$0x1] =	stream.linear.gather [hbm4b:s30+s2], $0x80, $0x38;
	[tilespmem:$0x10600] =	vst v63  }
0x1ff: {  	s6 =	sand.u32 $0x1FFFFFF0, s1;
	s7 =	spop (v2sf);
	s5 =	sadd.s32 s3, s31  }
0x200: {  	(v2sf) =	vpush v1, $0xC;
	s9 =	sadd.s32 s4, s6;
	s11 =	sand.u32 $0x1FFFFFF0, s7;
	s12 =	spop (v2sf)  }
0x201: {  	[tilespmem:s8], [sflag:$0x1] =	stream.linear.gather [hbm4b:s5+s2], $0x80, $0x38;
	[tilespmem:$0x10600] =	vst v63  }
0x202: {  	s31 =	rddreg [dreg:$0xe];
	s17 =	sadd.s32 s3, s11;
	s18 =	sand.u32 $0x1FFFFFF0, s12  }
0x203: {  	[tilespmem:s14], [sflag:$0x1] =	stream.linear.gather [hbm4b:s9+s2], $0x80, $0x38;
	[tilespmem:$0x10600] =	vst v63  }
0x204: {  	s25 =	spop (v2sf);
	s11 =	rddreg [dreg:$0xc];
	s28 =	sadd.s32 s4, s18  }
0x205: {  	[tilespmem:s26], [sflag:$0x1] =	stream.linear.gather [hbm4b:s17+s2], $0x80, $0x38;
	[tilespmem:$0x10600] =	vst v63  }
0x206: {  	s29 =	sand.u32 $0x1FFFFFF0, s25;
	s18 =	rddreg [dreg:$0x6];
	s30 =	spop (v2sf)  }
0x207: {  	[tilespmem:s31], [sflag:$0x1] =	stream.linear.gather [hbm4b:s28+s2], $0x80, $0x38;
	[tilespmem:$0x10600] =	vst v63  }
0x208: {  	s7 =	sadd.s32 s3, s29;
	s8 =	sand.u32 $0x1FFFFFF0, s30;
	s9 =	spop (v2sf)  }
0x209: {  	[tilespmem:s11], [sflag:$0x1] =	stream.linear.gather [hbm4b:s7+s2], $0x80, $0x38;
	[tilespmem:$0x10600] =	vst v63  }
0x20a: {  	s29 =	rddreg [dreg:$0x10];
	s12 =	sadd.s32 s4, s8;
	s14 =	sand.u32 $0x1FFFFFF0, s9  }
0x20b: {  	(v2sf) =	vpush v2, $0xD;
	[tilespmem:s18], [sflag:$0x1] =	stream.linear.gather [hbm4b:s12+s2], $0x80, $0x38;
	[tilespmem:$0x10600] =	vst v63  }
.Ltmp2:
0x20c: {  	(v2sf) =	vpush v1, $0xD;
	s17 =	spop (v2sf);
	s25 =	sadd.s32 s3, s14;
	(pc) =	sbr.rel @p0 .LBB2_6-.Ltmp2, $4  }
0x20d: {  	(v2sf) =	vpush v2, $0xE;
	s26 =	sand.u32 $0x1FFFFFF0, s17;
	s28 =	spop (v2sf);
	s31 =	rddreg [dreg:$0x8]  }
0x20e: {  	(v2sf) =	vpush v1, $0xE;
	[tilespmem:s29], [sflag:$0x1] =	stream.linear.gather [hbm4b:s25+s2], $0x80, $0x38;
	[tilespmem:$0x10600] =	vst v63  }
0x20f: {  	(v2sf) =	vpush v2, $0xF;
	s30 =	sadd.s32 s4, s26;
	s0 =	sand.u32 $0x1FFFFFF0, s28;
	s1 =	spop (v2sf)  }
0x210: {  	(v2sf) =	vpush v1, $0xF;
	[tilespmem:s31], [sflag:$0x1] =	stream.linear.gather [hbm4b:s30+s2], $0x80, $0x38;
	[tilespmem:$0x10600] =	vst v63  }
0x211: {  	_ =	sdelay $0x4  }
0x212: {  	s0 =	sadd.s32 s3, s0;
	s1 =	sand.u32 $0x1FFFFFF0, s1  }
0x213: {  	[tilespmem:s24], [sflag:$0x1] =	stream.linear.gather [hbm4b:s0+s2], $0x80, $0x38;
	[tilespmem:$0x10600] =	vst v63  }
0x214: {  	s7 =	sadd.s32 s4, s1  }
0x215: {  	[tilespmem:s19], [sflag:$0x1] =	stream.linear.gather [hbm4b:s7+s2], $0x80, $0x38;
	[tilespmem:$0x10600] =	vst v63  }
0x216: {  	s5 =	spop (v2sf)  }
0x217: {  	s28 =	sadd.s32 $0xB80, s15;
	s8 =	sand.u32 $0x1FFFFFF0, s5;
	s9 =	spop (v2sf)  }
0x218: {  	s11 =	sadd.s32 s3, s8;
	s12 =	sand.u32 $0x1FFFFFF0, s9;
	s14 =	spop (v2sf)  }
0x219: {  	[tilespmem:s13], [sflag:$0x1] =	stream.linear.gather [hbm4b:s11+s2], $0x80, $0x38;
	[tilespmem:$0x10600] =	vst v63  }
0x21a: {  	s16 =	sadd.s32 s4, s12;
	s17 =	sand.u32 $0x1FFFFFF0, s14;
	s18 =	spop (v2sf)  }
0x21b: {  	[tilespmem:s10], [sflag:$0x1] =	stream.linear.gather [hbm4b:s16+s2], $0x80, $0x38;
	[tilespmem:$0x10600] =	vst v63  }
0x21c: {  	s19 =	sadd.s32 s3, s17;
	s20 =	sand.u32 $0x1FFFFFF0, s18;
	s21 =	spop (v2sf)  }
0x21d: {  	[tilespmem:s23], [sflag:$0x1] =	stream.linear.gather [hbm4b:s19+s2], $0x80, $0x38;
	[tilespmem:$0x10600] =	vst v63  }
0x21e: {  	s24 =	sadd.s32 s4, s20;
	s25 =	sand.u32 $0x1FFFFFF0, s21;
	s26 =	spop (v2sf)  }
0x21f: {  	[tilespmem:s22], [sflag:$0x1] =	stream.linear.gather [hbm4b:s24+s2], $0x80, $0x38;
	[tilespmem:$0x10600] =	vst v63  }
0x220: {  	s29 =	sadd.s32 $0x8B80, s15;
	s1 =	sadd.s32 s3, s25;
	s5 =	sand.u32 $0x1FFFFFF0, s26  }
0x221: {  	[tilespmem:s28], [sflag:$0x1] =	stream.linear.gather [hbm4b:s1+s2], $0x80, $0x38;
	[tilespmem:$0x10600] =	vst v63  }
0x222: {  	s15 =	simm.s32 $0x0;
	s31 =	simm.s32 $0x1;
	s30 =	sadd.s32 s4, s5  }
0x223: {  	v1 =	vmov s15;
	[tilespmem:s29], [sflag:$0x1] =	stream.linear.gather [hbm4b:s30+s2], $0x80, $0x38;
	[tilespmem:$0x10600] =	vst v63  }
0x224: {  	v1 =	vshll.u32 v1, $0x7;
	_ =	swait.ge [sflag:s31], $0x8000  }
0x225: {  	v1 =	vor.u32 v0, v1;
	[sflag:s31] =	ssyncset.done $0x0  }
0x226: {  	[sflag:s31] =	ssyncadd.s32 $0xFFFF8000  }
0x227: {  	v2 =	vor.u32 $0x1, v1;
	_ =	swait.ge [sflag:s31], $0x8000  }
0x228: {  	[sflag:s31] =	ssyncset.done $0x0  }
0x229: {  	s6 =	simm.s32 $0x8400;
	v3 =	vor.u32 $0x2, v1;
	[sflag:s31] =	ssyncadd.s32 $0xFFFF8000  }
0x22a: {  	s5 =	simm.s32 $0x400;
	v4 =	vld.idx.msk [tilespmem:v1+s6+$0x0], $0xffff  }
0x22b: {  	v6 =	vor.u32 $0x3, v1;
	v5 =	vld.idx.msk [tilespmem:v1+s5+$0x0], $0xffff  }
0x22c: {  	v7 =	vld.idx.msk [tilespmem:v2+s5+$0x0], $0xffff  }
0x22d: {  	v8 =	vor.u32 $0x4, v1;
	v2 =	vld.idx.msk [tilespmem:v2+s6+$0x0], $0xffff  }
0x22e: {  	v9 =	vld.idx.msk [tilespmem:v3+s5+$0x0], $0xffff  }
0x22f: {  	v10 =	vor.u32 $0x5, v1;
	v3 =	vld.idx.msk [tilespmem:v3+s6+$0x0], $0xffff  }
0x230: {  	v11 =	vld.idx.msk [tilespmem:v6+s5+$0x0], $0xffff;
	v4 =	vmul.f32 v4, v5  }
0x231: {  	v5 =	vld.idx.msk [tilespmem:v6+s6+$0x0], $0xffff;
	v6 =	vor.u32 $0x6, v1  }
0x232: {  	v12 =	vld.idx.msk [tilespmem:v8+s5+$0x0], $0xffff;
	v2 =	vmul.f32 v2, v7;
	v4 =	vadd.f32 $0.0e+00, v4  }
0x233: {  	v49 =	vor.u32 $0x7, v1;
	v7 =	vld.idx.msk [tilespmem:v8+s6+$0x0], $0xffff  }
0x234: {  	v13 =	vld.idx.msk [tilespmem:v10+s5+$0x0], $0xffff;
	v3 =	vmul.f32 v3, v9;
	v2 =	vadd.f32 v2, v4  }
0x235: {  	v50 =	vor.u32 $0x8, v1;
	v4 =	vld.idx.msk [tilespmem:v10+s6+$0x0], $0xffff  }
0x236: {  	v51 =	vld.idx.msk [tilespmem:v6+s5+$0x0], $0xffff;
	v2 =	vadd.f32 v3, v2;
	v3 =	vmul.f32 v5, v11  }
0x237: {  	v5 =	vld.idx.msk [tilespmem:v6+s6+$0x0], $0xffff;
	v6 =	vor.u32 $0x9, v1  }
0x238: {  	v52 =	vld.idx.msk [tilespmem:v49+s5+$0x0], $0xffff;
	v2 =	vadd.f32 v3, v2;
	v3 =	vmul.f32 v7, v12  }
0x239: {  	v53 =	vor.u32 $0xA, v1;
	v7 =	vld.idx.msk [tilespmem:v49+s6+$0x0], $0xffff  }
0x23a: {  	v54 =	vld.idx.msk [tilespmem:v50+s5+$0x0], $0xffff;
	v2 =	vadd.f32 v3, v2;
	v3 =	vmul.f32 v4, v13  }
0x23b: {  	v55 =	vor.u32 $0xB, v1;
	v4 =	vld.idx.msk [tilespmem:v50+s6+$0x0], $0xffff  }
0x23c: {  	v56 =	vld.idx.msk [tilespmem:v6+s5+$0x0], $0xffff;
	v2 =	vadd.f32 v3, v2;
	v3 =	vmul.f32 v5, v51  }
0x23d: {  	v5 =	vld.idx.msk [tilespmem:v6+s6+$0x0], $0xffff;
	v6 =	vor.u32 $0xC, v1  }
0x23e: {  	v57 =	vld.idx.msk [tilespmem:v53+s5+$0x0], $0xffff;
	v2 =	vadd.f32 v3, v2;
	v3 =	vmul.f32 v7, v52  }
0x23f: {  	v7 =	vld.idx.msk [tilespmem:v53+s6+$0x0], $0xffff  }
0x240: {  	v59 =	vld.idx.msk [tilespmem:v55+s5+$0x0], $0xffff;
	v2 =	vadd.f32 v3, v2;
	v3 =	vmul.f32 v4, v54  }
0x241: {  	v58 =	vor.u32 $0xD, v1;
	v4 =	vld.idx.msk [tilespmem:v55+s6+$0x0], $0xffff  }
0x242: {  	v61 =	vld.idx.msk [tilespmem:v6+s5+$0x0], $0xffff;
	v2 =	vadd.f32 v3, v2;
	v3 =	vmul.f32 v5, v56  }
0x243: {  	v60 =	vor.u32 $0xE, v1;
	v5 =	vld.idx.msk [tilespmem:v6+s6+$0x0], $0xffff  }
0x244: {  	v2 =	vadd.f32 v3, v2;
	v3 =	vmul.f32 v7, v57  }
0x245: {  	v62 =	vor.u32 $0xF, v1  }
0x246: {  	v6 =	vld.idx.msk [tilespmem:v58+s5+$0x0], $0xffff;
	v1 =	vadd.f32 v3, v2;
	v2 =	vmul.f32 v4, v59  }
0x247: {  	v7 =	vld.idx.msk [tilespmem:v58+s6+$0x0], $0xffff  }
0x248: {  	v63 =	vld.idx.msk [tilespmem:v60+s5+$0x0], $0xffff;
	v1 =	vadd.f32 v2, v1;
	v2 =	vmul.f32 v5, v61  }
0x249: {  	v4 =	vld.idx.msk [tilespmem:v60+s6+$0x0], $0xffff  }
0x24a: {  	v3 =	vadd.f32 v2, v1;
	v1 =	vld.idx.msk [tilespmem:v62+s5+$0x0], $0xffff  }
0x24b: {  	v2 =	vld.idx.msk [tilespmem:v62+s6+$0x0], $0xffff  }
0x24c: {  	v5 =	vmul.f32 v7, v6  }
0x24d: {  	s16 =	simm.s32 $0x10  }
0x24e: {  	v6 =	vmov s16;
	v4 =	vmul.f32 v4, v63;
	v3 =	vadd.f32 v5, v3  }
0x24f: {  	s0 =	simm.s32 $0x20;
	v5 =	vshll.u32 v6, $0x7  }
.LBB2_8:
0x250: {  	p0 =	sne.s32 s0, $0xF0;
	v5 =	vor.u32 v0, v5;
	v3 =	vadd.f32 v4, v3;
	v1 =	vmul.f32 v2, v1;
	_ =	sdelay $0x1  }
0x251: {  	v2 =	vor.u32 $0x1, v5;
	v1 =	vadd.f32 v1, v3  }
0x252: {  	s1 =	sand.u32 $0xF0, s15;
	s15 =	smov.u32 s16;
	s16 =	smov.u32 s0  }
0x253: {  	v3 =	vor.u32 $0x2, v5;
	[tilespmem:s1+$0x10500] =	vst v1  }
0x254: {  	v1 =	vld.idx.msk [tilespmem:v5+s6+$0x0], $0xffff  }
0x255: {  	v6 =	vor.u32 $0x3, v5;
	v4 =	vld.idx.msk [tilespmem:v5+s5+$0x0], $0xffff  }
0x256: {  	v7 =	vld.idx.msk [tilespmem:v2+s5+$0x0], $0xffff  }
0x257: {  	v8 =	vor.u32 $0x4, v5;
	v2 =	vld.idx.msk [tilespmem:v2+s6+$0x0], $0xffff  }
0x258: {  	v9 =	vld.idx.msk [tilespmem:v3+s5+$0x0], $0xffff  }
0x259: {  	v10 =	vor.u32 $0x5, v5;
	v3 =	vld.idx.msk [tilespmem:v3+s6+$0x0], $0xffff  }
0x25a: {  	v11 =	vld.idx.msk [tilespmem:v6+s5+$0x0], $0xffff  }
0x25b: {  	v1 =	vmul.f32 v1, v4;
	v4 =	vld.idx.msk [tilespmem:v6+s6+$0x0], $0xffff;
	v6 =	vor.u32 $0x6, v5  }
0x25c: {  	v12 =	vld.idx.msk [tilespmem:v8+s5+$0x0], $0xffff  }
0x25d: {  	v1 =	vadd.f32 $0.0e+00, v1;
	v2 =	vmul.f32 v2, v7;
	v7 =	vld.idx.msk [tilespmem:v8+s6+$0x0], $0xffff;
	v8 =	vor.u32 $0x7, v5  }
0x25e: {  	v13 =	vld.idx.msk [tilespmem:v10+s5+$0x0], $0xffff  }
0x25f: {  	v1 =	vadd.f32 v2, v1;
	v2 =	vmul.f32 v3, v9;
	v9 =	vor.u32 $0x8, v5;
	v3 =	vld.idx.msk [tilespmem:v10+s6+$0x0], $0xffff  }
0x260: {  	v10 =	vld.idx.msk [tilespmem:v6+s5+$0x0], $0xffff  }
0x261: {  	v1 =	vadd.f32 v2, v1;
	v2 =	vmul.f32 v4, v11;
	v4 =	vld.idx.msk [tilespmem:v6+s6+$0x0], $0xffff;
	v6 =	vor.u32 $0x9, v5  }
0x262: {  	v11 =	vld.idx.msk [tilespmem:v8+s5+$0x0], $0xffff  }
0x263: {  	v1 =	vadd.f32 v2, v1;
	v2 =	vmul.f32 v7, v12;
	v7 =	vld.idx.msk [tilespmem:v8+s6+$0x0], $0xffff;
	v8 =	vor.u32 $0xA, v5  }
0x264: {  	v12 =	vld.idx.msk [tilespmem:v9+s5+$0x0], $0xffff  }
0x265: {  	v1 =	vadd.f32 v2, v1;
	v2 =	vmul.f32 v3, v13;
	v3 =	vld.idx.msk [tilespmem:v9+s6+$0x0], $0xffff;
	v9 =	vor.u32 $0xB, v5  }
0x266: {  	v13 =	vld.idx.msk [tilespmem:v6+s5+$0x0], $0xffff  }
0x267: {  	v1 =	vadd.f32 v2, v1;
	v2 =	vmul.f32 v4, v10;
	v4 =	vld.idx.msk [tilespmem:v6+s6+$0x0], $0xffff;
	v6 =	vor.u32 $0xC, v5  }
0x268: {  	v10 =	vld.idx.msk [tilespmem:v8+s5+$0x0], $0xffff  }
0x269: {  	v1 =	vadd.f32 v2, v1;
	v2 =	vmul.f32 v7, v11;
	v7 =	vld.idx.msk [tilespmem:v8+s6+$0x0], $0xffff;
	v8 =	vor.u32 $0xD, v5  }
0x26a: {  	v11 =	vld.idx.msk [tilespmem:v9+s5+$0x0], $0xffff  }
0x26b: {  	v1 =	vadd.f32 v2, v1;
	v2 =	vmul.f32 v3, v12;
	v3 =	vld.idx.msk [tilespmem:v9+s6+$0x0], $0xffff;
	v9 =	vor.u32 $0xE, v5  }
0x26c: {  	v12 =	vld.idx.msk [tilespmem:v6+s5+$0x0], $0xffff  }
0x26d: {  	v5 =	vor.u32 $0xF, v5;
	v1 =	vadd.f32 v2, v1;
	v2 =	vmul.f32 v4, v13;
	v4 =	vld.idx.msk [tilespmem:v6+s6+$0x0], $0xffff  }
0x26e: {  	v6 =	vld.idx.msk [tilespmem:v8+s5+$0x0], $0xffff  }
0x26f: {  	v1 =	vadd.f32 v2, v1;
	v2 =	vmul.f32 v7, v10;
	v7 =	vld.idx.msk [tilespmem:v8+s6+$0x0], $0xffff  }
0x270: {  	v8 =	vld.idx.msk [tilespmem:v9+s5+$0x0], $0xffff  }
0x271: {  	v2 =	vadd.f32 v2, v1;
	v3 =	vmul.f32 v3, v11;
	v9 =	vld.idx.msk [tilespmem:v9+s6+$0x0], $0xffff  }
0x272: {  	v1 =	vld.idx.msk [tilespmem:v5+s5+$0x0], $0xffff  }
0x273: {  	v3 =	vadd.f32 v3, v2;
	v4 =	vmul.f32 v4, v12;
	v2 =	vld.idx.msk [tilespmem:v5+s6+$0x0], $0xffff  }
.Ltmp3:
0x274: {  	(pc) =	sbr.rel @p0 .LBB2_8-.Ltmp3, $3  }
0x275: {  	v3 =	vadd.f32 v4, v3;
	v4 =	vmul.f32 v7, v6;
	_ =	sdelay $0x1  }
0x276: {  	v5 =	vmov s0;
	v3 =	vadd.f32 v4, v3;
	v4 =	vmul.f32 v9, v8  }
0x277: {  	s0 =	sadd.s32 $0x10, s0;
	v5 =	vshll.u32 v5, $0x7  }
0x278: {  	v5 =	vor.u32 v0, v5;
	v3 =	vadd.f32 v4, v3;
	v1 =	vmul.f32 v2, v1;
	_ =	sdelay $0x1  }
0x279: {  	v2 =	vor.u32 $0x1, v5;
	v1 =	vadd.f32 v1, v3  }
0x27a: {  	s0 =	sand.u32 $0xF0, s15  }
0x27b: {  	v3 =	vor.u32 $0x2, v5;
	[tilespmem:s0+$0x10500] =	vst v1  }
0x27c: {  	v1 =	vld.idx.msk [tilespmem:v5+s6+$0x0], $0xffff  }
0x27d: {  	v6 =	vor.u32 $0x3, v5;
	v35 =	vld.idx.msk [tilespmem:v5+s5+$0x0], $0xffff  }
0x27e: {  	v7 =	vld.idx.msk [tilespmem:v2+s5+$0x0], $0xffff  }
0x27f: {  	v8 =	vor.u32 $0x4, v5;
	v2 =	vld.idx.msk [tilespmem:v2+s6+$0x0], $0xffff  }
0x280: {  	v9 =	vld.idx.msk [tilespmem:v3+s5+$0x0], $0xffff  }
0x281: {  	v10 =	vor.u32 $0x5, v5;
	v3 =	vld.idx.msk [tilespmem:v3+s6+$0x0], $0xffff  }
0x282: {  	v11 =	vld.idx.msk [tilespmem:v6+s5+$0x0], $0xffff;
	v1 =	vmul.f32 v1, v35  }
0x283: {  	v37 =	vor.u32 $0x6, v5;
	v36 =	vld.idx.msk [tilespmem:v6+s6+$0x0], $0xffff  }
0x284: {  	v12 =	vld.idx.msk [tilespmem:v8+s5+$0x0], $0xffff;
	v2 =	vmul.f32 v2, v7;
	v1 =	vadd.f32 $0.0e+00, v1  }
0x285: {  	v39 =	vor.u32 $0x7, v5;
	v38 =	vld.idx.msk [tilespmem:v8+s6+$0x0], $0xffff  }
0x286: {  	v13 =	vld.idx.msk [tilespmem:v10+s5+$0x0], $0xffff;
	v1 =	vadd.f32 v2, v1;
	v2 =	vmul.f32 v3, v9  }
0x287: {  	v40 =	vor.u32 $0x8, v5;
	v3 =	vld.idx.msk [tilespmem:v10+s6+$0x0], $0xffff  }
0x288: {  	v41 =	vld.idx.msk [tilespmem:v37+s5+$0x0], $0xffff;
	v1 =	vadd.f32 v2, v1;
	v2 =	vmul.f32 v36, v11  }
0x289: {  	v43 =	vor.u32 $0x9, v5;
	v42 =	vld.idx.msk [tilespmem:v37+s6+$0x0], $0xffff  }
0x28a: {  	v44 =	vld.idx.msk [tilespmem:v39+s5+$0x0], $0xffff;
	v1 =	vadd.f32 v2, v1;
	v2 =	vmul.f32 v38, v12  }
0x28b: {  	v46 =	vor.u32 $0xA, v5;
	v45 =	vld.idx.msk [tilespmem:v39+s6+$0x0], $0xffff  }
0x28c: {  	v47 =	vld.idx.msk [tilespmem:v40+s5+$0x0], $0xffff;
	v1 =	vadd.f32 v2, v1;
	v2 =	vmul.f32 v3, v13  }
0x28d: {  	v48 =	vor.u32 $0xB, v5;
	v3 =	vld.idx.msk [tilespmem:v40+s6+$0x0], $0xffff  }
0x28e: {  	v49 =	vld.idx.msk [tilespmem:v43+s5+$0x0], $0xffff;
	v1 =	vadd.f32 v2, v1;
	v2 =	vmul.f32 v42, v41  }
0x28f: {  	v51 =	vor.u32 $0xC, v5;
	v50 =	vld.idx.msk [tilespmem:v43+s6+$0x0], $0xffff  }
0x290: {  	v52 =	vld.idx.msk [tilespmem:v46+s5+$0x0], $0xffff;
	v1 =	vadd.f32 v2, v1;
	v2 =	vmul.f32 v45, v44  }
0x291: {  	v54 =	vor.u32 $0xD, v5;
	v53 =	vld.idx.msk [tilespmem:v46+s6+$0x0], $0xffff  }
0x292: {  	v55 =	vld.idx.msk [tilespmem:v48+s5+$0x0], $0xffff;
	v1 =	vadd.f32 v2, v1;
	v2 =	vmul.f32 v3, v47  }
0x293: {  	v56 =	vor.u32 $0xE, v5;
	v3 =	vld.idx.msk [tilespmem:v48+s6+$0x0], $0xffff  }
0x294: {  	v57 =	vld.idx.msk [tilespmem:v51+s5+$0x0], $0xffff;
	v1 =	vadd.f32 v2, v1;
	v2 =	vmul.f32 v50, v49  }
0x295: {  	v5 =	vor.u32 $0xF, v5;
	v58 =	vld.idx.msk [tilespmem:v51+s6+$0x0], $0xffff  }
0x296: {  	v59 =	vld.idx.msk [tilespmem:v54+s5+$0x0], $0xffff;
	v1 =	vadd.f32 v2, v1;
	v2 =	vmul.f32 v53, v52  }
0x297: {  	v60 =	vld.idx.msk [tilespmem:v54+s6+$0x0], $0xffff  }
0x298: {  	v61 =	vld.idx.msk [tilespmem:v56+s5+$0x0], $0xffff;
	v1 =	vadd.f32 v2, v1;
	v2 =	vmul.f32 v3, v55  }
0x299: {  	v3 =	vld.idx.msk [tilespmem:v56+s6+$0x0], $0xffff  }
0x29a: {  	v62 =	vld.idx.msk [tilespmem:v5+s5+$0x0], $0xffff;
	v1 =	vadd.f32 v2, v1;
	v2 =	vmul.f32 v58, v57  }
0x29b: {  	v63 =	vld.idx.msk [tilespmem:v5+s6+$0x0], $0xffff  }
0x29c: {  	v1 =	vadd.f32 v2, v1;
	v2 =	vmul.f32 v60, v59;
	_ =	sdelay $0x1  }
0x29d: {  	v1 =	vadd.f32 v2, v1;
	v2 =	vmul.f32 v3, v61;
	_ =	sdelay $0x1  }
0x29e: {  	v1 =	vadd.f32 v2, v1;
	v2 =	vmul.f32 v63, v62;
	_ =	sdelay $0x1  }
0x29f: {  	v1 =	vadd.f32 v2, v1  }
0x2a0: {  	s28 =	sand.u32 $0xF0, s16  }
0x2a1: {  	s29 =	rddreg [dreg:$0x19];
	s1 =	simm.s32 $0x10400;
	s5 =	simm.s32 $0x2;
	[tilespmem:s28+$0x10500] =	vst v1  }
0x2a2: {  	[hbm4b:s29+s2] =	stream.linear.scatter [tilespmem:s1], [sflag:$0x2], $0x200, $0x38;
	[tilespmem:$0x10600] =	vst v63  }
0x2a3: {  	_ =	swait.ge [sflag:s5], $0x200  }
0x2a4: {  	s30 =	rddreg [dreg:$0x1b]  }
0x2a5: {  	s31 =	rddreg [dreg:$0x1a];
	s1 =	sadd.s32 $0x1, s30  }
0x2a6: {  	p0 =	sne.s32 s1, s31  }
.Ltmp4:
0x2a7: {  	_ = 	snop;
	(pc) =	sbr.rel @p0 .LBB2_1-.Ltmp4, $3  }
0x2a8: {  	_ =	sdelay $0x1  }
0x2a9: {  	[sflag:s5] =	ssyncset.done $0x0  }
0x2aa: {  	[sflag:s5] =	ssyncadd.s32 $0xFFFFFE00  }
0x2ab: {  	_ =	sfence.sel $0x180000  }
0x2ac: {  	[bflag:$0x0] =	sbarrier.arrive $0xFFFF  }
0x2ad: {  	_ =	strace $0x90000047  }
0x2ae: {  	s0 =	stileid.u32;
	[bflag:$0x2] =	sbarrier.arrive $0xFFFF  }
0x2af: {  	p0 =	sne.s32 s0, $0x0;
	s0 =	rddreg [dreg:$0x4]  }
0x2b0: {  	s0 =	sadd.s32 @!p0 $0x100000, s0  }
0x2b1: {  	[sflag:s0] =	ssyncadd.tile.s32 @!p0 $0x1;
	_ =	shalt  }
.Lfunc_end2:
_tile_overlayer_lowered:
.L_overlay_start_2:
0x2b2: {  	(tag) =	ssettag $0x2  }
0x2b3: {  	s0 =	rddreg [dreg:$0x0];
	s2 =	stileid.u32  }
0x2b4: {  	s1 =	rddreg [dreg:$0x1];
	p0 =	sne.s32 s2, $0x0  }
0x2b5: {  	s3 =	rddreg [dreg:$0x2];
	[bflag:$0x3] =	sbarrier.arrive $0xFFFF;
	s2 =	simm.s32 @!p0 $0x1C02  }
0x2b6: {  	[timem:s3], [sflag:s2] =	dma.local @!p0 [hbm:s0], s1  }
0x2b7: {  	s0 =	simm.s32 @!p0 $0x2  }
0x2b8: {  	_ =	swait.ge @!p0 [sflag:s0], s1  }
0x2b9: {  	s1 =	ssub.s32 @!p0 $0x0, s1;
	[sflag:s0] =	ssyncset.done @!p0 $0x0  }
0x2ba: {  	[sflag:s0] =	ssyncadd.s32 @!p0 s1  }
0x2bb: {  	[bflag:$0x3] =	sbarrier.arrive $0xFFFF  }
0x2bc: {  	_ =	shalt  }

</sc_bundles>
